<compile_context>
chip_gen: v7x
topology: tpu7x:2x2x1
jax: 0.10.2.dev20260603
libtpu: 0.0.44.dev20260713+nightly
codegen_flags: <defaults>
</compile_context>

<pallas_src>
import functools

import jax
import jax.numpy as jnp
from jax import lax
from jax.experimental import pallas as pl
from jax.experimental.pallas import tpu as pltpu
from jax.experimental.pallas import tpu_sc as plsc

N = 10000
E = 320000
D = 128

NC = 2
NS = 16
NW = NC * NS
EPW = E // NW
C = 80
NCH = EPW // C
NPAD = 10240
RPW = NPAD // NS


def _sc_agg_kernel(h_hbm, src_hbm, dst_hbm, zero_hbm, agg_hbm,
                   src_pf, dst_pf, rows_v, agg_sh, gsem, ssem, isem, jsem):
    cid = lax.axis_index("c")
    sid = lax.axis_index("s")
    wid = cid * NS + sid

    r0 = pl.multiple_of(sid * RPW, 8)

    base = wid * EPW

    def src_slice(k):
        return src_hbm.at[pl.ds(pl.multiple_of(base + k * C, 8), C)]

    def dst_slice(k):
        return dst_hbm.at[pl.ds(pl.multiple_of(base + k * C, 8), C)]

    for j in range(4):
        pltpu.async_copy(src_slice(j), src_pf.at[j], isem.at[j])
        pltpu.async_copy(dst_slice(j), dst_pf.at[j], jsem.at[j])
    pltpu.sync_copy(zero_hbm, agg_sh.at[pl.ds(r0, RPW)])
    for j in range(3):
        pltpu.make_async_copy(src_slice(j), src_pf.at[j], isem.at[j]).wait()
        pltpu.async_copy(h_hbm.at[src_pf.at[j]], rows_v.at[j], gsem.at[j])
    plsc.subcore_barrier()

    def body(k, _):
        b4 = lax.rem(k, 4)
        b6 = lax.rem(k, 6)
        pltpu.make_async_copy(
            h_hbm.at[src_pf.at[b6]], rows_v.at[b4], gsem.at[b4]).wait()

        @pl.when(k >= 1)
        def _():
            pltpu.make_async_copy(
                rows_v.at[lax.rem(k + 3, 4)],
                agg_sh.at[dst_pf.at[lax.rem(k + 5, 6)]],
                ssem.at[lax.rem(k + 3, 4)]).wait()

        @pl.when(k + 4 < NCH)
        def _():
            pltpu.async_copy(src_slice(k + 4), src_pf.at[lax.rem(k + 4, 6)],
                             isem.at[lax.rem(k + 4, 6)])
            pltpu.async_copy(dst_slice(k + 4), dst_pf.at[lax.rem(k + 4, 6)],
                             jsem.at[lax.rem(k + 4, 6)])

        @pl.when(k + 3 < NCH)
        def _():
            pltpu.make_async_copy(
                src_slice(k + 3), src_pf.at[lax.rem(k + 3, 6)],
                isem.at[lax.rem(k + 3, 6)]).wait()
            pltpu.async_copy(h_hbm.at[src_pf.at[lax.rem(k + 3, 6)]],
                             rows_v.at[lax.rem(k + 3, 4)],
                             gsem.at[lax.rem(k + 3, 4)])

        pltpu.make_async_copy(
            dst_slice(k), dst_pf.at[b6], jsem.at[b6]).wait()
        pltpu.async_copy(rows_v.at[b4], agg_sh.at[dst_pf.at[b6]],
                         ssem.at[b4], add=True)
        return 0

    lax.fori_loop(0, NCH, body, 0)
    pltpu.make_async_copy(
        rows_v.at[(NCH - 1) % 4], agg_sh.at[dst_pf.at[(NCH - 1) % 6]],
        ssem.at[(NCH - 1) % 4]).wait()

    plsc.subcore_barrier()
    pltpu.sync_copy(agg_sh.at[pl.ds(r0, RPW)], agg_hbm.at[cid, pl.ds(r0, RPW)])


def _sc_agg_deg_kernel(h_hbm, src_hbm, dst_hbm, zero_hbm, ones_hbm,
                       agg_hbm, deg_hbm,
                       src_pf, dst_pf, rows_v, agg_sh, gsem, ssem, isem, jsem):
    cid = lax.axis_index("c")
    sid = lax.axis_index("s")
    wid = cid * NS + sid
    base = wid * EPW
    r0 = pl.multiple_of(sid * RPW, 8)
    _sc_agg_kernel(h_hbm, src_hbm, dst_hbm, zero_hbm, agg_hbm,
                   src_pf, dst_pf, rows_v, agg_sh, gsem, ssem, isem, jsem)

    pltpu.sync_copy(zero_hbm, agg_sh.at[pl.ds(r0, RPW)])
    pltpu.sync_copy(ones_hbm, rows_v.at[0])

    def dst_slice(k):
        return dst_hbm.at[pl.ds(pl.multiple_of(base + k * C, 8), C)]

    for j in range(3):
        pltpu.async_copy(dst_slice(j), dst_pf.at[j], jsem.at[j])
    plsc.subcore_barrier()

    def dbody(k, _):
        b6 = lax.rem(k, 6)

        @pl.when(k >= 3)
        def _():
            pltpu.make_async_copy(
                rows_v.at[0], agg_sh.at[dst_pf.at[lax.rem(k + 3, 6)]],
                ssem.at[lax.rem(k + 1, 4)]).wait()

        @pl.when(k + 3 < NCH)
        def _():
            pltpu.async_copy(dst_slice(k + 3), dst_pf.at[lax.rem(k + 3, 6)],
                             jsem.at[lax.rem(k + 3, 6)])

        pltpu.make_async_copy(
            dst_slice(k), dst_pf.at[b6], jsem.at[b6]).wait()
        pltpu.async_copy(rows_v.at[0], agg_sh.at[dst_pf.at[b6]],
                         ssem.at[lax.rem(k, 4)], add=True)
        return 0

    lax.fori_loop(0, NCH, dbody, 0)
    for j in range(NCH - 3, NCH):
        pltpu.make_async_copy(
            rows_v.at[0], agg_sh.at[dst_pf.at[j % 6]],
            ssem.at[j % 4]).wait()

    plsc.subcore_barrier()
    pltpu.sync_copy(agg_sh.at[pl.ds(r0, RPW)], deg_hbm.at[cid, pl.ds(r0, RPW)])


@functools.cache
def _sc_calls():
    mesh = plsc.VectorSubcoreMesh(core_axis_name="c", subcore_axis_name="s",
                                  num_cores=NC, num_subcores=NS)
    agg = functools.partial(
        pl.kernel,
        out_type=jax.ShapeDtypeStruct((NC, NPAD, D), jnp.float32),
        mesh=mesh,
        scratch_types=[
            pltpu.VMEM((6, C), jnp.int32),
            pltpu.VMEM((6, C), jnp.int32),
            pltpu.VMEM((4, C, D), jnp.float32),
            pltpu.VMEM_SHARED((NPAD, D), jnp.float32),
            pltpu.SemaphoreType.DMA((4,)),
            pltpu.SemaphoreType.DMA((4,)),
            pltpu.SemaphoreType.DMA((6,)),
            pltpu.SemaphoreType.DMA((6,)),
        ],
    )(_sc_agg_kernel)
    agg_deg = functools.partial(
        pl.kernel,
        out_type=(jax.ShapeDtypeStruct((NC, NPAD, D), jnp.float32),
                  jax.ShapeDtypeStruct((NC, NPAD, D), jnp.float32)),
        mesh=mesh,
        scratch_types=[
            pltpu.VMEM((6, C), jnp.int32),
            pltpu.VMEM((6, C), jnp.int32),
            pltpu.VMEM((4, C, D), jnp.float32),
            pltpu.VMEM_SHARED((NPAD, D), jnp.float32),
            pltpu.SemaphoreType.DMA((4,)),
            pltpu.SemaphoreType.DMA((4,)),
            pltpu.SemaphoreType.DMA((6,)),
            pltpu.SemaphoreType.DMA((6,)),
        ],
    )(_sc_agg_deg_kernel)
    return agg, agg_deg


def _prep_body(x_ref, out_ref):
    out_ref[...] = jnp.log(x_ref[...] + 1.0)


def _layer0_body(g_ref, agg_ref, deg_ref, ws_ref, wn_ref, b_ref,
                 out_ref, inv_ref):
    inv = 1.0 / jnp.maximum(deg_ref[0, :N, 0:1] + deg_ref[1, :N, 0:1], 1.0)
    inv_ref[...] = inv
    hn = (agg_ref[0, :N] + agg_ref[1, :N]) * inv
    h = (jnp.dot(g_ref[...], ws_ref[...], preferred_element_type=jnp.float32)
         + jnp.dot(hn, wn_ref[...], preferred_element_type=jnp.float32)
         + b_ref[...])
    h = jnp.maximum(h, 0.0)
    nrm = jnp.sqrt(jnp.sum(h * h, axis=1, keepdims=True))
    out_ref[...] = h / jnp.maximum(nrm, 1e-12)


def _final_body(h_ref, agg_ref, inv_ref, ws_ref, wn_ref, b_ref, fcw_ref,
                fcb_ref, gam_ref, bet_ref, w21_ref, b21_ref, w22_ref, b22_ref,
                zl_ref, zs_ref):
    hn = (agg_ref[0, :N] + agg_ref[1, :N]) * inv_ref[...]
    h2 = (jnp.dot(h_ref[...], ws_ref[...], preferred_element_type=jnp.float32)
          + jnp.dot(hn, wn_ref[...], preferred_element_type=jnp.float32)
          + b_ref[...])
    t = jnp.dot(h2, fcw_ref[...], preferred_element_type=jnp.float32) + fcb_ref[...]
    mu = jnp.mean(t, axis=0, keepdims=True)
    var = jnp.mean((t - mu) ** 2, axis=0, keepdims=True)
    t = (t - mu) * lax.rsqrt(var + 1e-5) * gam_ref[...] + bet_ref[...]
    t = jnp.maximum(t, 0.0)
    t = jnp.log(1.0 + jnp.exp(-t)) + t
    zl_ref[...] = jnp.dot(t, w21_ref[...], preferred_element_type=jnp.float32) + b21_ref[...]
    zs_ref[...] = jnp.exp(
        jnp.dot(t, w22_ref[...], preferred_element_type=jnp.float32) + b22_ref[...])


_prep = pl.pallas_call(
    _prep_body, out_shape=jax.ShapeDtypeStruct((N, D), jnp.float32))

_layer0 = pl.pallas_call(
    _layer0_body,
    out_shape=(jax.ShapeDtypeStruct((N, D), jnp.float32),
               jax.ShapeDtypeStruct((N, 1), jnp.float32)))

_final = pl.pallas_call(
    _final_body,
    out_shape=(jax.ShapeDtypeStruct((N, D), jnp.float32),
               jax.ShapeDtypeStruct((N, D), jnp.float32)))


def kernel(x, edge_index, W_self0, W_neigh0, b0, W_self1, W_neigh1, b1,
           fc_W, fc_b, bn_gamma, bn_beta, W21, b21, W22, b22):
    src = edge_index[0]
    dst = edge_index[1]
    zero_block = jnp.zeros((RPW, D), jnp.float32)
    ones_block = jnp.ones((C, D), jnp.float32)

    sc_agg, sc_agg_deg = _sc_calls()
    g = _prep(x)
    agg0, degf = sc_agg_deg(g, src, dst, zero_block, ones_block)
    h1, inv = _layer0(g, agg0, degf, W_self0, W_neigh0, b0)
    agg1 = sc_agg(h1, src, dst, zero_block)
    z_loc, z_scale = _final(h1, agg1, inv, W_self1, W_neigh1, b1,
                            fc_W, fc_b, bn_gamma, bn_beta, W21, b21, W22, b22)
    return z_loc, z_scale

# --- scband reference (transcript-rebuilt; emitter-appended) ---
"""Pipeline reference for scband-sage-67156108640684 (READ-ONLY COPY).

The authoritative reference and input builder live on the scoring server;
editing this copy changes nothing except your own understanding.
"""

import jax, jax.numpy as jnp
import numpy as np

N = 10000
E = 320000
D = 128
H = 128


def setup_inputs(seed: int = 0) -> dict:
    key = jax.random.key(seed)
    ks = jax.random.split(key, 20)
    s = 0.02
    inp = {}
    # counts-like nonnegative features (forward applies log(x+1))
    inp['x'] = jax.random.uniform(ks[0], (N, D), dtype=jnp.float32) * 5.0
    inp['edge_index'] = jax.random.randint(ks[1], (2, E), 0, N, dtype=jnp.int32)
    # SAGEConv layer 0 (in_feats -> n_hidden), mean aggregator
    inp['W_self0'] = jax.random.normal(ks[2], (D, H), dtype=jnp.float32) * s
    inp['W_neigh0'] = jax.random.normal(ks[3], (D, H), dtype=jnp.float32) * s
    inp['b0'] = jnp.zeros((H,), dtype=jnp.float32)
    # SAGEConv layer 1 (n_hidden -> n_hidden)
    inp['W_self1'] = jax.random.normal(ks[4], (H, H), dtype=jnp.float32) * s
    inp['W_neigh1'] = jax.random.normal(ks[5], (H, H), dtype=jnp.float32) * s
    inp['b1'] = jnp.zeros((H,), dtype=jnp.float32)
    # Encoder fc: Linear + BatchNorm1d + ReLU
    inp['fc_W'] = jax.random.normal(ks[6], (H, H), dtype=jnp.float32) * s
    inp['fc_b'] = jnp.zeros((H,), dtype=jnp.float32)
    inp['bn_gamma'] = jnp.ones((H,), dtype=jnp.float32)
    inp['bn_beta'] = jnp.zeros((H,), dtype=jnp.float32)
    # fc21 (z_loc head) and fc22 (log z_scale head)
    inp['W21'] = jax.random.normal(ks[7], (H, H), dtype=jnp.float32) * s
    inp['b21'] = jnp.zeros((H,), dtype=jnp.float32)
    inp['W22'] = jax.random.normal(ks[8], (H, H), dtype=jnp.float32) * s
    inp['b22'] = jnp.zeros((H,), dtype=jnp.float32)
    return inp


def _sage_mean_layer(h, src, dst, W_self, W_neigh, b, n_nodes):
    # DGL SAGEConv, aggregator_type='mean':
    # h_neigh[i] = mean_{j in N(i)} h[j]; out = h @ W_self + h_neigh @ W_neigh + b
    msg = jnp.take(h, src, axis=0)
    agg = jax.ops.segment_sum(msg, dst, num_segments=n_nodes)
    deg = jax.ops.segment_sum(jnp.ones((src.shape[0],), dtype=h.dtype), dst, num_segments=n_nodes)
    h_neigh = agg / jnp.maximum(deg, 1.0)[:, None]
    return h @ W_self + h_neigh @ W_neigh + b


def _l2_normalize(h):
    # F.normalize(p=2, dim=1)
    n = jnp.linalg.norm(h, axis=1, keepdims=True)
    return h / jnp.maximum(n, 1e-12)


def reference(x, edge_index, W_self0, W_neigh0, b0, W_self1, W_neigh1, b1,
              fc_W, fc_b, bn_gamma, bn_beta, W21, b21, W22, b22):
    src = edge_index[0]
    dst = edge_index[1]
    n_nodes = x.shape[0]
    # Encoder.forward
    h = jnp.log(x + 1.0)
    # layer 0: SAGEConv with activation=relu, norm=F.normalize
    h = _sage_mean_layer(h, src, dst, W_self0, W_neigh0, b0, n_nodes)
    h = jax.nn.relu(h)
    h = _l2_normalize(h)
    # layer 1: SAGEConv (feat_drop=0.2 is identity at eval)
    h = _sage_mean_layer(h, src, dst, W_self1, W_neigh1, b1, n_nodes)
    # fc: Linear -> BatchNorm1d (batch stats) -> ReLU
    h = h @ fc_W + fc_b
    mu = jnp.mean(h, axis=0)
    var = jnp.var(h, axis=0)
    h = (h - mu) / jnp.sqrt(var + 1e-5) * bn_gamma + bn_beta
    h = jax.nn.relu(h)
    h = jax.nn.softplus(h)
    z_loc = h @ W21 + b21
    z_scale = jnp.exp(h @ W22 + b22)
    return (z_loc, z_scale)

if __name__ == "__main__":
    import jax
    _d = setup_inputs()
    print(jax.jit(kernel)(*tuple(_d.values())))

</pallas_src>

<mosaic_0001>
#map = affine_map<(d0, d1) -> (0, 0)>
#map1 = affine_map<(d0, d1) -> (0)>
#map2 = affine_map<(d0, d1) -> (0, 0, 0)>
module attributes {stable_mosaic.version = 14 : i64} {
  func.func @_sc_agg_kernel(%arg0: i32, %arg1: i32, %arg2: memref<10000x128xf32, #tpu.memory_space<hbm>>, %arg3: memref<320000xi32, #tpu.memory_space<hbm>>, %arg4: memref<320000xi32, #tpu.memory_space<hbm>>, %arg5: memref<640x128xf32, #tpu.memory_space<hbm>>, %arg6: memref<2x10240x128xf32, #tpu.memory_space<hbm>>, %arg7: memref<6x80xi32, #tpu.memory_space<vmem>>, %arg8: memref<6x80xi32, #tpu.memory_space<vmem>>, %arg9: memref<4x80x128xf32, #tpu.memory_space<vmem>>, %arg10: memref<10240x128xf32, #tpu.memory_space<vmem_shared>>, %arg11: memref<4x!tpu.dma_semaphore, #tpu.memory_space<semaphore_mem>>, %arg12: memref<4x!tpu.dma_semaphore, #tpu.memory_space<semaphore_mem>>, %arg13: memref<6x!tpu.dma_semaphore, #tpu.memory_space<semaphore_mem>>, %arg14: memref<6x!tpu.dma_semaphore, #tpu.memory_space<semaphore_mem>>) attributes {dimension_semantics = [#tpu.dimension_semantics<core_parallel>, #tpu.dimension_semantics<subcore_parallel>], iteration_bounds = array<i64: 2, 16>, scalar_prefetch = 0 : i64, scratch_operands = 8 : i64, tpu.core_type = #tpu.core_type<sc_vector_subcore>, window_params = [{transform_indices = #map}, {transform_indices = #map1}, {transform_indices = #map1}, {transform_indices = #map}, {transform_indices = #map2}]} {
    %mul3A = arith.constant 16 : i32
    %mul3A_0 = arith.muli %arg0, %mul3A : i32
    %add3A = arith.addi %mul3A_0, %arg1 : i32
    %mul3A_1 = arith.constant 640 : i32
    %mul3A_2 = arith.muli %arg1, %mul3A_1 : i32
    %multiple_of3A = tpu.assume_multiple %mul3A_2, 8 : i32
    %mul3A_3 = arith.constant 10000 : i32
    %mul3A_4 = arith.muli %add3A, %mul3A_3 : i32
    %add3A_5 = arith.constant 0 : i32
    %add3A_6 = arith.addi %mul3A_4, %add3A_5 : i32
    %multiple_of3A_7 = tpu.assume_multiple %add3A_6, 8 : i32
    %dma_start3A = arith.constant 0 : i32
    %dma_start3A_8 = arith.constant 0 : i32
    %dma_start3A_9 = arith.constant 0 : i32
    %dma_start3A_10 = tpu.memref_slice %arg7[%dma_start3A, %dma_start3A_9] : memref<6x80xi32, #tpu.memory_space<vmem>> -> memref<1x80xi32, #tpu.memory_space<vmem>>
    %dma_start3A_11 = tpu.memref_squeeze %dma_start3A_10 : memref<1x80xi32, #tpu.memory_space<vmem>> -> memref<80xi32, #tpu.memory_space<vmem>>
    %dma_start3A_12 = tpu.memref_slice %arg3[%multiple_of3A_7] : memref<320000xi32, #tpu.memory_space<hbm>> -> memref<80xi32, #tpu.memory_space<hbm>>
    %dma_start3A_13 = tpu.memref_slice %arg13[%dma_start3A_8] : memref<6x!tpu.dma_semaphore, #tpu.memory_space<semaphore_mem>> -> memref<1x!tpu.dma_semaphore, #tpu.memory_space<semaphore_mem>>
    %dma_start3A_14 = tpu.memref_squeeze %dma_start3A_13 : memref<1x!tpu.dma_semaphore, #tpu.memory_space<semaphore_mem>> -> memref<!tpu.dma_semaphore, #tpu.memory_space<semaphore_mem>>
    %dma_start3A_15 = arith.constant 0 : i32
    %dma_start3A_16 = tpu.memref_slice %arg7[%dma_start3A, %dma_start3A_15] : memref<6x80xi32, #tpu.memory_space<vmem>> -> memref<1x80xi32, #tpu.memory_space<vmem>>
    %dma_start3A_17 = tpu.memref_squeeze %dma_start3A_16 : memref<1x80xi32, #tpu.memory_space<vmem>> -> memref<80xi32, #tpu.memory_space<vmem>>
    %dma_start3A_18 = tpu.memref_slice %arg3[%multiple_of3A_7] : memref<320000xi32, #tpu.memory_space<hbm>> -> memref<80xi32, #tpu.memory_space<hbm>>
    tpu.enqueue_dma source(%dma_start3A_18 : memref<80xi32, #tpu.memory_space<hbm>>) target(%dma_start3A_17 : memref<80xi32, #tpu.memory_space<vmem>>) target_semaphore(%dma_start3A_14 : memref<!tpu.dma_semaphore, #tpu.memory_space<semaphore_mem>>)
    %add3A_19 = arith.constant 0 : i32
    %add3A_20 = arith.addi %mul3A_4, %add3A_19 : i32
    %multiple_of3A_21 = tpu.assume_multiple %add3A_20, 8 : i32
    %dma_start3A_22 = arith.constant 0 : i32
    %dma_start3A_23 = arith.constant 0 : i32
    %dma_start3A_24 = arith.constant 0 : i32
    %dma_start3A_25 = tpu.memref_slice %arg8[%dma_start3A_22, %dma_start3A_24] : memref<6x80xi32, #tpu.memory_space<vmem>> -> memref<1x80xi32, #tpu.memory_space<vmem>>
    %dma_start3A_26 = tpu.memref_squeeze %dma_start3A_25 : memref<1x80xi32, #tpu.memory_space<vmem>> -> memref<80xi32, #tpu.memory_space<vmem>>
    %dma_start3A_27 = tpu.memref_slice %arg4[%multiple_of3A_21] : memref<320000xi32, #tpu.memory_space<hbm>> -> memref<80xi32, #tpu.memory_space<hbm>>
    %dma_start3A_28 = tpu.memref_slice %arg14[%dma_start3A_23] : memref<6x!tpu.dma_semaphore, #tpu.memory_space<semaphore_mem>> -> memref<1x!tpu.dma_semaphore, #tpu.memory_space<semaphore_mem>>
    %dma_start3A_29 = tpu.memref_squeeze %dma_start3A_28 : memref<1x!tpu.dma_semaphore, #tpu.memory_space<semaphore_mem>> -> memref<!tpu.dma_semaphore, #tpu.memory_space<semaphore_mem>>
    %dma_start3A_30 = arith.constant 0 : i32
    %dma_start3A_31 = tpu.memref_slice %arg8[%dma_start3A_22, %dma_start3A_30] : memref<6x80xi32, #tpu.memory_space<vmem>> -> memref<1x80xi32, #tpu.memory_space<vmem>>
    %dma_start3A_32 = tpu.memref_squeeze %dma_start3A_31 : memref<1x80xi32, #tpu.memory_space<vmem>> -> memref<80xi32, #tpu.memory_space<vmem>>
    %dma_start3A_33 = tpu.memref_slice %arg4[%multiple_of3A_21] : memref<320000xi32, #tpu.memory_space<hbm>> -> memref<80xi32, #tpu.memory_space<hbm>>
    tpu.enqueue_dma source(%dma_start3A_33 : memref<80xi32, #tpu.memory_space<hbm>>) target(%dma_start3A_32 : memref<80xi32, #tpu.memory_space<vmem>>) target_semaphore(%dma_start3A_29 : memref<!tpu.dma_semaphore, #tpu.memory_space<semaphore_mem>>)
    %add3A_34 = arith.constant 80 : i32
    %add3A_35 = arith.addi %mul3A_4, %add3A_34 : i32
    %multiple_of3A_36 = tpu.assume_multiple %add3A_35, 8 : i32
    %dma_start3A_37 = arith.constant 1 : i32
    %dma_start3A_38 = arith.constant 1 : i32
    %dma_start3A_39 = arith.constant 0 : i32
    %dma_start3A_40 = tpu.memref_slice %arg7[%dma_start3A_37, %dma_start3A_39] : memref<6x80xi32, #tpu.memory_space<vmem>> -> memref<1x80xi32, #tpu.memory_space<vmem>>
    %dma_start3A_41 = tpu.memref_squeeze %dma_start3A_40 : memref<1x80xi32, #tpu.memory_space<vmem>> -> memref<80xi32, #tpu.memory_space<vmem>>
    %dma_start3A_42 = tpu.memref_slice %arg3[%multiple_of3A_36] : memref<320000xi32, #tpu.memory_space<hbm>> -> memref<80xi32, #tpu.memory_space<hbm>>
    %dma_start3A_43 = tpu.memref_slice %arg13[%dma_start3A_38] : memref<6x!tpu.dma_semaphore, #tpu.memory_space<semaphore_mem>> -> memref<1x!tpu.dma_semaphore, #tpu.memory_space<semaphore_mem>>
    %dma_start3A_44 = tpu.memref_squeeze %dma_start3A_43 : memref<1x!tpu.dma_semaphore, #tpu.memory_space<semaphore_mem>> -> memref<!tpu.dma_semaphore, #tpu.memory_space<semaphore_mem>>
    %dma_start3A_45 = arith.constant 0 : i32
    %dma_start3A_46 = tpu.memref_slice %arg7[%dma_start3A_37, %dma_start3A_45] : memref<6x80xi32, #tpu.memory_space<vmem>> -> memref<1x80xi32, #tpu.memory_space<vmem>>
    %dma_start3A_47 = tpu.memref_squeeze %dma_start3A_46 : memref<1x80xi32, #tpu.memory_space<vmem>> -> memref<80xi32, #tpu.memory_space<vmem>>
    %dma_start3A_48 = tpu.memref_slice %arg3[%multiple_of3A_36] : memref<320000xi32, #tpu.memory_space<hbm>> -> memref<80xi32, #tpu.memory_space<hbm>>
    tpu.enqueue_dma source(%dma_start3A_48 : memref<80xi32, #tpu.memory_space<hbm>>) target(%dma_start3A_47 : memref<80xi32, #tpu.memory_space<vmem>>) target_semaphore(%dma_start3A_44 : memref<!tpu.dma_semaphore, #tpu.memory_space<semaphore_mem>>)
    %add3A_49 = arith.constant 80 : i32
    %add3A_50 = arith.addi %mul3A_4, %add3A_49 : i32
    %multiple_of3A_51 = tpu.assume_multiple %add3A_50, 8 : i32
    %dma_start3A_52 = arith.constant 1 : i32
    %dma_start3A_53 = arith.constant 1 : i32
    %dma_start3A_54 = arith.constant 0 : i32
    %dma_start3A_55 = tpu.memref_slice %arg8[%dma_start3A_52, %dma_start3A_54] : memref<6x80xi32, #tpu.memory_space<vmem>> -> memref<1x80xi32, #tpu.memory_space<vmem>>
    %dma_start3A_56 = tpu.memref_squeeze %dma_start3A_55 : memref<1x80xi32, #tpu.memory_space<vmem>> -> memref<80xi32, #tpu.memory_space<vmem>>
    %dma_start3A_57 = tpu.memref_slice %arg4[%multiple_of3A_51] : memref<320000xi32, #tpu.memory_space<hbm>> -> memref<80xi32, #tpu.memory_space<hbm>>
    %dma_start3A_58 = tpu.memref_slice %arg14[%dma_start3A_53] : memref<6x!tpu.dma_semaphore, #tpu.memory_space<semaphore_mem>> -> memref<1x!tpu.dma_semaphore, #tpu.memory_space<semaphore_mem>>
    %dma_start3A_59 = tpu.memref_squeeze %dma_start3A_58 : memref<1x!tpu.dma_semaphore, #tpu.memory_space<semaphore_mem>> -> memref<!tpu.dma_semaphore, #tpu.memory_space<semaphore_mem>>
    %dma_start3A_60 = arith.constant 0 : i32
    %dma_start3A_61 = tpu.memref_slice %arg8[%dma_start3A_52, %dma_start3A_60] : memref<6x80xi32, #tpu.memory_space<vmem>> -> memref<1x80xi32, #tpu.memory_space<vmem>>
    %dma_start3A_62 = tpu.memref_squeeze %dma_start3A_61 : memref<1x80xi32, #tpu.memory_space<vmem>> -> memref<80xi32, #tpu.memory_space<vmem>>
    %dma_start3A_63 = tpu.memref_slice %arg4[%multiple_of3A_51] : memref<320000xi32, #tpu.memory_space<hbm>> -> memref<80xi32, #tpu.memory_space<hbm>>
    tpu.enqueue_dma source(%dma_start3A_63 : memref<80xi32, #tpu.memory_space<hbm>>) target(%dma_start3A_62 : memref<80xi32, #tpu.memory_space<vmem>>) target_semaphore(%dma_start3A_59 : memref<!tpu.dma_semaphore, #tpu.memory_space<semaphore_mem>>)
    %add3A_64 = arith.constant 160 : i32
    %add3A_65 = arith.addi %mul3A_4, %add3A_64 : i32
    %multiple_of3A_66 = tpu.assume_multiple %add3A_65, 8 : i32
    %dma_start3A_67 = arith.constant 2 : i32
    %dma_start3A_68 = arith.constant 2 : i32
    %dma_start3A_69 = arith.constant 0 : i32
    %dma_start3A_70 = tpu.memref_slice %arg7[%dma_start3A_67, %dma_start3A_69] : memref<6x80xi32, #tpu.memory_space<vmem>> -> memref<1x80xi32, #tpu.memory_space<vmem>>
    %dma_start3A_71 = tpu.memref_squeeze %dma_start3A_70 : memref<1x80xi32, #tpu.memory_space<vmem>> -> memref<80xi32, #tpu.memory_space<vmem>>
    %dma_start3A_72 = tpu.memref_slice %arg3[%multiple_of3A_66] : memref<320000xi32, #tpu.memory_space<hbm>> -> memref<80xi32, #tpu.memory_space<hbm>>
    %dma_start3A_73 = tpu.memref_slice %arg13[%dma_start3A_68] : memref<6x!tpu.dma_semaphore, #tpu.memory_space<semaphore_mem>> -> memref<1x!tpu.dma_semaphore, #tpu.memory_space<semaphore_mem>>
    %dma_start3A_74 = tpu.memref_squeeze %dma_start3A_73 : memref<1x!tpu.dma_semaphore, #tpu.memory_space<semaphore_mem>> -> memref<!tpu.dma_semaphore, #tpu.memory_space<semaphore_mem>>
    %dma_start3A_75 = arith.constant 0 : i32
    %dma_start3A_76 = tpu.memref_slice %arg7[%dma_start3A_67, %dma_start3A_75] : memref<6x80xi32, #tpu.memory_space<vmem>> -> memref<1x80xi32, #tpu.memory_space<vmem>>
    %dma_start3A_77 = tpu.memref_squeeze %dma_start3A_76 : memref<1x80xi32, #tpu.memory_space<vmem>> -> memref<80xi32, #tpu.memory_space<vmem>>
    %dma_start3A_78 = tpu.memref_slice %arg3[%multiple_of3A_66] : memref<320000xi32, #tpu.memory_space<hbm>> -> memref<80xi32, #tpu.memory_space<hbm>>
    tpu.enqueue_dma source(%dma_start3A_78 : memref<80xi32, #tpu.memory_space<hbm>>) target(%dma_start3A_77 : memref<80xi32, #tpu.memory_space<vmem>>) target_semaphore(%dma_start3A_74 : memref<!tpu.dma_semaphore, #tpu.memory_space<semaphore_mem>>)
    %add3A_79 = arith.constant 160 : i32
    %add3A_80 = arith.addi %mul3A_4, %add3A_79 : i32
    %multiple_of3A_81 = tpu.assume_multiple %add3A_80, 8 : i32
    %dma_start3A_82 = arith.constant 2 : i32
    %dma_start3A_83 = arith.constant 2 : i32
    %dma_start3A_84 = arith.constant 0 : i32
    %dma_start3A_85 = tpu.memref_slice %arg8[%dma_start3A_82, %dma_start3A_84] : memref<6x80xi32, #tpu.memory_space<vmem>> -> memref<1x80xi32, #tpu.memory_space<vmem>>
    %dma_start3A_86 = tpu.memref_squeeze %dma_start3A_85 : memref<1x80xi32, #tpu.memory_space<vmem>> -> memref<80xi32, #tpu.memory_space<vmem>>
    %dma_start3A_87 = tpu.memref_slice %arg4[%multiple_of3A_81] : memref<320000xi32, #tpu.memory_space<hbm>> -> memref<80xi32, #tpu.memory_space<hbm>>
    %dma_start3A_88 = tpu.memref_slice %arg14[%dma_start3A_83] : memref<6x!tpu.dma_semaphore, #tpu.memory_space<semaphore_mem>> -> memref<1x!tpu.dma_semaphore, #tpu.memory_space<semaphore_mem>>
    %dma_start3A_89 = tpu.memref_squeeze %dma_start3A_88 : memref<1x!tpu.dma_semaphore, #tpu.memory_space<semaphore_mem>> -> memref<!tpu.dma_semaphore, #tpu.memory_space<semaphore_mem>>
    %dma_start3A_90 = arith.constant 0 : i32
    %dma_start3A_91 = tpu.memref_slice %arg8[%dma_start3A_82, %dma_start3A_90] : memref<6x80xi32, #tpu.memory_space<vmem>> -> memref<1x80xi32, #tpu.memory_space<vmem>>
    %dma_start3A_92 = tpu.memref_squeeze %dma_start3A_91 : memref<1x80xi32, #tpu.memory_space<vmem>> -> memref<80xi32, #tpu.memory_space<vmem>>
    %dma_start3A_93 = tpu.memref_slice %arg4[%multiple_of3A_81] : memref<320000xi32, #tpu.memory_space<hbm>> -> memref<80xi32, #tpu.memory_space<hbm>>
    tpu.enqueue_dma source(%dma_start3A_93 : memref<80xi32, #tpu.memory_space<hbm>>) target(%dma_start3A_92 : memref<80xi32, #tpu.memory_space<vmem>>) target_semaphore(%dma_start3A_89 : memref<!tpu.dma_semaphore, #tpu.memory_space<semaphore_mem>>)
    %add3A_94 = arith.constant 240 : i32
    %add3A_95 = arith.addi %mul3A_4, %add3A_94 : i32
    %multiple_of3A_96 = tpu.assume_multiple %add3A_95, 8 : i32
    %dma_start3A_97 = arith.constant 3 : i32
    %dma_start3A_98 = arith.constant 3 : i32
    %dma_start3A_99 = arith.constant 0 : i32
    %dma_start3A_100 = tpu.memref_slice %arg7[%dma_start3A_97, %dma_start3A_99] : memref<6x80xi32, #tpu.memory_space<vmem>> -> memref<1x80xi32, #tpu.memory_space<vmem>>
    %dma_start3A_101 = tpu.memref_squeeze %dma_start3A_100 : memref<1x80xi32, #tpu.memory_space<vmem>> -> memref<80xi32, #tpu.memory_space<vmem>>
    %dma_start3A_102 = tpu.memref_slice %arg3[%multiple_of3A_96] : memref<320000xi32, #tpu.memory_space<hbm>> -> memref<80xi32, #tpu.memory_space<hbm>>
    %dma_start3A_103 = tpu.memref_slice %arg13[%dma_start3A_98] : memref<6x!tpu.dma_semaphore, #tpu.memory_space<semaphore_mem>> -> memref<1x!tpu.dma_semaphore, #tpu.memory_space<semaphore_mem>>
    %dma_start3A_104 = tpu.memref_squeeze %dma_start3A_103 : memref<1x!tpu.dma_semaphore, #tpu.memory_space<semaphore_mem>> -> memref<!tpu.dma_semaphore, #tpu.memory_space<semaphore_mem>>
    %dma_start3A_105 = arith.constant 0 : i32
    %dma_start3A_106 = tpu.memref_slice %arg7[%dma_start3A_97, %dma_start3A_105] : memref<6x80xi32, #tpu.memory_space<vmem>> -> memref<1x80xi32, #tpu.memory_space<vmem>>
    %dma_start3A_107 = tpu.memref_squeeze %dma_start3A_106 : memref<1x80xi32, #tpu.memory_space<vmem>> -> memref<80xi32, #tpu.memory_space<vmem>>
    %dma_start3A_108 = tpu.memref_slice %arg3[%multiple_of3A_96] : memref<320000xi32, #tpu.memory_space<hbm>> -> memref<80xi32, #tpu.memory_space<hbm>>
    tpu.enqueue_dma source(%dma_start3A_108 : memref<80xi32, #tpu.memory_space<hbm>>) target(%dma_start3A_107 : memref<80xi32, #tpu.memory_space<vmem>>) target_semaphore(%dma_start3A_104 : memref<!tpu.dma_semaphore, #tpu.memory_space<semaphore_mem>>)
    %add3A_109 = arith.constant 240 : i32
    %add3A_110 = arith.addi %mul3A_4, %add3A_109 : i32
    %multiple_of3A_111 = tpu.assume_multiple %add3A_110, 8 : i32
    %dma_start3A_112 = arith.constant 3 : i32
    %dma_start3A_113 = arith.constant 3 : i32
    %dma_start3A_114 = arith.constant 0 : i32
    %dma_start3A_115 = tpu.memref_slice %arg8[%dma_start3A_112, %dma_start3A_114] : memref<6x80xi32, #tpu.memory_space<vmem>> -> memref<1x80xi32, #tpu.memory_space<vmem>>
    %dma_start3A_116 = tpu.memref_squeeze %dma_start3A_115 : memref<1x80xi32, #tpu.memory_space<vmem>> -> memref<80xi32, #tpu.memory_space<vmem>>
    %dma_start3A_117 = tpu.memref_slice %arg4[%multiple_of3A_111] : memref<320000xi32, #tpu.memory_space<hbm>> -> memref<80xi32, #tpu.memory_space<hbm>>
    %dma_start3A_118 = tpu.memref_slice %arg14[%dma_start3A_113] : memref<6x!tpu.dma_semaphore, #tpu.memory_space<semaphore_mem>> -> memref<1x!tpu.dma_semaphore, #tpu.memory_space<semaphore_mem>>
    %dma_start3A_119 = tpu.memref_squeeze %dma_start3A_118 : memref<1x!tpu.dma_semaphore, #tpu.memory_space<semaphore_mem>> -> memref<!tpu.dma_semaphore, #tpu.memory_space<semaphore_mem>>
    %dma_start3A_120 = arith.constant 0 : i32
    %dma_start3A_121 = tpu.memref_slice %arg8[%dma_start3A_112, %dma_start3A_120] : memref<6x80xi32, #tpu.memory_space<vmem>> -> memref<1x80xi32, #tpu.memory_space<vmem>>
    %dma_start3A_122 = tpu.memref_squeeze %dma_start3A_121 : memref<1x80xi32, #tpu.memory_space<vmem>> -> memref<80xi32, #tpu.memory_space<vmem>>
    %dma_start3A_123 = tpu.memref_slice %arg4[%multiple_of3A_111] : memref<320000xi32, #tpu.memory_space<hbm>> -> memref<80xi32, #tpu.memory_space<hbm>>
    tpu.enqueue_dma source(%dma_start3A_123 : memref<80xi32, #tpu.memory_space<hbm>>) target(%dma_start3A_122 : memref<80xi32, #tpu.memory_space<vmem>>) target_semaphore(%dma_start3A_119 : memref<!tpu.dma_semaphore, #tpu.memory_space<semaphore_mem>>)
    "tpu.region"() ({
      %run_scoped3A = tpu.sem_alloc : memref<!tpu.dma_semaphore, #tpu.memory_space<semaphore_mem>>
      %dma_start3A_235 = arith.constant 0 : i32
      %dma_start3A_236 = tpu.memref_slice %arg10[%multiple_of3A, %dma_start3A_235] : memref<10240x128xf32, #tpu.memory_space<vmem_shared>> -> memref<640x128xf32, #tpu.memory_space<vmem_shared>>
      tpu.enqueue_dma source(%arg5 : memref<640x128xf32, #tpu.memory_space<hbm>>) target(%dma_start3A_236 : memref<640x128xf32, #tpu.memory_space<vmem_shared>>) target_semaphore(%run_scoped3A : memref<!tpu.dma_semaphore, #tpu.memory_space<semaphore_mem>>)
      %dma_wait3A_237 = arith.constant 0 : i32
      %dma_wait3A_238 = tpu.memref_slice %arg10[%multiple_of3A, %dma_wait3A_237] : memref<10240x128xf32, #tpu.memory_space<vmem_shared>> -> memref<640x128xf32, #tpu.memory_space<vmem_shared>>
      tpu.wait_dma2 semaphore(%run_scoped3A : memref<!tpu.dma_semaphore, #tpu.memory_space<semaphore_mem>>) src(%arg5 : memref<640x128xf32, #tpu.memory_space<hbm>>) dst(%dma_wait3A_238 : memref<640x128xf32, #tpu.memory_space<vmem_shared>>)
      tpu.yield
    }) : () -> ()
    %add3A_124 = arith.constant 0 : i32
    %add3A_125 = arith.addi %mul3A_4, %add3A_124 : i32
    %multiple_of3A_126 = tpu.assume_multiple %add3A_125, 8 : i32
    %dma_wait3A = arith.constant 0 : i32
    %dma_wait3A_127 = arith.constant 0 : i32
    %dma_wait3A_128 = arith.constant 0 : i32
    %dma_wait3A_129 = tpu.memref_slice %arg7[%dma_wait3A, %dma_wait3A_128] : memref<6x80xi32, #tpu.memory_space<vmem>> -> memref<1x80xi32, #tpu.memory_space<vmem>>
    %dma_wait3A_130 = tpu.memref_squeeze %dma_wait3A_129 : memref<1x80xi32, #tpu.memory_space<vmem>> -> memref<80xi32, #tpu.memory_space<vmem>>
    %dma_wait3A_131 = tpu.memref_slice %arg3[%multiple_of3A_126] : memref<320000xi32, #tpu.memory_space<hbm>> -> memref<80xi32, #tpu.memory_space<hbm>>
    %dma_wait3A_132 = tpu.memref_slice %arg13[%dma_wait3A_127] : memref<6x!tpu.dma_semaphore, #tpu.memory_space<semaphore_mem>> -> memref<1x!tpu.dma_semaphore, #tpu.memory_space<semaphore_mem>>
    %dma_wait3A_133 = tpu.memref_squeeze %dma_wait3A_132 : memref<1x!tpu.dma_semaphore, #tpu.memory_space<semaphore_mem>> -> memref<!tpu.dma_semaphore, #tpu.memory_space<semaphore_mem>>
    %dma_wait3A_134 = arith.constant 0 : i32
    %dma_wait3A_135 = tpu.memref_slice %arg7[%dma_wait3A, %dma_wait3A_134] : memref<6x80xi32, #tpu.memory_space<vmem>> -> memref<1x80xi32, #tpu.memory_space<vmem>>
    %dma_wait3A_136 = tpu.memref_squeeze %dma_wait3A_135 : memref<1x80xi32, #tpu.memory_space<vmem>> -> memref<80xi32, #tpu.memory_space<vmem>>
    %dma_wait3A_137 = tpu.memref_slice %arg3[%multiple_of3A_126] : memref<320000xi32, #tpu.memory_space<hbm>> -> memref<80xi32, #tpu.memory_space<hbm>>
    tpu.wait_dma2 semaphore(%dma_wait3A_133 : memref<!tpu.dma_semaphore, #tpu.memory_space<semaphore_mem>>) src(%dma_wait3A_137 : memref<80xi32, #tpu.memory_space<hbm>>) dst(%dma_wait3A_136 : memref<80xi32, #tpu.memory_space<vmem>>)
    %dma_start3A_138 = arith.constant 0 : i32
    %dma_start3A_139 = arith.constant 0 : i32
    %dma_start3A_140 = arith.constant 0 : i32
    %dma_start3A_141 = arith.constant 0 : i32
    %dma_start3A_142 = arith.constant 0 : i32
    %dma_start3A_143 = tpu.memref_slice %arg9[%dma_start3A_139, %dma_start3A_141, %dma_start3A_142] : memref<4x80x128xf32, #tpu.memory_space<vmem>> -> memref<1x80x128xf32, #tpu.memory_space<vmem>>
    %dma_start3A_144 = tpu.memref_squeeze %dma_start3A_143 : memref<1x80x128xf32, #tpu.memory_space<vmem>> -> memref<80x128xf32, #tpu.memory_space<vmem>>
    %dma_start3A_145 = arith.constant 0 : i32
    %dma_start3A_146 = tpu.memref_slice %arg7[%dma_start3A_138, %dma_start3A_145] : memref<6x80xi32, #tpu.memory_space<vmem>> -> memref<1x80xi32, #tpu.memory_space<vmem>>
    %dma_start3A_147 = tpu.memref_squeeze %dma_start3A_146 : memref<1x80xi32, #tpu.memory_space<vmem>> -> memref<80xi32, #tpu.memory_space<vmem>>
    %dma_start3A_148 = arith.constant 0 : i32
    %dma_start3A_149 = arith.constant 0 : i32
    %dma_start3A_150 = tpu.memref_slice %arg2[%dma_start3A_148, %dma_start3A_149] : memref<10000x128xf32, #tpu.memory_space<hbm>> -> memref<10000x128xf32, #tpu.memory_space<hbm>>
    %dma_start3A_151 = tpu.memref_slice %arg11[%dma_start3A_140] : memref<4x!tpu.dma_semaphore, #tpu.memory_space<semaphore_mem>> -> memref<1x!tpu.dma_semaphore, #tpu.memory_space<semaphore_mem>>
    %dma_start3A_152 = tpu.memref_squeeze %dma_start3A_151 : memref<1x!tpu.dma_semaphore, #tpu.memory_space<semaphore_mem>> -> memref<!tpu.dma_semaphore, #tpu.memory_space<semaphore_mem>>
    tpu.enqueue_indirect_dma source(%dma_start3A_150 : memref<10000x128xf32, #tpu.memory_space<hbm>>) target(%dma_start3A_144 : memref<80x128xf32, #tpu.memory_space<vmem>>) offsets(%dma_start3A_147 : memref<80xi32, #tpu.memory_space<vmem>>) semaphore(%dma_start3A_152 : memref<!tpu.dma_semaphore, #tpu.memory_space<semaphore_mem>>)
    %add3A_153 = arith.constant 80 : i32
    %add3A_154 = arith.addi %mul3A_4, %add3A_153 : i32
    %multiple_of3A_155 = tpu.assume_multiple %add3A_154, 8 : i32
    %dma_wait3A_156 = arith.constant 1 : i32
    %dma_wait3A_157 = arith.constant 1 : i32
    %dma_wait3A_158 = arith.constant 0 : i32
    %dma_wait3A_159 = tpu.memref_slice %arg7[%dma_wait3A_156, %dma_wait3A_158] : memref<6x80xi32, #tpu.memory_space<vmem>> -> memref<1x80xi32, #tpu.memory_space<vmem>>
    %dma_wait3A_160 = tpu.memref_squeeze %dma_wait3A_159 : memref<1x80xi32, #tpu.memory_space<vmem>> -> memref<80xi32, #tpu.memory_space<vmem>>
    %dma_wait3A_161 = tpu.memref_slice %arg3[%multiple_of3A_155] : memref<320000xi32, #tpu.memory_space<hbm>> -> memref<80xi32, #tpu.memory_space<hbm>>
    %dma_wait3A_162 = tpu.memref_slice %arg13[%dma_wait3A_157] : memref<6x!tpu.dma_semaphore, #tpu.memory_space<semaphore_mem>> -> memref<1x!tpu.dma_semaphore, #tpu.memory_space<semaphore_mem>>
    %dma_wait3A_163 = tpu.memref_squeeze %dma_wait3A_162 : memref<1x!tpu.dma_semaphore, #tpu.memory_space<semaphore_mem>> -> memref<!tpu.dma_semaphore, #tpu.memory_space<semaphore_mem>>
    %dma_wait3A_164 = arith.constant 0 : i32
    %dma_wait3A_165 = tpu.memref_slice %arg7[%dma_wait3A_156, %dma_wait3A_164] : memref<6x80xi32, #tpu.memory_space<vmem>> -> memref<1x80xi32, #tpu.memory_space<vmem>>
    %dma_wait3A_166 = tpu.memref_squeeze %dma_wait3A_165 : memref<1x80xi32, #tpu.memory_space<vmem>> -> memref<80xi32, #tpu.memory_space<vmem>>
    %dma_wait3A_167 = tpu.memref_slice %arg3[%multiple_of3A_155] : memref<320000xi32, #tpu.memory_space<hbm>> -> memref<80xi32, #tpu.memory_space<hbm>>
    tpu.wait_dma2 semaphore(%dma_wait3A_163 : memref<!tpu.dma_semaphore, #tpu.memory_space<semaphore_mem>>) src(%dma_wait3A_167 : memref<80xi32, #tpu.memory_space<hbm>>) dst(%dma_wait3A_166 : memref<80xi32, #tpu.memory_space<vmem>>)
    %dma_start3A_168 = arith.constant 1 : i32
    %dma_start3A_169 = arith.constant 1 : i32
    %dma_start3A_170 = arith.constant 1 : i32
    %dma_start3A_171 = arith.constant 0 : i32
    %dma_start3A_172 = arith.constant 0 : i32
    %dma_start3A_173 = tpu.memref_slice %arg9[%dma_start3A_169, %dma_start3A_171, %dma_start3A_172] : memref<4x80x128xf32, #tpu.memory_space<vmem>> -> memref<1x80x128xf32, #tpu.memory_space<vmem>>
    %dma_start3A_174 = tpu.memref_squeeze %dma_start3A_173 : memref<1x80x128xf32, #tpu.memory_space<vmem>> -> memref<80x128xf32, #tpu.memory_space<vmem>>
    %dma_start3A_175 = arith.constant 0 : i32
    %dma_start3A_176 = tpu.memref_slice %arg7[%dma_start3A_168, %dma_start3A_175] : memref<6x80xi32, #tpu.memory_space<vmem>> -> memref<1x80xi32, #tpu.memory_space<vmem>>
    %dma_start3A_177 = tpu.memref_squeeze %dma_start3A_176 : memref<1x80xi32, #tpu.memory_space<vmem>> -> memref<80xi32, #tpu.memory_space<vmem>>
    %dma_start3A_178 = arith.constant 0 : i32
    %dma_start3A_179 = arith.constant 0 : i32
    %dma_start3A_180 = tpu.memref_slice %arg2[%dma_start3A_178, %dma_start3A_179] : memref<10000x128xf32, #tpu.memory_space<hbm>> -> memref<10000x128xf32, #tpu.memory_space<hbm>>
    %dma_start3A_181 = tpu.memref_slice %arg11[%dma_start3A_170] : memref<4x!tpu.dma_semaphore, #tpu.memory_space<semaphore_mem>> -> memref<1x!tpu.dma_semaphore, #tpu.memory_space<semaphore_mem>>
    %dma_start3A_182 = tpu.memref_squeeze %dma_start3A_181 : memref<1x!tpu.dma_semaphore, #tpu.memory_space<semaphore_mem>> -> memref<!tpu.dma_semaphore, #tpu.memory_space<semaphore_mem>>
    tpu.enqueue_indirect_dma source(%dma_start3A_180 : memref<10000x128xf32, #tpu.memory_space<hbm>>) target(%dma_start3A_174 : memref<80x128xf32, #tpu.memory_space<vmem>>) offsets(%dma_start3A_177 : memref<80xi32, #tpu.memory_space<vmem>>) semaphore(%dma_start3A_182 : memref<!tpu.dma_semaphore, #tpu.memory_space<semaphore_mem>>)
    %add3A_183 = arith.constant 160 : i32
    %add3A_184 = arith.addi %mul3A_4, %add3A_183 : i32
    %multiple_of3A_185 = tpu.assume_multiple %add3A_184, 8 : i32
    %dma_wait3A_186 = arith.constant 2 : i32
    %dma_wait3A_187 = arith.constant 2 : i32
    %dma_wait3A_188 = arith.constant 0 : i32
    %dma_wait3A_189 = tpu.memref_slice %arg7[%dma_wait3A_186, %dma_wait3A_188] : memref<6x80xi32, #tpu.memory_space<vmem>> -> memref<1x80xi32, #tpu.memory_space<vmem>>
    %dma_wait3A_190 = tpu.memref_squeeze %dma_wait3A_189 : memref<1x80xi32, #tpu.memory_space<vmem>> -> memref<80xi32, #tpu.memory_space<vmem>>
    %dma_wait3A_191 = tpu.memref_slice %arg3[%multiple_of3A_185] : memref<320000xi32, #tpu.memory_space<hbm>> -> memref<80xi32, #tpu.memory_space<hbm>>
    %dma_wait3A_192 = tpu.memref_slice %arg13[%dma_wait3A_187] : memref<6x!tpu.dma_semaphore, #tpu.memory_space<semaphore_mem>> -> memref<1x!tpu.dma_semaphore, #tpu.memory_space<semaphore_mem>>
    %dma_wait3A_193 = tpu.memref_squeeze %dma_wait3A_192 : memref<1x!tpu.dma_semaphore, #tpu.memory_space<semaphore_mem>> -> memref<!tpu.dma_semaphore, #tpu.memory_space<semaphore_mem>>
    %dma_wait3A_194 = arith.constant 0 : i32
    %dma_wait3A_195 = tpu.memref_slice %arg7[%dma_wait3A_186, %dma_wait3A_194] : memref<6x80xi32, #tpu.memory_space<vmem>> -> memref<1x80xi32, #tpu.memory_space<vmem>>
    %dma_wait3A_196 = tpu.memref_squeeze %dma_wait3A_195 : memref<1x80xi32, #tpu.memory_space<vmem>> -> memref<80xi32, #tpu.memory_space<vmem>>
    %dma_wait3A_197 = tpu.memref_slice %arg3[%multiple_of3A_185] : memref<320000xi32, #tpu.memory_space<hbm>> -> memref<80xi32, #tpu.memory_space<hbm>>
    tpu.wait_dma2 semaphore(%dma_wait3A_193 : memref<!tpu.dma_semaphore, #tpu.memory_space<semaphore_mem>>) src(%dma_wait3A_197 : memref<80xi32, #tpu.memory_space<hbm>>) dst(%dma_wait3A_196 : memref<80xi32, #tpu.memory_space<vmem>>)
    %dma_start3A_198 = arith.constant 2 : i32
    %dma_start3A_199 = arith.constant 2 : i32
    %dma_start3A_200 = arith.constant 2 : i32
    %dma_start3A_201 = arith.constant 0 : i32
    %dma_start3A_202 = arith.constant 0 : i32
    %dma_start3A_203 = tpu.memref_slice %arg9[%dma_start3A_199, %dma_start3A_201, %dma_start3A_202] : memref<4x80x128xf32, #tpu.memory_space<vmem>> -> memref<1x80x128xf32, #tpu.memory_space<vmem>>
    %dma_start3A_204 = tpu.memref_squeeze %dma_start3A_203 : memref<1x80x128xf32, #tpu.memory_space<vmem>> -> memref<80x128xf32, #tpu.memory_space<vmem>>
    %dma_start3A_205 = arith.constant 0 : i32
    %dma_start3A_206 = tpu.memref_slice %arg7[%dma_start3A_198, %dma_start3A_205] : memref<6x80xi32, #tpu.memory_space<vmem>> -> memref<1x80xi32, #tpu.memory_space<vmem>>
    %dma_start3A_207 = tpu.memref_squeeze %dma_start3A_206 : memref<1x80xi32, #tpu.memory_space<vmem>> -> memref<80xi32, #tpu.memory_space<vmem>>
    %dma_start3A_208 = arith.constant 0 : i32
    %dma_start3A_209 = arith.constant 0 : i32
    %dma_start3A_210 = tpu.memref_slice %arg2[%dma_start3A_208, %dma_start3A_209] : memref<10000x128xf32, #tpu.memory_space<hbm>> -> memref<10000x128xf32, #tpu.memory_space<hbm>>
    %dma_start3A_211 = tpu.memref_slice %arg11[%dma_start3A_200] : memref<4x!tpu.dma_semaphore, #tpu.memory_space<semaphore_mem>> -> memref<1x!tpu.dma_semaphore, #tpu.memory_space<semaphore_mem>>
    %dma_start3A_212 = tpu.memref_squeeze %dma_start3A_211 : memref<1x!tpu.dma_semaphore, #tpu.memory_space<semaphore_mem>> -> memref<!tpu.dma_semaphore, #tpu.memory_space<semaphore_mem>>
    tpu.enqueue_indirect_dma source(%dma_start3A_210 : memref<10000x128xf32, #tpu.memory_space<hbm>>) target(%dma_start3A_204 : memref<80x128xf32, #tpu.memory_space<vmem>>) offsets(%dma_start3A_207 : memref<80xi32, #tpu.memory_space<vmem>>) semaphore(%dma_start3A_212 : memref<!tpu.dma_semaphore, #tpu.memory_space<semaphore_mem>>)
    %barrier3A = arith.constant 0 : index
    tpu.barrier barrier_id(%barrier3A)
    %scan3A = arith.constant 0 : i32
    %scan3A_213 = arith.constant 0 : i32
    %scan3A_214 = arith.constant 125 : i32
    %scan3A_215 = arith.addi %scan3A_213, %scan3A_214 : i32
    %scan3A_216 = arith.constant 1 : i32
    %scan3A_217 = scf.for %scan3A_235 = %scan3A_213 to %scan3A_215 step %scan3A_216 iter_args(%scan3A_236 = %scan3A) -> (i32)  : i32 {
      %rem3A = arith.constant 4 : i32
      %rem3A_237 = arith.remsi %scan3A_235, %rem3A : i32
      %rem3A_238 = arith.constant 6 : i32
      %rem3A_239 = arith.remsi %scan3A_235, %rem3A_238 : i32
      %dma_wait3A_240 = arith.constant 0 : i32
      %dma_wait3A_241 = arith.constant 0 : i32
      %dma_wait3A_242 = tpu.memref_slice %arg9[%rem3A_237, %dma_wait3A_240, %dma_wait3A_241] : memref<4x80x128xf32, #tpu.memory_space<vmem>> -> memref<1x80x128xf32, #tpu.memory_space<vmem>>
      %dma_wait3A_243 = tpu.memref_squeeze %dma_wait3A_242 : memref<1x80x128xf32, #tpu.memory_space<vmem>> -> memref<80x128xf32, #tpu.memory_space<vmem>>
      %dma_wait3A_244 = arith.constant 0 : i32
      %dma_wait3A_245 = tpu.memref_slice %arg7[%rem3A_239, %dma_wait3A_244] : memref<6x80xi32, #tpu.memory_space<vmem>> -> memref<1x80xi32, #tpu.memory_space<vmem>>
      %dma_wait3A_246 = tpu.memref_squeeze %dma_wait3A_245 : memref<1x80xi32, #tpu.memory_space<vmem>> -> memref<80xi32, #tpu.memory_space<vmem>>
      %dma_wait3A_247 = arith.constant 0 : i32
      %dma_wait3A_248 = arith.constant 0 : i32
      %dma_wait3A_249 = tpu.memref_slice %arg2[%dma_wait3A_247, %dma_wait3A_248] : memref<10000x128xf32, #tpu.memory_space<hbm>> -> memref<10000x128xf32, #tpu.memory_space<hbm>>
      %dma_wait3A_250 = tpu.memref_slice %arg11[%rem3A_237] : memref<4x!tpu.dma_semaphore, #tpu.memory_space<semaphore_mem>> -> memref<1x!tpu.dma_semaphore, #tpu.memory_space<semaphore_mem>>
      %dma_wait3A_251 = tpu.memref_squeeze %dma_wait3A_250 : memref<1x!tpu.dma_semaphore, #tpu.memory_space<semaphore_mem>> -> memref<!tpu.dma_semaphore, #tpu.memory_space<semaphore_mem>>
      tpu.wait_indirect_dma semaphore(%dma_wait3A_251 : memref<!tpu.dma_semaphore, #tpu.memory_space<semaphore_mem>>) src(%dma_wait3A_249 : memref<10000x128xf32, #tpu.memory_space<hbm>>) dst(%dma_wait3A_243 : memref<80x128xf32, #tpu.memory_space<vmem>>)
      %ge3A = arith.constant 1 : i32
      %ge3A_252 = arith.cmpi sge, %scan3A_235, %ge3A : i32
      %convert_element_type3A = arith.extui %ge3A_252 : i1 to i32
      %cond3A = arith.constant 0 : i32
      %cond3A_253 = arith.cmpi ne, %convert_element_type3A, %cond3A : i32
      scf.if %cond3A_253 {
        %add3A_294 = arith.constant 3 : i32
        %add3A_295 = arith.addi %scan3A_235, %add3A_294 : i32
        %rem3A_296 = arith.constant 4 : i32
        %rem3A_297 = arith.remsi %add3A_295, %rem3A_296 : i32
        %add3A_298 = arith.constant 5 : i32
        %add3A_299 = arith.addi %scan3A_235, %add3A_298 : i32
        %rem3A_300 = arith.constant 6 : i32
        %rem3A_301 = arith.remsi %add3A_299, %rem3A_300 : i32
        %add3A_302 = arith.constant 3 : i32
        %add3A_303 = arith.addi %scan3A_235, %add3A_302 : i32
        %rem3A_304 = arith.constant 4 : i32
        %rem3A_305 = arith.remsi %add3A_303, %rem3A_304 : i32
        %dma_wait3A_306 = arith.constant 0 : i32
        %dma_wait3A_307 = arith.constant 0 : i32
        %dma_wait3A_308 = tpu.memref_slice %arg9[%rem3A_297, %dma_wait3A_306, %dma_wait3A_307] : memref<4x80x128xf32, #tpu.memory_space<vmem>> -> memref<1x80x128xf32, #tpu.memory_space<vmem>>
        %dma_wait3A_309 = tpu.memref_squeeze %dma_wait3A_308 : memref<1x80x128xf32, #tpu.memory_space<vmem>> -> memref<80x128xf32, #tpu.memory_space<vmem>>
        %dma_wait3A_310 = arith.constant 0 : i32
        %dma_wait3A_311 = tpu.memref_slice %arg8[%rem3A_301, %dma_wait3A_310] : memref<6x80xi32, #tpu.memory_space<vmem>> -> memref<1x80xi32, #tpu.memory_space<vmem>>
        %dma_wait3A_312 = tpu.memref_squeeze %dma_wait3A_311 : memref<1x80xi32, #tpu.memory_space<vmem>> -> memref<80xi32, #tpu.memory_space<vmem>>
        %dma_wait3A_313 = arith.constant 0 : i32
        %dma_wait3A_314 = arith.constant 0 : i32
        %dma_wait3A_315 = tpu.memref_slice %arg10[%dma_wait3A_313, %dma_wait3A_314] : memref<10240x128xf32, #tpu.memory_space<vmem_shared>> -> memref<10240x128xf32, #tpu.memory_space<vmem_shared>>
        %dma_wait3A_316 = tpu.memref_slice %arg12[%rem3A_305] : memref<4x!tpu.dma_semaphore, #tpu.memory_space<semaphore_mem>> -> memref<1x!tpu.dma_semaphore, #tpu.memory_space<semaphore_mem>>
        %dma_wait3A_317 = tpu.memref_squeeze %dma_wait3A_316 : memref<1x!tpu.dma_semaphore, #tpu.memory_space<semaphore_mem>> -> memref<!tpu.dma_semaphore, #tpu.memory_space<semaphore_mem>>
        tpu.wait_indirect_dma semaphore(%dma_wait3A_317 : memref<!tpu.dma_semaphore, #tpu.memory_space<semaphore_mem>>) src(%dma_wait3A_309 : memref<80x128xf32, #tpu.memory_space<vmem>>) dst(%dma_wait3A_315 : memref<10240x128xf32, #tpu.memory_space<vmem_shared>>)
      } else {
      }
      %add3A_254 = arith.constant 4 : i32
      %add3A_255 = arith.addi %scan3A_235, %add3A_254 : i32
      %lt3A = arith.constant 125 : i32
      %lt3A_256 = arith.cmpi slt, %add3A_255, %lt3A : i32
      %convert_element_type3A_257 = arith.extui %lt3A_256 : i1 to i32
      %cond3A_258 = arith.constant 0 : i32
      %cond3A_259 = arith.cmpi ne, %convert_element_type3A_257, %cond3A_258 : i32
      scf.if %cond3A_259 {
        %add3A_294 = arith.constant 4 : i32
        %add3A_295 = arith.addi %scan3A_235, %add3A_294 : i32
        %mul3A_296 = arith.constant 80 : i32
        %mul3A_297 = arith.muli %add3A_295, %mul3A_296 : i32
        %add3A_298 = arith.addi %mul3A_4, %mul3A_297 : i32
        %multiple_of3A_299 = tpu.assume_multiple %add3A_298, 8 : i32
        %add3A_300 = arith.constant 4 : i32
        %add3A_301 = arith.addi %scan3A_235, %add3A_300 : i32
        %rem3A_302 = arith.constant 6 : i32
        %rem3A_303 = arith.remsi %add3A_301, %rem3A_302 : i32
        %add3A_304 = arith.constant 4 : i32
        %add3A_305 = arith.addi %scan3A_235, %add3A_304 : i32
        %rem3A_306 = arith.constant 6 : i32
        %rem3A_307 = arith.remsi %add3A_305, %rem3A_306 : i32
        %dma_start3A_308 = arith.constant 0 : i32
        %dma_start3A_309 = tpu.memref_slice %arg7[%rem3A_303, %dma_start3A_308] : memref<6x80xi32, #tpu.memory_space<vmem>> -> memref<1x80xi32, #tpu.memory_space<vmem>>
        %dma_start3A_310 = tpu.memref_squeeze %dma_start3A_309 : memref<1x80xi32, #tpu.memory_space<vmem>> -> memref<80xi32, #tpu.memory_space<vmem>>
        %dma_start3A_311 = tpu.memref_slice %arg3[%multiple_of3A_299] : memref<320000xi32, #tpu.memory_space<hbm>> -> memref<80xi32, #tpu.memory_space<hbm>>
        %dma_start3A_312 = tpu.memref_slice %arg13[%rem3A_307] : memref<6x!tpu.dma_semaphore, #tpu.memory_space<semaphore_mem>> -> memref<1x!tpu.dma_semaphore, #tpu.memory_space<semaphore_mem>>
        %dma_start3A_313 = tpu.memref_squeeze %dma_start3A_312 : memref<1x!tpu.dma_semaphore, #tpu.memory_space<semaphore_mem>> -> memref<!tpu.dma_semaphore, #tpu.memory_space<semaphore_mem>>
        %dma_start3A_314 = arith.constant 0 : i32
        %dma_start3A_315 = tpu.memref_slice %arg7[%rem3A_303, %dma_start3A_314] : memref<6x80xi32, #tpu.memory_space<vmem>> -> memref<1x80xi32, #tpu.memory_space<vmem>>
        %dma_start3A_316 = tpu.memref_squeeze %dma_start3A_315 : memref<1x80xi32, #tpu.memory_space<vmem>> -> memref<80xi32, #tpu.memory_space<vmem>>
        %dma_start3A_317 = tpu.memref_slice %arg3[%multiple_of3A_299] : memref<320000xi32, #tpu.memory_space<hbm>> -> memref<80xi32, #tpu.memory_space<hbm>>
        tpu.enqueue_dma source(%dma_start3A_317 : memref<80xi32, #tpu.memory_space<hbm>>) target(%dma_start3A_316 : memref<80xi32, #tpu.memory_space<vmem>>) target_semaphore(%dma_start3A_313 : memref<!tpu.dma_semaphore, #tpu.memory_space<semaphore_mem>>)
        %add3A_318 = arith.constant 4 : i32
        %add3A_319 = arith.addi %scan3A_235, %add3A_318 : i32
        %mul3A_320 = arith.constant 80 : i32
        %mul3A_321 = arith.muli %add3A_319, %mul3A_320 : i32
        %add3A_322 = arith.addi %mul3A_4, %mul3A_321 : i32
        %multiple_of3A_323 = tpu.assume_multiple %add3A_322, 8 : i32
        %add3A_324 = arith.constant 4 : i32
        %add3A_325 = arith.addi %scan3A_235, %add3A_324 : i32
        %rem3A_326 = arith.constant 6 : i32
        %rem3A_327 = arith.remsi %add3A_325, %rem3A_326 : i32
        %add3A_328 = arith.constant 4 : i32
        %add3A_329 = arith.addi %scan3A_235, %add3A_328 : i32
        %rem3A_330 = arith.constant 6 : i32
        %rem3A_331 = arith.remsi %add3A_329, %rem3A_330 : i32
        %dma_start3A_332 = arith.constant 0 : i32
        %dma_start3A_333 = tpu.memref_slice %arg8[%rem3A_327, %dma_start3A_332] : memref<6x80xi32, #tpu.memory_space<vmem>> -> memref<1x80xi32, #tpu.memory_space<vmem>>
        %dma_start3A_334 = tpu.memref_squeeze %dma_start3A_333 : memref<1x80xi32, #tpu.memory_space<vmem>> -> memref<80xi32, #tpu.memory_space<vmem>>
        %dma_start3A_335 = tpu.memref_slice %arg4[%multiple_of3A_323] : memref<320000xi32, #tpu.memory_space<hbm>> -> memref<80xi32, #tpu.memory_space<hbm>>
        %dma_start3A_336 = tpu.memref_slice %arg14[%rem3A_331] : memref<6x!tpu.dma_semaphore, #tpu.memory_space<semaphore_mem>> -> memref<1x!tpu.dma_semaphore, #tpu.memory_space<semaphore_mem>>
        %dma_start3A_337 = tpu.memref_squeeze %dma_start3A_336 : memref<1x!tpu.dma_semaphore, #tpu.memory_space<semaphore_mem>> -> memref<!tpu.dma_semaphore, #tpu.memory_space<semaphore_mem>>
        %dma_start3A_338 = arith.constant 0 : i32
        %dma_start3A_339 = tpu.memref_slice %arg8[%rem3A_327, %dma_start3A_338] : memref<6x80xi32, #tpu.memory_space<vmem>> -> memref<1x80xi32, #tpu.memory_space<vmem>>
        %dma_start3A_340 = tpu.memref_squeeze %dma_start3A_339 : memref<1x80xi32, #tpu.memory_space<vmem>> -> memref<80xi32, #tpu.memory_space<vmem>>
        %dma_start3A_341 = tpu.memref_slice %arg4[%multiple_of3A_323] : memref<320000xi32, #tpu.memory_space<hbm>> -> memref<80xi32, #tpu.memory_space<hbm>>
        tpu.enqueue_dma source(%dma_start3A_341 : memref<80xi32, #tpu.memory_space<hbm>>) target(%dma_start3A_340 : memref<80xi32, #tpu.memory_space<vmem>>) target_semaphore(%dma_start3A_337 : memref<!tpu.dma_semaphore, #tpu.memory_space<semaphore_mem>>)
      } else {
      }
      %add3A_260 = arith.constant 3 : i32
      %add3A_261 = arith.addi %scan3A_235, %add3A_260 : i32
      %lt3A_262 = arith.constant 125 : i32
      %lt3A_263 = arith.cmpi slt, %add3A_261, %lt3A_262 : i32
      %convert_element_type3A_264 = arith.extui %lt3A_263 : i1 to i32
      %cond3A_265 = arith.constant 0 : i32
      %cond3A_266 = arith.cmpi ne, %convert_element_type3A_264, %cond3A_265 : i32
      scf.if %cond3A_266 {
        %add3A_294 = arith.constant 3 : i32
        %add3A_295 = arith.addi %scan3A_235, %add3A_294 : i32
        %mul3A_296 = arith.constant 80 : i32
        %mul3A_297 = arith.muli %add3A_295, %mul3A_296 : i32
        %add3A_298 = arith.addi %mul3A_4, %mul3A_297 : i32
        %multiple_of3A_299 = tpu.assume_multiple %add3A_298, 8 : i32
        %add3A_300 = arith.constant 3 : i32
        %add3A_301 = arith.addi %scan3A_235, %add3A_300 : i32
        %rem3A_302 = arith.constant 6 : i32
        %rem3A_303 = arith.remsi %add3A_301, %rem3A_302 : i32
        %add3A_304 = arith.constant 3 : i32
        %add3A_305 = arith.addi %scan3A_235, %add3A_304 : i32
        %rem3A_306 = arith.constant 6 : i32
        %rem3A_307 = arith.remsi %add3A_305, %rem3A_306 : i32
        %dma_wait3A_308 = arith.constant 0 : i32
        %dma_wait3A_309 = tpu.memref_slice %arg7[%rem3A_303, %dma_wait3A_308] : memref<6x80xi32, #tpu.memory_space<vmem>> -> memref<1x80xi32, #tpu.memory_space<vmem>>
        %dma_wait3A_310 = tpu.memref_squeeze %dma_wait3A_309 : memref<1x80xi32, #tpu.memory_space<vmem>> -> memref<80xi32, #tpu.memory_space<vmem>>
        %dma_wait3A_311 = tpu.memref_slice %arg3[%multiple_of3A_299] : memref<320000xi32, #tpu.memory_space<hbm>> -> memref<80xi32, #tpu.memory_space<hbm>>
        %dma_wait3A_312 = tpu.memref_slice %arg13[%rem3A_307] : memref<6x!tpu.dma_semaphore, #tpu.memory_space<semaphore_mem>> -> memref<1x!tpu.dma_semaphore, #tpu.memory_space<semaphore_mem>>
        %dma_wait3A_313 = tpu.memref_squeeze %dma_wait3A_312 : memref<1x!tpu.dma_semaphore, #tpu.memory_space<semaphore_mem>> -> memref<!tpu.dma_semaphore, #tpu.memory_space<semaphore_mem>>
        %dma_wait3A_314 = arith.constant 0 : i32
        %dma_wait3A_315 = tpu.memref_slice %arg7[%rem3A_303, %dma_wait3A_314] : memref<6x80xi32, #tpu.memory_space<vmem>> -> memref<1x80xi32, #tpu.memory_space<vmem>>
        %dma_wait3A_316 = tpu.memref_squeeze %dma_wait3A_315 : memref<1x80xi32, #tpu.memory_space<vmem>> -> memref<80xi32, #tpu.memory_space<vmem>>
        %dma_wait3A_317 = tpu.memref_slice %arg3[%multiple_of3A_299] : memref<320000xi32, #tpu.memory_space<hbm>> -> memref<80xi32, #tpu.memory_space<hbm>>
        tpu.wait_dma2 semaphore(%dma_wait3A_313 : memref<!tpu.dma_semaphore, #tpu.memory_space<semaphore_mem>>) src(%dma_wait3A_317 : memref<80xi32, #tpu.memory_space<hbm>>) dst(%dma_wait3A_316 : memref<80xi32, #tpu.memory_space<vmem>>)
        %add3A_318 = arith.constant 3 : i32
        %add3A_319 = arith.addi %scan3A_235, %add3A_318 : i32
        %rem3A_320 = arith.constant 6 : i32
        %rem3A_321 = arith.remsi %add3A_319, %rem3A_320 : i32
        %add3A_322 = arith.constant 3 : i32
        %add3A_323 = arith.addi %scan3A_235, %add3A_322 : i32
        %rem3A_324 = arith.constant 4 : i32
        %rem3A_325 = arith.remsi %add3A_323, %rem3A_324 : i32
        %add3A_326 = arith.constant 3 : i32
        %add3A_327 = arith.addi %scan3A_235, %add3A_326 : i32
        %rem3A_328 = arith.constant 4 : i32
        %rem3A_329 = arith.remsi %add3A_327, %rem3A_328 : i32
        %dma_start3A_330 = arith.constant 0 : i32
        %dma_start3A_331 = arith.constant 0 : i32
        %dma_start3A_332 = tpu.memref_slice %arg9[%rem3A_325, %dma_start3A_330, %dma_start3A_331] : memref<4x80x128xf32, #tpu.memory_space<vmem>> -> memref<1x80x128xf32, #tpu.memory_space<vmem>>
        %dma_start3A_333 = tpu.memref_squeeze %dma_start3A_332 : memref<1x80x128xf32, #tpu.memory_space<vmem>> -> memref<80x128xf32, #tpu.memory_space<vmem>>
        %dma_start3A_334 = arith.constant 0 : i32
        %dma_start3A_335 = tpu.memref_slice %arg7[%rem3A_321, %dma_start3A_334] : memref<6x80xi32, #tpu.memory_space<vmem>> -> memref<1x80xi32, #tpu.memory_space<vmem>>
        %dma_start3A_336 = tpu.memref_squeeze %dma_start3A_335 : memref<1x80xi32, #tpu.memory_space<vmem>> -> memref<80xi32, #tpu.memory_space<vmem>>
        %dma_start3A_337 = arith.constant 0 : i32
        %dma_start3A_338 = arith.constant 0 : i32
        %dma_start3A_339 = tpu.memref_slice %arg2[%dma_start3A_337, %dma_start3A_338] : memref<10000x128xf32, #tpu.memory_space<hbm>> -> memref<10000x128xf32, #tpu.memory_space<hbm>>
        %dma_start3A_340 = tpu.memref_slice %arg11[%rem3A_329] : memref<4x!tpu.dma_semaphore, #tpu.memory_space<semaphore_mem>> -> memref<1x!tpu.dma_semaphore, #tpu.memory_space<semaphore_mem>>
        %dma_start3A_341 = tpu.memref_squeeze %dma_start3A_340 : memref<1x!tpu.dma_semaphore, #tpu.memory_space<semaphore_mem>> -> memref<!tpu.dma_semaphore, #tpu.memory_space<semaphore_mem>>
        tpu.enqueue_indirect_dma source(%dma_start3A_339 : memref<10000x128xf32, #tpu.memory_space<hbm>>) target(%dma_start3A_333 : memref<80x128xf32, #tpu.memory_space<vmem>>) offsets(%dma_start3A_336 : memref<80xi32, #tpu.memory_space<vmem>>) semaphore(%dma_start3A_341 : memref<!tpu.dma_semaphore, #tpu.memory_space<semaphore_mem>>)
      } else {
      }
      %mul3A_267 = arith.constant 80 : i32
      %mul3A_268 = arith.muli %scan3A_235, %mul3A_267 : i32
      %add3A_269 = arith.addi %mul3A_4, %mul3A_268 : i32
      %multiple_of3A_270 = tpu.assume_multiple %add3A_269, 8 : i32
      %dma_wait3A_271 = arith.constant 0 : i32
      %dma_wait3A_272 = tpu.memref_slice %arg8[%rem3A_239, %dma_wait3A_271] : memref<6x80xi32, #tpu.memory_space<vmem>> -> memref<1x80xi32, #tpu.memory_space<vmem>>
      %dma_wait3A_273 = tpu.memref_squeeze %dma_wait3A_272 : memref<1x80xi32, #tpu.memory_space<vmem>> -> memref<80xi32, #tpu.memory_space<vmem>>
      %dma_wait3A_274 = tpu.memref_slice %arg4[%multiple_of3A_270] : memref<320000xi32, #tpu.memory_space<hbm>> -> memref<80xi32, #tpu.memory_space<hbm>>
      %dma_wait3A_275 = tpu.memref_slice %arg14[%rem3A_239] : memref<6x!tpu.dma_semaphore, #tpu.memory_space<semaphore_mem>> -> memref<1x!tpu.dma_semaphore, #tpu.memory_space<semaphore_mem>>
      %dma_wait3A_276 = tpu.memref_squeeze %dma_wait3A_275 : memref<1x!tpu.dma_semaphore, #tpu.memory_space<semaphore_mem>> -> memref<!tpu.dma_semaphore, #tpu.memory_space<semaphore_mem>>
      %dma_wait3A_277 = arith.constant 0 : i32
      %dma_wait3A_278 = tpu.memref_slice %arg8[%rem3A_239, %dma_wait3A_277] : memref<6x80xi32, #tpu.memory_space<vmem>> -> memref<1x80xi32, #tpu.memory_space<vmem>>
      %dma_wait3A_279 = tpu.memref_squeeze %dma_wait3A_278 : memref<1x80xi32, #tpu.memory_space<vmem>> -> memref<80xi32, #tpu.memory_space<vmem>>
      %dma_wait3A_280 = tpu.memref_slice %arg4[%multiple_of3A_270] : memref<320000xi32, #tpu.memory_space<hbm>> -> memref<80xi32, #tpu.memory_space<hbm>>
      tpu.wait_dma2 semaphore(%dma_wait3A_276 : memref<!tpu.dma_semaphore, #tpu.memory_space<semaphore_mem>>) src(%dma_wait3A_280 : memref<80xi32, #tpu.memory_space<hbm>>) dst(%dma_wait3A_279 : memref<80xi32, #tpu.memory_space<vmem>>)
      %dma_start3A_281 = arith.constant 0 : i32
      %dma_start3A_282 = arith.constant 0 : i32
      %dma_start3A_283 = tpu.memref_slice %arg9[%rem3A_237, %dma_start3A_281, %dma_start3A_282] : memref<4x80x128xf32, #tpu.memory_space<vmem>> -> memref<1x80x128xf32, #tpu.memory_space<vmem>>
      %dma_start3A_284 = tpu.memref_squeeze %dma_start3A_283 : memref<1x80x128xf32, #tpu.memory_space<vmem>> -> memref<80x128xf32, #tpu.memory_space<vmem>>
      %dma_start3A_285 = arith.constant 0 : i32
      %dma_start3A_286 = tpu.memref_slice %arg8[%rem3A_239, %dma_start3A_285] : memref<6x80xi32, #tpu.memory_space<vmem>> -> memref<1x80xi32, #tpu.memory_space<vmem>>
      %dma_start3A_287 = tpu.memref_squeeze %dma_start3A_286 : memref<1x80xi32, #tpu.memory_space<vmem>> -> memref<80xi32, #tpu.memory_space<vmem>>
      %dma_start3A_288 = arith.constant 0 : i32
      %dma_start3A_289 = arith.constant 0 : i32
      %dma_start3A_290 = tpu.memref_slice %arg10[%dma_start3A_288, %dma_start3A_289] : memref<10240x128xf32, #tpu.memory_space<vmem_shared>> -> memref<10240x128xf32, #tpu.memory_space<vmem_shared>>
      %dma_start3A_291 = tpu.memref_slice %arg12[%rem3A_237] : memref<4x!tpu.dma_semaphore, #tpu.memory_space<semaphore_mem>> -> memref<1x!tpu.dma_semaphore, #tpu.memory_space<semaphore_mem>>
      %dma_start3A_292 = tpu.memref_squeeze %dma_start3A_291 : memref<1x!tpu.dma_semaphore, #tpu.memory_space<semaphore_mem>> -> memref<!tpu.dma_semaphore, #tpu.memory_space<semaphore_mem>>
      tpu.enqueue_indirect_dma source(%dma_start3A_284 : memref<80x128xf32, #tpu.memory_space<vmem>>) target(%dma_start3A_290 : memref<10240x128xf32, #tpu.memory_space<vmem_shared>>) offsets(%dma_start3A_287 : memref<80xi32, #tpu.memory_space<vmem>>) semaphore(%dma_start3A_292 : memref<!tpu.dma_semaphore, #tpu.memory_space<semaphore_mem>>) {add = true}
      %scan3A_293 = arith.constant 0 : i32
      scf.yield %scan3A_293 : i32
    }
    %scan3A_218 = arith.constant 125 : i32
    %dma_wait3A_219 = arith.constant 0 : i32
    %dma_wait3A_220 = arith.constant 4 : i32
    %dma_wait3A_221 = arith.constant 0 : i32
    %dma_wait3A_222 = arith.constant 0 : i32
    %dma_wait3A_223 = arith.constant 0 : i32
    %dma_wait3A_224 = tpu.memref_slice %arg9[%dma_wait3A_219, %dma_wait3A_222, %dma_wait3A_223] : memref<4x80x128xf32, #tpu.memory_space<vmem>> -> memref<1x80x128xf32, #tpu.memory_space<vmem>>
    %dma_wait3A_225 = tpu.memref_squeeze %dma_wait3A_224 : memref<1x80x128xf32, #tpu.memory_space<vmem>> -> memref<80x128xf32, #tpu.memory_space<vmem>>
    %dma_wait3A_226 = arith.constant 0 : i32
    %dma_wait3A_227 = tpu.memref_slice %arg8[%dma_wait3A_220, %dma_wait3A_226] : memref<6x80xi32, #tpu.memory_space<vmem>> -> memref<1x80xi32, #tpu.memory_space<vmem>>
    %dma_wait3A_228 = tpu.memref_squeeze %dma_wait3A_227 : memref<1x80xi32, #tpu.memory_space<vmem>> -> memref<80xi32, #tpu.memory_space<vmem>>
    %dma_wait3A_229 = arith.constant 0 : i32
    %dma_wait3A_230 = arith.constant 0 : i32
    %dma_wait3A_231 = tpu.memref_slice %arg10[%dma_wait3A_229, %dma_wait3A_230] : memref<10240x128xf32, #tpu.memory_space<vmem_shared>> -> memref<10240x128xf32, #tpu.memory_space<vmem_shared>>
    %dma_wait3A_232 = tpu.memref_slice %arg12[%dma_wait3A_221] : memref<4x!tpu.dma_semaphore, #tpu.memory_space<semaphore_mem>> -> memref<1x!tpu.dma_semaphore, #tpu.memory_space<semaphore_mem>>
    %dma_wait3A_233 = tpu.memref_squeeze %dma_wait3A_232 : memref<1x!tpu.dma_semaphore, #tpu.memory_space<semaphore_mem>> -> memref<!tpu.dma_semaphore, #tpu.memory_space<semaphore_mem>>
    tpu.wait_indirect_dma semaphore(%dma_wait3A_233 : memref<!tpu.dma_semaphore, #tpu.memory_space<semaphore_mem>>) src(%dma_wait3A_225 : memref<80x128xf32, #tpu.memory_space<vmem>>) dst(%dma_wait3A_231 : memref<10240x128xf32, #tpu.memory_space<vmem_shared>>)
    %barrier3A_234 = arith.constant 0 : index
    tpu.barrier barrier_id(%barrier3A_234)
    "tpu.region"() ({
      %run_scoped3A = tpu.sem_alloc : memref<!tpu.dma_semaphore, #tpu.memory_space<semaphore_mem>>
      %dma_start3A_235 = arith.constant 0 : i32
      %dma_start3A_236 = tpu.memref_slice %arg6[%arg0, %multiple_of3A, %dma_start3A_235] : memref<2x10240x128xf32, #tpu.memory_space<hbm>> -> memref<1x640x128xf32, #tpu.memory_space<hbm>>
      %dma_start3A_237 = tpu.memref_squeeze %dma_start3A_236 : memref<1x640x128xf32, #tpu.memory_space<hbm>> -> memref<640x128xf32, #tpu.memory_space<hbm>>
      %dma_start3A_238 = arith.constant 0 : i32
      %dma_start3A_239 = tpu.memref_slice %arg10[%multiple_of3A, %dma_start3A_238] : memref<10240x128xf32, #tpu.memory_space<vmem_shared>> -> memref<640x128xf32, #tpu.memory_space<vmem_shared>>
      tpu.enqueue_dma source(%dma_start3A_239 : memref<640x128xf32, #tpu.memory_space<vmem_shared>>) target(%dma_start3A_237 : memref<640x128xf32, #tpu.memory_space<hbm>>) target_semaphore(%run_scoped3A : memref<!tpu.dma_semaphore, #tpu.memory_space<semaphore_mem>>)
      %dma_wait3A_240 = arith.constant 0 : i32
      %dma_wait3A_241 = tpu.memref_slice %arg6[%arg0, %multiple_of3A, %dma_wait3A_240] : memref<2x10240x128xf32, #tpu.memory_space<hbm>> -> memref<1x640x128xf32, #tpu.memory_space<hbm>>
      %dma_wait3A_242 = tpu.memref_squeeze %dma_wait3A_241 : memref<1x640x128xf32, #tpu.memory_space<hbm>> -> memref<640x128xf32, #tpu.memory_space<hbm>>
      %dma_wait3A_243 = arith.constant 0 : i32
      %dma_wait3A_244 = tpu.memref_slice %arg10[%multiple_of3A, %dma_wait3A_243] : memref<10240x128xf32, #tpu.memory_space<vmem_shared>> -> memref<640x128xf32, #tpu.memory_space<vmem_shared>>
      tpu.wait_dma2 semaphore(%run_scoped3A : memref<!tpu.dma_semaphore, #tpu.memory_space<semaphore_mem>>) src(%dma_wait3A_244 : memref<640x128xf32, #tpu.memory_space<vmem_shared>>) dst(%dma_wait3A_242 : memref<640x128xf32, #tpu.memory_space<hbm>>)
      tpu.yield
    }) : () -> ()
    return
  }
}

#map = affine_map<(d0, d1) -> (0, 0)>
#map1 = affine_map<(d0, d1) -> (0)>
#map2 = affine_map<(d0, d1) -> (0, 0, 0)>
module attributes {stable_mosaic.version = 14 : i64} {
  func.func @_sc_agg_deg_kernel(%arg0: i32, %arg1: i32, %arg2: memref<10000x128xf32, #tpu.memory_space<hbm>>, %arg3: memref<320000xi32, #tpu.memory_space<hbm>>, %arg4: memref<320000xi32, #tpu.memory_space<hbm>>, %arg5: memref<640x128xf32, #tpu.memory_space<hbm>>, %arg6: memref<80x128xf32, #tpu.memory_space<hbm>>, %arg7: memref<2x10240x128xf32, #tpu.memory_space<hbm>>, %arg8: memref<2x10240x128xf32, #tpu.memory_space<hbm>>, %arg9: memref<6x80xi32, #tpu.memory_space<vmem>>, %arg10: memref<6x80xi32, #tpu.memory_space<vmem>>, %arg11: memref<4x80x128xf32, #tpu.memory_space<vmem>>, %arg12: memref<10240x128xf32, #tpu.memory_space<vmem_shared>>, %arg13: memref<4x!tpu.dma_semaphore, #tpu.memory_space<semaphore_mem>>, %arg14: memref<4x!tpu.dma_semaphore, #tpu.memory_space<semaphore_mem>>, %arg15: memref<6x!tpu.dma_semaphore, #tpu.memory_space<semaphore_mem>>, %arg16: memref<6x!tpu.dma_semaphore, #tpu.memory_space<semaphore_mem>>) attributes {dimension_semantics = [#tpu.dimension_semantics<core_parallel>, #tpu.dimension_semantics<subcore_parallel>], iteration_bounds = array<i64: 2, 16>, scalar_prefetch = 0 : i64, scratch_operands = 8 : i64, tpu.core_type = #tpu.core_type<sc_vector_subcore>, window_params = [{transform_indices = #map}, {transform_indices = #map1}, {transform_indices = #map1}, {transform_indices = #map}, {transform_indices = #map}, {transform_indices = #map2}, {transform_indices = #map2}]} {
    %mul3A = arith.constant 16 : i32
    %mul3A_0 = arith.muli %arg0, %mul3A : i32
    %add3A = arith.addi %mul3A_0, %arg1 : i32
    %mul3A_1 = arith.constant 10000 : i32
    %mul3A_2 = arith.muli %add3A, %mul3A_1 : i32
    %mul3A_3 = arith.constant 640 : i32
    %mul3A_4 = arith.muli %arg1, %mul3A_3 : i32
    %multiple_of3A = tpu.assume_multiple %mul3A_4, 8 : i32
    %mul3A_5 = arith.constant 16 : i32
    %mul3A_6 = arith.muli %arg0, %mul3A_5 : i32
    %add3A_7 = arith.addi %mul3A_6, %arg1 : i32
    %mul3A_8 = arith.constant 640 : i32
    %mul3A_9 = arith.muli %arg1, %mul3A_8 : i32
    %multiple_of3A_10 = tpu.assume_multiple %mul3A_9, 8 : i32
    %mul3A_11 = arith.constant 10000 : i32
    %mul3A_12 = arith.muli %add3A_7, %mul3A_11 : i32
    %add3A_13 = arith.constant 0 : i32
    %add3A_14 = arith.addi %mul3A_12, %add3A_13 : i32
    %multiple_of3A_15 = tpu.assume_multiple %add3A_14, 8 : i32
    %dma_start3A = arith.constant 0 : i32
    %dma_start3A_16 = arith.constant 0 : i32
    %dma_start3A_17 = arith.constant 0 : i32
    %dma_start3A_18 = tpu.memref_slice %arg9[%dma_start3A, %dma_start3A_17] : memref<6x80xi32, #tpu.memory_space<vmem>> -> memref<1x80xi32, #tpu.memory_space<vmem>>
    %dma_start3A_19 = tpu.memref_squeeze %dma_start3A_18 : memref<1x80xi32, #tpu.memory_space<vmem>> -> memref<80xi32, #tpu.memory_space<vmem>>
    %dma_start3A_20 = tpu.memref_slice %arg3[%multiple_of3A_15] : memref<320000xi32, #tpu.memory_space<hbm>> -> memref<80xi32, #tpu.memory_space<hbm>>
    %dma_start3A_21 = tpu.memref_slice %arg15[%dma_start3A_16] : memref<6x!tpu.dma_semaphore, #tpu.memory_space<semaphore_mem>> -> memref<1x!tpu.dma_semaphore, #tpu.memory_space<semaphore_mem>>
    %dma_start3A_22 = tpu.memref_squeeze %dma_start3A_21 : memref<1x!tpu.dma_semaphore, #tpu.memory_space<semaphore_mem>> -> memref<!tpu.dma_semaphore, #tpu.memory_space<semaphore_mem>>
    %dma_start3A_23 = arith.constant 0 : i32
    %dma_start3A_24 = tpu.memref_slice %arg9[%dma_start3A, %dma_start3A_23] : memref<6x80xi32, #tpu.memory_space<vmem>> -> memref<1x80xi32, #tpu.memory_space<vmem>>
    %dma_start3A_25 = tpu.memref_squeeze %dma_start3A_24 : memref<1x80xi32, #tpu.memory_space<vmem>> -> memref<80xi32, #tpu.memory_space<vmem>>
    %dma_start3A_26 = tpu.memref_slice %arg3[%multiple_of3A_15] : memref<320000xi32, #tpu.memory_space<hbm>> -> memref<80xi32, #tpu.memory_space<hbm>>
    tpu.enqueue_dma source(%dma_start3A_26 : memref<80xi32, #tpu.memory_space<hbm>>) target(%dma_start3A_25 : memref<80xi32, #tpu.memory_space<vmem>>) target_semaphore(%dma_start3A_22 : memref<!tpu.dma_semaphore, #tpu.memory_space<semaphore_mem>>)
    %add3A_27 = arith.constant 0 : i32
    %add3A_28 = arith.addi %mul3A_12, %add3A_27 : i32
    %multiple_of3A_29 = tpu.assume_multiple %add3A_28, 8 : i32
    %dma_start3A_30 = arith.constant 0 : i32
    %dma_start3A_31 = arith.constant 0 : i32
    %dma_start3A_32 = arith.constant 0 : i32
    %dma_start3A_33 = tpu.memref_slice %arg10[%dma_start3A_30, %dma_start3A_32] : memref<6x80xi32, #tpu.memory_space<vmem>> -> memref<1x80xi32, #tpu.memory_space<vmem>>
    %dma_start3A_34 = tpu.memref_squeeze %dma_start3A_33 : memref<1x80xi32, #tpu.memory_space<vmem>> -> memref<80xi32, #tpu.memory_space<vmem>>
    %dma_start3A_35 = tpu.memref_slice %arg4[%multiple_of3A_29] : memref<320000xi32, #tpu.memory_space<hbm>> -> memref<80xi32, #tpu.memory_space<hbm>>
    %dma_start3A_36 = tpu.memref_slice %arg16[%dma_start3A_31] : memref<6x!tpu.dma_semaphore, #tpu.memory_space<semaphore_mem>> -> memref<1x!tpu.dma_semaphore, #tpu.memory_space<semaphore_mem>>
    %dma_start3A_37 = tpu.memref_squeeze %dma_start3A_36 : memref<1x!tpu.dma_semaphore, #tpu.memory_space<semaphore_mem>> -> memref<!tpu.dma_semaphore, #tpu.memory_space<semaphore_mem>>
    %dma_start3A_38 = arith.constant 0 : i32
    %dma_start3A_39 = tpu.memref_slice %arg10[%dma_start3A_30, %dma_start3A_38] : memref<6x80xi32, #tpu.memory_space<vmem>> -> memref<1x80xi32, #tpu.memory_space<vmem>>
    %dma_start3A_40 = tpu.memref_squeeze %dma_start3A_39 : memref<1x80xi32, #tpu.memory_space<vmem>> -> memref<80xi32, #tpu.memory_space<vmem>>
    %dma_start3A_41 = tpu.memref_slice %arg4[%multiple_of3A_29] : memref<320000xi32, #tpu.memory_space<hbm>> -> memref<80xi32, #tpu.memory_space<hbm>>
    tpu.enqueue_dma source(%dma_start3A_41 : memref<80xi32, #tpu.memory_space<hbm>>) target(%dma_start3A_40 : memref<80xi32, #tpu.memory_space<vmem>>) target_semaphore(%dma_start3A_37 : memref<!tpu.dma_semaphore, #tpu.memory_space<semaphore_mem>>)
    %add3A_42 = arith.constant 80 : i32
    %add3A_43 = arith.addi %mul3A_12, %add3A_42 : i32
    %multiple_of3A_44 = tpu.assume_multiple %add3A_43, 8 : i32
    %dma_start3A_45 = arith.constant 1 : i32
    %dma_start3A_46 = arith.constant 1 : i32
    %dma_start3A_47 = arith.constant 0 : i32
    %dma_start3A_48 = tpu.memref_slice %arg9[%dma_start3A_45, %dma_start3A_47] : memref<6x80xi32, #tpu.memory_space<vmem>> -> memref<1x80xi32, #tpu.memory_space<vmem>>
    %dma_start3A_49 = tpu.memref_squeeze %dma_start3A_48 : memref<1x80xi32, #tpu.memory_space<vmem>> -> memref<80xi32, #tpu.memory_space<vmem>>
    %dma_start3A_50 = tpu.memref_slice %arg3[%multiple_of3A_44] : memref<320000xi32, #tpu.memory_space<hbm>> -> memref<80xi32, #tpu.memory_space<hbm>>
    %dma_start3A_51 = tpu.memref_slice %arg15[%dma_start3A_46] : memref<6x!tpu.dma_semaphore, #tpu.memory_space<semaphore_mem>> -> memref<1x!tpu.dma_semaphore, #tpu.memory_space<semaphore_mem>>
    %dma_start3A_52 = tpu.memref_squeeze %dma_start3A_51 : memref<1x!tpu.dma_semaphore, #tpu.memory_space<semaphore_mem>> -> memref<!tpu.dma_semaphore, #tpu.memory_space<semaphore_mem>>
    %dma_start3A_53 = arith.constant 0 : i32
    %dma_start3A_54 = tpu.memref_slice %arg9[%dma_start3A_45, %dma_start3A_53] : memref<6x80xi32, #tpu.memory_space<vmem>> -> memref<1x80xi32, #tpu.memory_space<vmem>>
    %dma_start3A_55 = tpu.memref_squeeze %dma_start3A_54 : memref<1x80xi32, #tpu.memory_space<vmem>> -> memref<80xi32, #tpu.memory_space<vmem>>
    %dma_start3A_56 = tpu.memref_slice %arg3[%multiple_of3A_44] : memref<320000xi32, #tpu.memory_space<hbm>> -> memref<80xi32, #tpu.memory_space<hbm>>
    tpu.enqueue_dma source(%dma_start3A_56 : memref<80xi32, #tpu.memory_space<hbm>>) target(%dma_start3A_55 : memref<80xi32, #tpu.memory_space<vmem>>) target_semaphore(%dma_start3A_52 : memref<!tpu.dma_semaphore, #tpu.memory_space<semaphore_mem>>)
    %add3A_57 = arith.constant 80 : i32
    %add3A_58 = arith.addi %mul3A_12, %add3A_57 : i32
    %multiple_of3A_59 = tpu.assume_multiple %add3A_58, 8 : i32
    %dma_start3A_60 = arith.constant 1 : i32
    %dma_start3A_61 = arith.constant 1 : i32
    %dma_start3A_62 = arith.constant 0 : i32
    %dma_start3A_63 = tpu.memref_slice %arg10[%dma_start3A_60, %dma_start3A_62] : memref<6x80xi32, #tpu.memory_space<vmem>> -> memref<1x80xi32, #tpu.memory_space<vmem>>
    %dma_start3A_64 = tpu.memref_squeeze %dma_start3A_63 : memref<1x80xi32, #tpu.memory_space<vmem>> -> memref<80xi32, #tpu.memory_space<vmem>>
    %dma_start3A_65 = tpu.memref_slice %arg4[%multiple_of3A_59] : memref<320000xi32, #tpu.memory_space<hbm>> -> memref<80xi32, #tpu.memory_space<hbm>>
    %dma_start3A_66 = tpu.memref_slice %arg16[%dma_start3A_61] : memref<6x!tpu.dma_semaphore, #tpu.memory_space<semaphore_mem>> -> memref<1x!tpu.dma_semaphore, #tpu.memory_space<semaphore_mem>>
    %dma_start3A_67 = tpu.memref_squeeze %dma_start3A_66 : memref<1x!tpu.dma_semaphore, #tpu.memory_space<semaphore_mem>> -> memref<!tpu.dma_semaphore, #tpu.memory_space<semaphore_mem>>
    %dma_start3A_68 = arith.constant 0 : i32
    %dma_start3A_69 = tpu.memref_slice %arg10[%dma_start3A_60, %dma_start3A_68] : memref<6x80xi32, #tpu.memory_space<vmem>> -> memref<1x80xi32, #tpu.memory_space<vmem>>
    %dma_start3A_70 = tpu.memref_squeeze %dma_start3A_69 : memref<1x80xi32, #tpu.memory_space<vmem>> -> memref<80xi32, #tpu.memory_space<vmem>>
    %dma_start3A_71 = tpu.memref_slice %arg4[%multiple_of3A_59] : memref<320000xi32, #tpu.memory_space<hbm>> -> memref<80xi32, #tpu.memory_space<hbm>>
    tpu.enqueue_dma source(%dma_start3A_71 : memref<80xi32, #tpu.memory_space<hbm>>) target(%dma_start3A_70 : memref<80xi32, #tpu.memory_space<vmem>>) target_semaphore(%dma_start3A_67 : memref<!tpu.dma_semaphore, #tpu.memory_space<semaphore_mem>>)
    %add3A_72 = arith.constant 160 : i32
    %add3A_73 = arith.addi %mul3A_12, %add3A_72 : i32
    %multiple_of3A_74 = tpu.assume_multiple %add3A_73, 8 : i32
    %dma_start3A_75 = arith.constant 2 : i32
    %dma_start3A_76 = arith.constant 2 : i32
    %dma_start3A_77 = arith.constant 0 : i32
    %dma_start3A_78 = tpu.memref_slice %arg9[%dma_start3A_75, %dma_start3A_77] : memref<6x80xi32, #tpu.memory_space<vmem>> -> memref<1x80xi32, #tpu.memory_space<vmem>>
    %dma_start3A_79 = tpu.memref_squeeze %dma_start3A_78 : memref<1x80xi32, #tpu.memory_space<vmem>> -> memref<80xi32, #tpu.memory_space<vmem>>
    %dma_start3A_80 = tpu.memref_slice %arg3[%multiple_of3A_74] : memref<320000xi32, #tpu.memory_space<hbm>> -> memref<80xi32, #tpu.memory_space<hbm>>
    %dma_start3A_81 = tpu.memref_slice %arg15[%dma_start3A_76] : memref<6x!tpu.dma_semaphore, #tpu.memory_space<semaphore_mem>> -> memref<1x!tpu.dma_semaphore, #tpu.memory_space<semaphore_mem>>
    %dma_start3A_82 = tpu.memref_squeeze %dma_start3A_81 : memref<1x!tpu.dma_semaphore, #tpu.memory_space<semaphore_mem>> -> memref<!tpu.dma_semaphore, #tpu.memory_space<semaphore_mem>>
    %dma_start3A_83 = arith.constant 0 : i32
    %dma_start3A_84 = tpu.memref_slice %arg9[%dma_start3A_75, %dma_start3A_83] : memref<6x80xi32, #tpu.memory_space<vmem>> -> memref<1x80xi32, #tpu.memory_space<vmem>>
    %dma_start3A_85 = tpu.memref_squeeze %dma_start3A_84 : memref<1x80xi32, #tpu.memory_space<vmem>> -> memref<80xi32, #tpu.memory_space<vmem>>
    %dma_start3A_86 = tpu.memref_slice %arg3[%multiple_of3A_74] : memref<320000xi32, #tpu.memory_space<hbm>> -> memref<80xi32, #tpu.memory_space<hbm>>
    tpu.enqueue_dma source(%dma_start3A_86 : memref<80xi32, #tpu.memory_space<hbm>>) target(%dma_start3A_85 : memref<80xi32, #tpu.memory_space<vmem>>) target_semaphore(%dma_start3A_82 : memref<!tpu.dma_semaphore, #tpu.memory_space<semaphore_mem>>)
    %add3A_87 = arith.constant 160 : i32
    %add3A_88 = arith.addi %mul3A_12, %add3A_87 : i32
    %multiple_of3A_89 = tpu.assume_multiple %add3A_88, 8 : i32
    %dma_start3A_90 = arith.constant 2 : i32
    %dma_start3A_91 = arith.constant 2 : i32
    %dma_start3A_92 = arith.constant 0 : i32
    %dma_start3A_93 = tpu.memref_slice %arg10[%dma_start3A_90, %dma_start3A_92] : memref<6x80xi32, #tpu.memory_space<vmem>> -> memref<1x80xi32, #tpu.memory_space<vmem>>
    %dma_start3A_94 = tpu.memref_squeeze %dma_start3A_93 : memref<1x80xi32, #tpu.memory_space<vmem>> -> memref<80xi32, #tpu.memory_space<vmem>>
    %dma_start3A_95 = tpu.memref_slice %arg4[%multiple_of3A_89] : memref<320000xi32, #tpu.memory_space<hbm>> -> memref<80xi32, #tpu.memory_space<hbm>>
    %dma_start3A_96 = tpu.memref_slice %arg16[%dma_start3A_91] : memref<6x!tpu.dma_semaphore, #tpu.memory_space<semaphore_mem>> -> memref<1x!tpu.dma_semaphore, #tpu.memory_space<semaphore_mem>>
    %dma_start3A_97 = tpu.memref_squeeze %dma_start3A_96 : memref<1x!tpu.dma_semaphore, #tpu.memory_space<semaphore_mem>> -> memref<!tpu.dma_semaphore, #tpu.memory_space<semaphore_mem>>
    %dma_start3A_98 = arith.constant 0 : i32
    %dma_start3A_99 = tpu.memref_slice %arg10[%dma_start3A_90, %dma_start3A_98] : memref<6x80xi32, #tpu.memory_space<vmem>> -> memref<1x80xi32, #tpu.memory_space<vmem>>
    %dma_start3A_100 = tpu.memref_squeeze %dma_start3A_99 : memref<1x80xi32, #tpu.memory_space<vmem>> -> memref<80xi32, #tpu.memory_space<vmem>>
    %dma_start3A_101 = tpu.memref_slice %arg4[%multiple_of3A_89] : memref<320000xi32, #tpu.memory_space<hbm>> -> memref<80xi32, #tpu.memory_space<hbm>>
    tpu.enqueue_dma source(%dma_start3A_101 : memref<80xi32, #tpu.memory_space<hbm>>) target(%dma_start3A_100 : memref<80xi32, #tpu.memory_space<vmem>>) target_semaphore(%dma_start3A_97 : memref<!tpu.dma_semaphore, #tpu.memory_space<semaphore_mem>>)
    %add3A_102 = arith.constant 240 : i32
    %add3A_103 = arith.addi %mul3A_12, %add3A_102 : i32
    %multiple_of3A_104 = tpu.assume_multiple %add3A_103, 8 : i32
    %dma_start3A_105 = arith.constant 3 : i32
    %dma_start3A_106 = arith.constant 3 : i32
    %dma_start3A_107 = arith.constant 0 : i32
    %dma_start3A_108 = tpu.memref_slice %arg9[%dma_start3A_105, %dma_start3A_107] : memref<6x80xi32, #tpu.memory_space<vmem>> -> memref<1x80xi32, #tpu.memory_space<vmem>>
    %dma_start3A_109 = tpu.memref_squeeze %dma_start3A_108 : memref<1x80xi32, #tpu.memory_space<vmem>> -> memref<80xi32, #tpu.memory_space<vmem>>
    %dma_start3A_110 = tpu.memref_slice %arg3[%multiple_of3A_104] : memref<320000xi32, #tpu.memory_space<hbm>> -> memref<80xi32, #tpu.memory_space<hbm>>
    %dma_start3A_111 = tpu.memref_slice %arg15[%dma_start3A_106] : memref<6x!tpu.dma_semaphore, #tpu.memory_space<semaphore_mem>> -> memref<1x!tpu.dma_semaphore, #tpu.memory_space<semaphore_mem>>
    %dma_start3A_112 = tpu.memref_squeeze %dma_start3A_111 : memref<1x!tpu.dma_semaphore, #tpu.memory_space<semaphore_mem>> -> memref<!tpu.dma_semaphore, #tpu.memory_space<semaphore_mem>>
    %dma_start3A_113 = arith.constant 0 : i32
    %dma_start3A_114 = tpu.memref_slice %arg9[%dma_start3A_105, %dma_start3A_113] : memref<6x80xi32, #tpu.memory_space<vmem>> -> memref<1x80xi32, #tpu.memory_space<vmem>>
    %dma_start3A_115 = tpu.memref_squeeze %dma_start3A_114 : memref<1x80xi32, #tpu.memory_space<vmem>> -> memref<80xi32, #tpu.memory_space<vmem>>
    %dma_start3A_116 = tpu.memref_slice %arg3[%multiple_of3A_104] : memref<320000xi32, #tpu.memory_space<hbm>> -> memref<80xi32, #tpu.memory_space<hbm>>
    tpu.enqueue_dma source(%dma_start3A_116 : memref<80xi32, #tpu.memory_space<hbm>>) target(%dma_start3A_115 : memref<80xi32, #tpu.memory_space<vmem>>) target_semaphore(%dma_start3A_112 : memref<!tpu.dma_semaphore, #tpu.memory_space<semaphore_mem>>)
    %add3A_117 = arith.constant 240 : i32
    %add3A_118 = arith.addi %mul3A_12, %add3A_117 : i32
    %multiple_of3A_119 = tpu.assume_multiple %add3A_118, 8 : i32
    %dma_start3A_120 = arith.constant 3 : i32
    %dma_start3A_121 = arith.constant 3 : i32
    %dma_start3A_122 = arith.constant 0 : i32
    %dma_start3A_123 = tpu.memref_slice %arg10[%dma_start3A_120, %dma_start3A_122] : memref<6x80xi32, #tpu.memory_space<vmem>> -> memref<1x80xi32, #tpu.memory_space<vmem>>
    %dma_start3A_124 = tpu.memref_squeeze %dma_start3A_123 : memref<1x80xi32, #tpu.memory_space<vmem>> -> memref<80xi32, #tpu.memory_space<vmem>>
    %dma_start3A_125 = tpu.memref_slice %arg4[%multiple_of3A_119] : memref<320000xi32, #tpu.memory_space<hbm>> -> memref<80xi32, #tpu.memory_space<hbm>>
    %dma_start3A_126 = tpu.memref_slice %arg16[%dma_start3A_121] : memref<6x!tpu.dma_semaphore, #tpu.memory_space<semaphore_mem>> -> memref<1x!tpu.dma_semaphore, #tpu.memory_space<semaphore_mem>>
    %dma_start3A_127 = tpu.memref_squeeze %dma_start3A_126 : memref<1x!tpu.dma_semaphore, #tpu.memory_space<semaphore_mem>> -> memref<!tpu.dma_semaphore, #tpu.memory_space<semaphore_mem>>
    %dma_start3A_128 = arith.constant 0 : i32
    %dma_start3A_129 = tpu.memref_slice %arg10[%dma_start3A_120, %dma_start3A_128] : memref<6x80xi32, #tpu.memory_space<vmem>> -> memref<1x80xi32, #tpu.memory_space<vmem>>
    %dma_start3A_130 = tpu.memref_squeeze %dma_start3A_129 : memref<1x80xi32, #tpu.memory_space<vmem>> -> memref<80xi32, #tpu.memory_space<vmem>>
    %dma_start3A_131 = tpu.memref_slice %arg4[%multiple_of3A_119] : memref<320000xi32, #tpu.memory_space<hbm>> -> memref<80xi32, #tpu.memory_space<hbm>>
    tpu.enqueue_dma source(%dma_start3A_131 : memref<80xi32, #tpu.memory_space<hbm>>) target(%dma_start3A_130 : memref<80xi32, #tpu.memory_space<vmem>>) target_semaphore(%dma_start3A_127 : memref<!tpu.dma_semaphore, #tpu.memory_space<semaphore_mem>>)
    "tpu.region"() ({
      %run_scoped3A_342 = tpu.sem_alloc : memref<!tpu.dma_semaphore, #tpu.memory_space<semaphore_mem>>
      %dma_start3A_343 = arith.constant 0 : i32
      %dma_start3A_344 = tpu.memref_slice %arg12[%multiple_of3A_10, %dma_start3A_343] : memref<10240x128xf32, #tpu.memory_space<vmem_shared>> -> memref<640x128xf32, #tpu.memory_space<vmem_shared>>
      tpu.enqueue_dma source(%arg5 : memref<640x128xf32, #tpu.memory_space<hbm>>) target(%dma_start3A_344 : memref<640x128xf32, #tpu.memory_space<vmem_shared>>) target_semaphore(%run_scoped3A_342 : memref<!tpu.dma_semaphore, #tpu.memory_space<semaphore_mem>>)
      %dma_wait3A_345 = arith.constant 0 : i32
      %dma_wait3A_346 = tpu.memref_slice %arg12[%multiple_of3A_10, %dma_wait3A_345] : memref<10240x128xf32, #tpu.memory_space<vmem_shared>> -> memref<640x128xf32, #tpu.memory_space<vmem_shared>>
      tpu.wait_dma2 semaphore(%run_scoped3A_342 : memref<!tpu.dma_semaphore, #tpu.memory_space<semaphore_mem>>) src(%arg5 : memref<640x128xf32, #tpu.memory_space<hbm>>) dst(%dma_wait3A_346 : memref<640x128xf32, #tpu.memory_space<vmem_shared>>)
      tpu.yield
    }) : () -> ()
    %add3A_132 = arith.constant 0 : i32
    %add3A_133 = arith.addi %mul3A_12, %add3A_132 : i32
    %multiple_of3A_134 = tpu.assume_multiple %add3A_133, 8 : i32
    %dma_wait3A = arith.constant 0 : i32
    %dma_wait3A_135 = arith.constant 0 : i32
    %dma_wait3A_136 = arith.constant 0 : i32
    %dma_wait3A_137 = tpu.memref_slice %arg9[%dma_wait3A, %dma_wait3A_136] : memref<6x80xi32, #tpu.memory_space<vmem>> -> memref<1x80xi32, #tpu.memory_space<vmem>>
    %dma_wait3A_138 = tpu.memref_squeeze %dma_wait3A_137 : memref<1x80xi32, #tpu.memory_space<vmem>> -> memref<80xi32, #tpu.memory_space<vmem>>
    %dma_wait3A_139 = tpu.memref_slice %arg3[%multiple_of3A_134] : memref<320000xi32, #tpu.memory_space<hbm>> -> memref<80xi32, #tpu.memory_space<hbm>>
    %dma_wait3A_140 = tpu.memref_slice %arg15[%dma_wait3A_135] : memref<6x!tpu.dma_semaphore, #tpu.memory_space<semaphore_mem>> -> memref<1x!tpu.dma_semaphore, #tpu.memory_space<semaphore_mem>>
    %dma_wait3A_141 = tpu.memref_squeeze %dma_wait3A_140 : memref<1x!tpu.dma_semaphore, #tpu.memory_space<semaphore_mem>> -> memref<!tpu.dma_semaphore, #tpu.memory_space<semaphore_mem>>
    %dma_wait3A_142 = arith.constant 0 : i32
    %dma_wait3A_143 = tpu.memref_slice %arg9[%dma_wait3A, %dma_wait3A_142] : memref<6x80xi32, #tpu.memory_space<vmem>> -> memref<1x80xi32, #tpu.memory_space<vmem>>
    %dma_wait3A_144 = tpu.memref_squeeze %dma_wait3A_143 : memref<1x80xi32, #tpu.memory_space<vmem>> -> memref<80xi32, #tpu.memory_space<vmem>>
    %dma_wait3A_145 = tpu.memref_slice %arg3[%multiple_of3A_134] : memref<320000xi32, #tpu.memory_space<hbm>> -> memref<80xi32, #tpu.memory_space<hbm>>
    tpu.wait_dma2 semaphore(%dma_wait3A_141 : memref<!tpu.dma_semaphore, #tpu.memory_space<semaphore_mem>>) src(%dma_wait3A_145 : memref<80xi32, #tpu.memory_space<hbm>>) dst(%dma_wait3A_144 : memref<80xi32, #tpu.memory_space<vmem>>)
    %dma_start3A_146 = arith.constant 0 : i32
    %dma_start3A_147 = arith.constant 0 : i32
    %dma_start3A_148 = arith.constant 0 : i32
    %dma_start3A_149 = arith.constant 0 : i32
    %dma_start3A_150 = arith.constant 0 : i32
    %dma_start3A_151 = tpu.memref_slice %arg11[%dma_start3A_147, %dma_start3A_149, %dma_start3A_150] : memref<4x80x128xf32, #tpu.memory_space<vmem>> -> memref<1x80x128xf32, #tpu.memory_space<vmem>>
    %dma_start3A_152 = tpu.memref_squeeze %dma_start3A_151 : memref<1x80x128xf32, #tpu.memory_space<vmem>> -> memref<80x128xf32, #tpu.memory_space<vmem>>
    %dma_start3A_153 = arith.constant 0 : i32
    %dma_start3A_154 = tpu.memref_slice %arg9[%dma_start3A_146, %dma_start3A_153] : memref<6x80xi32, #tpu.memory_space<vmem>> -> memref<1x80xi32, #tpu.memory_space<vmem>>
    %dma_start3A_155 = tpu.memref_squeeze %dma_start3A_154 : memref<1x80xi32, #tpu.memory_space<vmem>> -> memref<80xi32, #tpu.memory_space<vmem>>
    %dma_start3A_156 = arith.constant 0 : i32
    %dma_start3A_157 = arith.constant 0 : i32
    %dma_start3A_158 = tpu.memref_slice %arg2[%dma_start3A_156, %dma_start3A_157] : memref<10000x128xf32, #tpu.memory_space<hbm>> -> memref<10000x128xf32, #tpu.memory_space<hbm>>
    %dma_start3A_159 = tpu.memref_slice %arg13[%dma_start3A_148] : memref<4x!tpu.dma_semaphore, #tpu.memory_space<semaphore_mem>> -> memref<1x!tpu.dma_semaphore, #tpu.memory_space<semaphore_mem>>
    %dma_start3A_160 = tpu.memref_squeeze %dma_start3A_159 : memref<1x!tpu.dma_semaphore, #tpu.memory_space<semaphore_mem>> -> memref<!tpu.dma_semaphore, #tpu.memory_space<semaphore_mem>>
    tpu.enqueue_indirect_dma source(%dma_start3A_158 : memref<10000x128xf32, #tpu.memory_space<hbm>>) target(%dma_start3A_152 : memref<80x128xf32, #tpu.memory_space<vmem>>) offsets(%dma_start3A_155 : memref<80xi32, #tpu.memory_space<vmem>>) semaphore(%dma_start3A_160 : memref<!tpu.dma_semaphore, #tpu.memory_space<semaphore_mem>>)
    %add3A_161 = arith.constant 80 : i32
    %add3A_162 = arith.addi %mul3A_12, %add3A_161 : i32
    %multiple_of3A_163 = tpu.assume_multiple %add3A_162, 8 : i32
    %dma_wait3A_164 = arith.constant 1 : i32
    %dma_wait3A_165 = arith.constant 1 : i32
    %dma_wait3A_166 = arith.constant 0 : i32
    %dma_wait3A_167 = tpu.memref_slice %arg9[%dma_wait3A_164, %dma_wait3A_166] : memref<6x80xi32, #tpu.memory_space<vmem>> -> memref<1x80xi32, #tpu.memory_space<vmem>>
    %dma_wait3A_168 = tpu.memref_squeeze %dma_wait3A_167 : memref<1x80xi32, #tpu.memory_space<vmem>> -> memref<80xi32, #tpu.memory_space<vmem>>
    %dma_wait3A_169 = tpu.memref_slice %arg3[%multiple_of3A_163] : memref<320000xi32, #tpu.memory_space<hbm>> -> memref<80xi32, #tpu.memory_space<hbm>>
    %dma_wait3A_170 = tpu.memref_slice %arg15[%dma_wait3A_165] : memref<6x!tpu.dma_semaphore, #tpu.memory_space<semaphore_mem>> -> memref<1x!tpu.dma_semaphore, #tpu.memory_space<semaphore_mem>>
    %dma_wait3A_171 = tpu.memref_squeeze %dma_wait3A_170 : memref<1x!tpu.dma_semaphore, #tpu.memory_space<semaphore_mem>> -> memref<!tpu.dma_semaphore, #tpu.memory_space<semaphore_mem>>
    %dma_wait3A_172 = arith.constant 0 : i32
    %dma_wait3A_173 = tpu.memref_slice %arg9[%dma_wait3A_164, %dma_wait3A_172] : memref<6x80xi32, #tpu.memory_space<vmem>> -> memref<1x80xi32, #tpu.memory_space<vmem>>
    %dma_wait3A_174 = tpu.memref_squeeze %dma_wait3A_173 : memref<1x80xi32, #tpu.memory_space<vmem>> -> memref<80xi32, #tpu.memory_space<vmem>>
    %dma_wait3A_175 = tpu.memref_slice %arg3[%multiple_of3A_163] : memref<320000xi32, #tpu.memory_space<hbm>> -> memref<80xi32, #tpu.memory_space<hbm>>
    tpu.wait_dma2 semaphore(%dma_wait3A_171 : memref<!tpu.dma_semaphore, #tpu.memory_space<semaphore_mem>>) src(%dma_wait3A_175 : memref<80xi32, #tpu.memory_space<hbm>>) dst(%dma_wait3A_174 : memref<80xi32, #tpu.memory_space<vmem>>)
    %dma_start3A_176 = arith.constant 1 : i32
    %dma_start3A_177 = arith.constant 1 : i32
    %dma_start3A_178 = arith.constant 1 : i32
    %dma_start3A_179 = arith.constant 0 : i32
    %dma_start3A_180 = arith.constant 0 : i32
    %dma_start3A_181 = tpu.memref_slice %arg11[%dma_start3A_177, %dma_start3A_179, %dma_start3A_180] : memref<4x80x128xf32, #tpu.memory_space<vmem>> -> memref<1x80x128xf32, #tpu.memory_space<vmem>>
    %dma_start3A_182 = tpu.memref_squeeze %dma_start3A_181 : memref<1x80x128xf32, #tpu.memory_space<vmem>> -> memref<80x128xf32, #tpu.memory_space<vmem>>
    %dma_start3A_183 = arith.constant 0 : i32
    %dma_start3A_184 = tpu.memref_slice %arg9[%dma_start3A_176, %dma_start3A_183] : memref<6x80xi32, #tpu.memory_space<vmem>> -> memref<1x80xi32, #tpu.memory_space<vmem>>
    %dma_start3A_185 = tpu.memref_squeeze %dma_start3A_184 : memref<1x80xi32, #tpu.memory_space<vmem>> -> memref<80xi32, #tpu.memory_space<vmem>>
    %dma_start3A_186 = arith.constant 0 : i32
    %dma_start3A_187 = arith.constant 0 : i32
    %dma_start3A_188 = tpu.memref_slice %arg2[%dma_start3A_186, %dma_start3A_187] : memref<10000x128xf32, #tpu.memory_space<hbm>> -> memref<10000x128xf32, #tpu.memory_space<hbm>>
    %dma_start3A_189 = tpu.memref_slice %arg13[%dma_start3A_178] : memref<4x!tpu.dma_semaphore, #tpu.memory_space<semaphore_mem>> -> memref<1x!tpu.dma_semaphore, #tpu.memory_space<semaphore_mem>>
    %dma_start3A_190 = tpu.memref_squeeze %dma_start3A_189 : memref<1x!tpu.dma_semaphore, #tpu.memory_space<semaphore_mem>> -> memref<!tpu.dma_semaphore, #tpu.memory_space<semaphore_mem>>
    tpu.enqueue_indirect_dma source(%dma_start3A_188 : memref<10000x128xf32, #tpu.memory_space<hbm>>) target(%dma_start3A_182 : memref<80x128xf32, #tpu.memory_space<vmem>>) offsets(%dma_start3A_185 : memref<80xi32, #tpu.memory_space<vmem>>) semaphore(%dma_start3A_190 : memref<!tpu.dma_semaphore, #tpu.memory_space<semaphore_mem>>)
    %add3A_191 = arith.constant 160 : i32
    %add3A_192 = arith.addi %mul3A_12, %add3A_191 : i32
    %multiple_of3A_193 = tpu.assume_multiple %add3A_192, 8 : i32
    %dma_wait3A_194 = arith.constant 2 : i32
    %dma_wait3A_195 = arith.constant 2 : i32
    %dma_wait3A_196 = arith.constant 0 : i32
    %dma_wait3A_197 = tpu.memref_slice %arg9[%dma_wait3A_194, %dma_wait3A_196] : memref<6x80xi32, #tpu.memory_space<vmem>> -> memref<1x80xi32, #tpu.memory_space<vmem>>
    %dma_wait3A_198 = tpu.memref_squeeze %dma_wait3A_197 : memref<1x80xi32, #tpu.memory_space<vmem>> -> memref<80xi32, #tpu.memory_space<vmem>>
    %dma_wait3A_199 = tpu.memref_slice %arg3[%multiple_of3A_193] : memref<320000xi32, #tpu.memory_space<hbm>> -> memref<80xi32, #tpu.memory_space<hbm>>
    %dma_wait3A_200 = tpu.memref_slice %arg15[%dma_wait3A_195] : memref<6x!tpu.dma_semaphore, #tpu.memory_space<semaphore_mem>> -> memref<1x!tpu.dma_semaphore, #tpu.memory_space<semaphore_mem>>
    %dma_wait3A_201 = tpu.memref_squeeze %dma_wait3A_200 : memref<1x!tpu.dma_semaphore, #tpu.memory_space<semaphore_mem>> -> memref<!tpu.dma_semaphore, #tpu.memory_space<semaphore_mem>>
    %dma_wait3A_202 = arith.constant 0 : i32
    %dma_wait3A_203 = tpu.memref_slice %arg9[%dma_wait3A_194, %dma_wait3A_202] : memref<6x80xi32, #tpu.memory_space<vmem>> -> memref<1x80xi32, #tpu.memory_space<vmem>>
    %dma_wait3A_204 = tpu.memref_squeeze %dma_wait3A_203 : memref<1x80xi32, #tpu.memory_space<vmem>> -> memref<80xi32, #tpu.memory_space<vmem>>
    %dma_wait3A_205 = tpu.memref_slice %arg3[%multiple_of3A_193] : memref<320000xi32, #tpu.memory_space<hbm>> -> memref<80xi32, #tpu.memory_space<hbm>>
    tpu.wait_dma2 semaphore(%dma_wait3A_201 : memref<!tpu.dma_semaphore, #tpu.memory_space<semaphore_mem>>) src(%dma_wait3A_205 : memref<80xi32, #tpu.memory_space<hbm>>) dst(%dma_wait3A_204 : memref<80xi32, #tpu.memory_space<vmem>>)
    %dma_start3A_206 = arith.constant 2 : i32
    %dma_start3A_207 = arith.constant 2 : i32
    %dma_start3A_208 = arith.constant 2 : i32
    %dma_start3A_209 = arith.constant 0 : i32
    %dma_start3A_210 = arith.constant 0 : i32
    %dma_start3A_211 = tpu.memref_slice %arg11[%dma_start3A_207, %dma_start3A_209, %dma_start3A_210] : memref<4x80x128xf32, #tpu.memory_space<vmem>> -> memref<1x80x128xf32, #tpu.memory_space<vmem>>
    %dma_start3A_212 = tpu.memref_squeeze %dma_start3A_211 : memref<1x80x128xf32, #tpu.memory_space<vmem>> -> memref<80x128xf32, #tpu.memory_space<vmem>>
    %dma_start3A_213 = arith.constant 0 : i32
    %dma_start3A_214 = tpu.memref_slice %arg9[%dma_start3A_206, %dma_start3A_213] : memref<6x80xi32, #tpu.memory_space<vmem>> -> memref<1x80xi32, #tpu.memory_space<vmem>>
    %dma_start3A_215 = tpu.memref_squeeze %dma_start3A_214 : memref<1x80xi32, #tpu.memory_space<vmem>> -> memref<80xi32, #tpu.memory_space<vmem>>
    %dma_start3A_216 = arith.constant 0 : i32
    %dma_start3A_217 = arith.constant 0 : i32
    %dma_start3A_218 = tpu.memref_slice %arg2[%dma_start3A_216, %dma_start3A_217] : memref<10000x128xf32, #tpu.memory_space<hbm>> -> memref<10000x128xf32, #tpu.memory_space<hbm>>
    %dma_start3A_219 = tpu.memref_slice %arg13[%dma_start3A_208] : memref<4x!tpu.dma_semaphore, #tpu.memory_space<semaphore_mem>> -> memref<1x!tpu.dma_semaphore, #tpu.memory_space<semaphore_mem>>
    %dma_start3A_220 = tpu.memref_squeeze %dma_start3A_219 : memref<1x!tpu.dma_semaphore, #tpu.memory_space<semaphore_mem>> -> memref<!tpu.dma_semaphore, #tpu.memory_space<semaphore_mem>>
    tpu.enqueue_indirect_dma source(%dma_start3A_218 : memref<10000x128xf32, #tpu.memory_space<hbm>>) target(%dma_start3A_212 : memref<80x128xf32, #tpu.memory_space<vmem>>) offsets(%dma_start3A_215 : memref<80xi32, #tpu.memory_space<vmem>>) semaphore(%dma_start3A_220 : memref<!tpu.dma_semaphore, #tpu.memory_space<semaphore_mem>>)
    %barrier3A = arith.constant 0 : index
    tpu.barrier barrier_id(%barrier3A)
    %scan3A = arith.constant 0 : i32
    %scan3A_221 = arith.constant 0 : i32
    %scan3A_222 = arith.constant 125 : i32
    %scan3A_223 = arith.addi %scan3A_221, %scan3A_222 : i32
    %scan3A_224 = arith.constant 1 : i32
    %scan3A_225 = scf.for %scan3A_342 = %scan3A_221 to %scan3A_223 step %scan3A_224 iter_args(%scan3A_343 = %scan3A) -> (i32)  : i32 {
      %rem3A = arith.constant 4 : i32
      %rem3A_344 = arith.remsi %scan3A_342, %rem3A : i32
      %rem3A_345 = arith.constant 6 : i32
      %rem3A_346 = arith.remsi %scan3A_342, %rem3A_345 : i32
      %dma_wait3A_347 = arith.constant 0 : i32
      %dma_wait3A_348 = arith.constant 0 : i32
      %dma_wait3A_349 = tpu.memref_slice %arg11[%rem3A_344, %dma_wait3A_347, %dma_wait3A_348] : memref<4x80x128xf32, #tpu.memory_space<vmem>> -> memref<1x80x128xf32, #tpu.memory_space<vmem>>
      %dma_wait3A_350 = tpu.memref_squeeze %dma_wait3A_349 : memref<1x80x128xf32, #tpu.memory_space<vmem>> -> memref<80x128xf32, #tpu.memory_space<vmem>>
      %dma_wait3A_351 = arith.constant 0 : i32
      %dma_wait3A_352 = tpu.memref_slice %arg9[%rem3A_346, %dma_wait3A_351] : memref<6x80xi32, #tpu.memory_space<vmem>> -> memref<1x80xi32, #tpu.memory_space<vmem>>
      %dma_wait3A_353 = tpu.memref_squeeze %dma_wait3A_352 : memref<1x80xi32, #tpu.memory_space<vmem>> -> memref<80xi32, #tpu.memory_space<vmem>>
      %dma_wait3A_354 = arith.constant 0 : i32
      %dma_wait3A_355 = arith.constant 0 : i32
      %dma_wait3A_356 = tpu.memref_slice %arg2[%dma_wait3A_354, %dma_wait3A_355] : memref<10000x128xf32, #tpu.memory_space<hbm>> -> memref<10000x128xf32, #tpu.memory_space<hbm>>
      %dma_wait3A_357 = tpu.memref_slice %arg13[%rem3A_344] : memref<4x!tpu.dma_semaphore, #tpu.memory_space<semaphore_mem>> -> memref<1x!tpu.dma_semaphore, #tpu.memory_space<semaphore_mem>>
      %dma_wait3A_358 = tpu.memref_squeeze %dma_wait3A_357 : memref<1x!tpu.dma_semaphore, #tpu.memory_space<semaphore_mem>> -> memref<!tpu.dma_semaphore, #tpu.memory_space<semaphore_mem>>
      tpu.wait_indirect_dma semaphore(%dma_wait3A_358 : memref<!tpu.dma_semaphore, #tpu.memory_space<semaphore_mem>>) src(%dma_wait3A_356 : memref<10000x128xf32, #tpu.memory_space<hbm>>) dst(%dma_wait3A_350 : memref<80x128xf32, #tpu.memory_space<vmem>>)
      %ge3A = arith.constant 1 : i32
      %ge3A_359 = arith.cmpi sge, %scan3A_342, %ge3A : i32
      %convert_element_type3A = arith.extui %ge3A_359 : i1 to i32
      %cond3A = arith.constant 0 : i32
      %cond3A_360 = arith.cmpi ne, %convert_element_type3A, %cond3A : i32
      scf.if %cond3A_360 {
        %add3A_401 = arith.constant 3 : i32
        %add3A_402 = arith.addi %scan3A_342, %add3A_401 : i32
        %rem3A_403 = arith.constant 4 : i32
        %rem3A_404 = arith.remsi %add3A_402, %rem3A_403 : i32
        %add3A_405 = arith.constant 5 : i32
        %add3A_406 = arith.addi %scan3A_342, %add3A_405 : i32
        %rem3A_407 = arith.constant 6 : i32
        %rem3A_408 = arith.remsi %add3A_406, %rem3A_407 : i32
        %add3A_409 = arith.constant 3 : i32
        %add3A_410 = arith.addi %scan3A_342, %add3A_409 : i32
        %rem3A_411 = arith.constant 4 : i32
        %rem3A_412 = arith.remsi %add3A_410, %rem3A_411 : i32
        %dma_wait3A_413 = arith.constant 0 : i32
        %dma_wait3A_414 = arith.constant 0 : i32
        %dma_wait3A_415 = tpu.memref_slice %arg11[%rem3A_404, %dma_wait3A_413, %dma_wait3A_414] : memref<4x80x128xf32, #tpu.memory_space<vmem>> -> memref<1x80x128xf32, #tpu.memory_space<vmem>>
        %dma_wait3A_416 = tpu.memref_squeeze %dma_wait3A_415 : memref<1x80x128xf32, #tpu.memory_space<vmem>> -> memref<80x128xf32, #tpu.memory_space<vmem>>
        %dma_wait3A_417 = arith.constant 0 : i32
        %dma_wait3A_418 = tpu.memref_slice %arg10[%rem3A_408, %dma_wait3A_417] : memref<6x80xi32, #tpu.memory_space<vmem>> -> memref<1x80xi32, #tpu.memory_space<vmem>>
        %dma_wait3A_419 = tpu.memref_squeeze %dma_wait3A_418 : memref<1x80xi32, #tpu.memory_space<vmem>> -> memref<80xi32, #tpu.memory_space<vmem>>
        %dma_wait3A_420 = arith.constant 0 : i32
        %dma_wait3A_421 = arith.constant 0 : i32
        %dma_wait3A_422 = tpu.memref_slice %arg12[%dma_wait3A_420, %dma_wait3A_421] : memref<10240x128xf32, #tpu.memory_space<vmem_shared>> -> memref<10240x128xf32, #tpu.memory_space<vmem_shared>>
        %dma_wait3A_423 = tpu.memref_slice %arg14[%rem3A_412] : memref<4x!tpu.dma_semaphore, #tpu.memory_space<semaphore_mem>> -> memref<1x!tpu.dma_semaphore, #tpu.memory_space<semaphore_mem>>
        %dma_wait3A_424 = tpu.memref_squeeze %dma_wait3A_423 : memref<1x!tpu.dma_semaphore, #tpu.memory_space<semaphore_mem>> -> memref<!tpu.dma_semaphore, #tpu.memory_space<semaphore_mem>>
        tpu.wait_indirect_dma semaphore(%dma_wait3A_424 : memref<!tpu.dma_semaphore, #tpu.memory_space<semaphore_mem>>) src(%dma_wait3A_416 : memref<80x128xf32, #tpu.memory_space<vmem>>) dst(%dma_wait3A_422 : memref<10240x128xf32, #tpu.memory_space<vmem_shared>>)
      } else {
      }
      %add3A_361 = arith.constant 4 : i32
      %add3A_362 = arith.addi %scan3A_342, %add3A_361 : i32
      %lt3A = arith.constant 125 : i32
      %lt3A_363 = arith.cmpi slt, %add3A_362, %lt3A : i32
      %convert_element_type3A_364 = arith.extui %lt3A_363 : i1 to i32
      %cond3A_365 = arith.constant 0 : i32
      %cond3A_366 = arith.cmpi ne, %convert_element_type3A_364, %cond3A_365 : i32
      scf.if %cond3A_366 {
        %add3A_401 = arith.constant 4 : i32
        %add3A_402 = arith.addi %scan3A_342, %add3A_401 : i32
        %mul3A_403 = arith.constant 80 : i32
        %mul3A_404 = arith.muli %add3A_402, %mul3A_403 : i32
        %add3A_405 = arith.addi %mul3A_12, %mul3A_404 : i32
        %multiple_of3A_406 = tpu.assume_multiple %add3A_405, 8 : i32
        %add3A_407 = arith.constant 4 : i32
        %add3A_408 = arith.addi %scan3A_342, %add3A_407 : i32
        %rem3A_409 = arith.constant 6 : i32
        %rem3A_410 = arith.remsi %add3A_408, %rem3A_409 : i32
        %add3A_411 = arith.constant 4 : i32
        %add3A_412 = arith.addi %scan3A_342, %add3A_411 : i32
        %rem3A_413 = arith.constant 6 : i32
        %rem3A_414 = arith.remsi %add3A_412, %rem3A_413 : i32
        %dma_start3A_415 = arith.constant 0 : i32
        %dma_start3A_416 = tpu.memref_slice %arg9[%rem3A_410, %dma_start3A_415] : memref<6x80xi32, #tpu.memory_space<vmem>> -> memref<1x80xi32, #tpu.memory_space<vmem>>
        %dma_start3A_417 = tpu.memref_squeeze %dma_start3A_416 : memref<1x80xi32, #tpu.memory_space<vmem>> -> memref<80xi32, #tpu.memory_space<vmem>>
        %dma_start3A_418 = tpu.memref_slice %arg3[%multiple_of3A_406] : memref<320000xi32, #tpu.memory_space<hbm>> -> memref<80xi32, #tpu.memory_space<hbm>>
        %dma_start3A_419 = tpu.memref_slice %arg15[%rem3A_414] : memref<6x!tpu.dma_semaphore, #tpu.memory_space<semaphore_mem>> -> memref<1x!tpu.dma_semaphore, #tpu.memory_space<semaphore_mem>>
        %dma_start3A_420 = tpu.memref_squeeze %dma_start3A_419 : memref<1x!tpu.dma_semaphore, #tpu.memory_space<semaphore_mem>> -> memref<!tpu.dma_semaphore, #tpu.memory_space<semaphore_mem>>
        %dma_start3A_421 = arith.constant 0 : i32
        %dma_start3A_422 = tpu.memref_slice %arg9[%rem3A_410, %dma_start3A_421] : memref<6x80xi32, #tpu.memory_space<vmem>> -> memref<1x80xi32, #tpu.memory_space<vmem>>
        %dma_start3A_423 = tpu.memref_squeeze %dma_start3A_422 : memref<1x80xi32, #tpu.memory_space<vmem>> -> memref<80xi32, #tpu.memory_space<vmem>>
        %dma_start3A_424 = tpu.memref_slice %arg3[%multiple_of3A_406] : memref<320000xi32, #tpu.memory_space<hbm>> -> memref<80xi32, #tpu.memory_space<hbm>>
        tpu.enqueue_dma source(%dma_start3A_424 : memref<80xi32, #tpu.memory_space<hbm>>) target(%dma_start3A_423 : memref<80xi32, #tpu.memory_space<vmem>>) target_semaphore(%dma_start3A_420 : memref<!tpu.dma_semaphore, #tpu.memory_space<semaphore_mem>>)
        %add3A_425 = arith.constant 4 : i32
        %add3A_426 = arith.addi %scan3A_342, %add3A_425 : i32
        %mul3A_427 = arith.constant 80 : i32
        %mul3A_428 = arith.muli %add3A_426, %mul3A_427 : i32
        %add3A_429 = arith.addi %mul3A_12, %mul3A_428 : i32
        %multiple_of3A_430 = tpu.assume_multiple %add3A_429, 8 : i32
        %add3A_431 = arith.constant 4 : i32
        %add3A_432 = arith.addi %scan3A_342, %add3A_431 : i32
        %rem3A_433 = arith.constant 6 : i32
        %rem3A_434 = arith.remsi %add3A_432, %rem3A_433 : i32
        %add3A_435 = arith.constant 4 : i32
        %add3A_436 = arith.addi %scan3A_342, %add3A_435 : i32
        %rem3A_437 = arith.constant 6 : i32
        %rem3A_438 = arith.remsi %add3A_436, %rem3A_437 : i32
        %dma_start3A_439 = arith.constant 0 : i32
        %dma_start3A_440 = tpu.memref_slice %arg10[%rem3A_434, %dma_start3A_439] : memref<6x80xi32, #tpu.memory_space<vmem>> -> memref<1x80xi32, #tpu.memory_space<vmem>>
        %dma_start3A_441 = tpu.memref_squeeze %dma_start3A_440 : memref<1x80xi32, #tpu.memory_space<vmem>> -> memref<80xi32, #tpu.memory_space<vmem>>
        %dma_start3A_442 = tpu.memref_slice %arg4[%multiple_of3A_430] : memref<320000xi32, #tpu.memory_space<hbm>> -> memref<80xi32, #tpu.memory_space<hbm>>
        %dma_start3A_443 = tpu.memref_slice %arg16[%rem3A_438] : memref<6x!tpu.dma_semaphore, #tpu.memory_space<semaphore_mem>> -> memref<1x!tpu.dma_semaphore, #tpu.memory_space<semaphore_mem>>
        %dma_start3A_444 = tpu.memref_squeeze %dma_start3A_443 : memref<1x!tpu.dma_semaphore, #tpu.memory_space<semaphore_mem>> -> memref<!tpu.dma_semaphore, #tpu.memory_space<semaphore_mem>>
        %dma_start3A_445 = arith.constant 0 : i32
        %dma_start3A_446 = tpu.memref_slice %arg10[%rem3A_434, %dma_start3A_445] : memref<6x80xi32, #tpu.memory_space<vmem>> -> memref<1x80xi32, #tpu.memory_space<vmem>>
        %dma_start3A_447 = tpu.memref_squeeze %dma_start3A_446 : memref<1x80xi32, #tpu.memory_space<vmem>> -> memref<80xi32, #tpu.memory_space<vmem>>
        %dma_start3A_448 = tpu.memref_slice %arg4[%multiple_of3A_430] : memref<320000xi32, #tpu.memory_space<hbm>> -> memref<80xi32, #tpu.memory_space<hbm>>
        tpu.enqueue_dma source(%dma_start3A_448 : memref<80xi32, #tpu.memory_space<hbm>>) target(%dma_start3A_447 : memref<80xi32, #tpu.memory_space<vmem>>) target_semaphore(%dma_start3A_444 : memref<!tpu.dma_semaphore, #tpu.memory_space<semaphore_mem>>)
      } else {
      }
      %add3A_367 = arith.constant 3 : i32
      %add3A_368 = arith.addi %scan3A_342, %add3A_367 : i32
      %lt3A_369 = arith.constant 125 : i32
      %lt3A_370 = arith.cmpi slt, %add3A_368, %lt3A_369 : i32
      %convert_element_type3A_371 = arith.extui %lt3A_370 : i1 to i32
      %cond3A_372 = arith.constant 0 : i32
      %cond3A_373 = arith.cmpi ne, %convert_element_type3A_371, %cond3A_372 : i32
      scf.if %cond3A_373 {
        %add3A_401 = arith.constant 3 : i32
        %add3A_402 = arith.addi %scan3A_342, %add3A_401 : i32
        %mul3A_403 = arith.constant 80 : i32
        %mul3A_404 = arith.muli %add3A_402, %mul3A_403 : i32
        %add3A_405 = arith.addi %mul3A_12, %mul3A_404 : i32
        %multiple_of3A_406 = tpu.assume_multiple %add3A_405, 8 : i32
        %add3A_407 = arith.constant 3 : i32
        %add3A_408 = arith.addi %scan3A_342, %add3A_407 : i32
        %rem3A_409 = arith.constant 6 : i32
        %rem3A_410 = arith.remsi %add3A_408, %rem3A_409 : i32
        %add3A_411 = arith.constant 3 : i32
        %add3A_412 = arith.addi %scan3A_342, %add3A_411 : i32
        %rem3A_413 = arith.constant 6 : i32
        %rem3A_414 = arith.remsi %add3A_412, %rem3A_413 : i32
        %dma_wait3A_415 = arith.constant 0 : i32
        %dma_wait3A_416 = tpu.memref_slice %arg9[%rem3A_410, %dma_wait3A_415] : memref<6x80xi32, #tpu.memory_space<vmem>> -> memref<1x80xi32, #tpu.memory_space<vmem>>
        %dma_wait3A_417 = tpu.memref_squeeze %dma_wait3A_416 : memref<1x80xi32, #tpu.memory_space<vmem>> -> memref<80xi32, #tpu.memory_space<vmem>>
        %dma_wait3A_418 = tpu.memref_slice %arg3[%multiple_of3A_406] : memref<320000xi32, #tpu.memory_space<hbm>> -> memref<80xi32, #tpu.memory_space<hbm>>
        %dma_wait3A_419 = tpu.memref_slice %arg15[%rem3A_414] : memref<6x!tpu.dma_semaphore, #tpu.memory_space<semaphore_mem>> -> memref<1x!tpu.dma_semaphore, #tpu.memory_space<semaphore_mem>>
        %dma_wait3A_420 = tpu.memref_squeeze %dma_wait3A_419 : memref<1x!tpu.dma_semaphore, #tpu.memory_space<semaphore_mem>> -> memref<!tpu.dma_semaphore, #tpu.memory_space<semaphore_mem>>
        %dma_wait3A_421 = arith.constant 0 : i32
        %dma_wait3A_422 = tpu.memref_slice %arg9[%rem3A_410, %dma_wait3A_421] : memref<6x80xi32, #tpu.memory_space<vmem>> -> memref<1x80xi32, #tpu.memory_space<vmem>>
        %dma_wait3A_423 = tpu.memref_squeeze %dma_wait3A_422 : memref<1x80xi32, #tpu.memory_space<vmem>> -> memref<80xi32, #tpu.memory_space<vmem>>
        %dma_wait3A_424 = tpu.memref_slice %arg3[%multiple_of3A_406] : memref<320000xi32, #tpu.memory_space<hbm>> -> memref<80xi32, #tpu.memory_space<hbm>>
        tpu.wait_dma2 semaphore(%dma_wait3A_420 : memref<!tpu.dma_semaphore, #tpu.memory_space<semaphore_mem>>) src(%dma_wait3A_424 : memref<80xi32, #tpu.memory_space<hbm>>) dst(%dma_wait3A_423 : memref<80xi32, #tpu.memory_space<vmem>>)
        %add3A_425 = arith.constant 3 : i32
        %add3A_426 = arith.addi %scan3A_342, %add3A_425 : i32
        %rem3A_427 = arith.constant 6 : i32
        %rem3A_428 = arith.remsi %add3A_426, %rem3A_427 : i32
        %add3A_429 = arith.constant 3 : i32
        %add3A_430 = arith.addi %scan3A_342, %add3A_429 : i32
        %rem3A_431 = arith.constant 4 : i32
        %rem3A_432 = arith.remsi %add3A_430, %rem3A_431 : i32
        %add3A_433 = arith.constant 3 : i32
        %add3A_434 = arith.addi %scan3A_342, %add3A_433 : i32
        %rem3A_435 = arith.constant 4 : i32
        %rem3A_436 = arith.remsi %add3A_434, %rem3A_435 : i32
        %dma_start3A_437 = arith.constant 0 : i32
        %dma_start3A_438 = arith.constant 0 : i32
        %dma_start3A_439 = tpu.memref_slice %arg11[%rem3A_432, %dma_start3A_437, %dma_start3A_438] : memref<4x80x128xf32, #tpu.memory_space<vmem>> -> memref<1x80x128xf32, #tpu.memory_space<vmem>>
        %dma_start3A_440 = tpu.memref_squeeze %dma_start3A_439 : memref<1x80x128xf32, #tpu.memory_space<vmem>> -> memref<80x128xf32, #tpu.memory_space<vmem>>
        %dma_start3A_441 = arith.constant 0 : i32
        %dma_start3A_442 = tpu.memref_slice %arg9[%rem3A_428, %dma_start3A_441] : memref<6x80xi32, #tpu.memory_space<vmem>> -> memref<1x80xi32, #tpu.memory_space<vmem>>
        %dma_start3A_443 = tpu.memref_squeeze %dma_start3A_442 : memref<1x80xi32, #tpu.memory_space<vmem>> -> memref<80xi32, #tpu.memory_space<vmem>>
        %dma_start3A_444 = arith.constant 0 : i32
        %dma_start3A_445 = arith.constant 0 : i32
        %dma_start3A_446 = tpu.memref_slice %arg2[%dma_start3A_444, %dma_start3A_445] : memref<10000x128xf32, #tpu.memory_space<hbm>> -> memref<10000x128xf32, #tpu.memory_space<hbm>>
        %dma_start3A_447 = tpu.memref_slice %arg13[%rem3A_436] : memref<4x!tpu.dma_semaphore, #tpu.memory_space<semaphore_mem>> -> memref<1x!tpu.dma_semaphore, #tpu.memory_space<semaphore_mem>>
        %dma_start3A_448 = tpu.memref_squeeze %dma_start3A_447 : memref<1x!tpu.dma_semaphore, #tpu.memory_space<semaphore_mem>> -> memref<!tpu.dma_semaphore, #tpu.memory_space<semaphore_mem>>
        tpu.enqueue_indirect_dma source(%dma_start3A_446 : memref<10000x128xf32, #tpu.memory_space<hbm>>) target(%dma_start3A_440 : memref<80x128xf32, #tpu.memory_space<vmem>>) offsets(%dma_start3A_443 : memref<80xi32, #tpu.memory_space<vmem>>) semaphore(%dma_start3A_448 : memref<!tpu.dma_semaphore, #tpu.memory_space<semaphore_mem>>)
      } else {
      }
      %mul3A_374 = arith.constant 80 : i32
      %mul3A_375 = arith.muli %scan3A_342, %mul3A_374 : i32
      %add3A_376 = arith.addi %mul3A_12, %mul3A_375 : i32
      %multiple_of3A_377 = tpu.assume_multiple %add3A_376, 8 : i32
      %dma_wait3A_378 = arith.constant 0 : i32
      %dma_wait3A_379 = tpu.memref_slice %arg10[%rem3A_346, %dma_wait3A_378] : memref<6x80xi32, #tpu.memory_space<vmem>> -> memref<1x80xi32, #tpu.memory_space<vmem>>
      %dma_wait3A_380 = tpu.memref_squeeze %dma_wait3A_379 : memref<1x80xi32, #tpu.memory_space<vmem>> -> memref<80xi32, #tpu.memory_space<vmem>>
      %dma_wait3A_381 = tpu.memref_slice %arg4[%multiple_of3A_377] : memref<320000xi32, #tpu.memory_space<hbm>> -> memref<80xi32, #tpu.memory_space<hbm>>
      %dma_wait3A_382 = tpu.memref_slice %arg16[%rem3A_346] : memref<6x!tpu.dma_semaphore, #tpu.memory_space<semaphore_mem>> -> memref<1x!tpu.dma_semaphore, #tpu.memory_space<semaphore_mem>>
      %dma_wait3A_383 = tpu.memref_squeeze %dma_wait3A_382 : memref<1x!tpu.dma_semaphore, #tpu.memory_space<semaphore_mem>> -> memref<!tpu.dma_semaphore, #tpu.memory_space<semaphore_mem>>
      %dma_wait3A_384 = arith.constant 0 : i32
      %dma_wait3A_385 = tpu.memref_slice %arg10[%rem3A_346, %dma_wait3A_384] : memref<6x80xi32, #tpu.memory_space<vmem>> -> memref<1x80xi32, #tpu.memory_space<vmem>>
      %dma_wait3A_386 = tpu.memref_squeeze %dma_wait3A_385 : memref<1x80xi32, #tpu.memory_space<vmem>> -> memref<80xi32, #tpu.memory_space<vmem>>
      %dma_wait3A_387 = tpu.memref_slice %arg4[%multiple_of3A_377] : memref<320000xi32, #tpu.memory_space<hbm>> -> memref<80xi32, #tpu.memory_space<hbm>>
      tpu.wait_dma2 semaphore(%dma_wait3A_383 : memref<!tpu.dma_semaphore, #tpu.memory_space<semaphore_mem>>) src(%dma_wait3A_387 : memref<80xi32, #tpu.memory_space<hbm>>) dst(%dma_wait3A_386 : memref<80xi32, #tpu.memory_space<vmem>>)
      %dma_start3A_388 = arith.constant 0 : i32
      %dma_start3A_389 = arith.constant 0 : i32
      %dma_start3A_390 = tpu.memref_slice %arg11[%rem3A_344, %dma_start3A_388, %dma_start3A_389] : memref<4x80x128xf32, #tpu.memory_space<vmem>> -> memref<1x80x128xf32, #tpu.memory_space<vmem>>
      %dma_start3A_391 = tpu.memref_squeeze %dma_start3A_390 : memref<1x80x128xf32, #tpu.memory_space<vmem>> -> memref<80x128xf32, #tpu.memory_space<vmem>>
      %dma_start3A_392 = arith.constant 0 : i32
      %dma_start3A_393 = tpu.memref_slice %arg10[%rem3A_346, %dma_start3A_392] : memref<6x80xi32, #tpu.memory_space<vmem>> -> memref<1x80xi32, #tpu.memory_space<vmem>>
      %dma_start3A_394 = tpu.memref_squeeze %dma_start3A_393 : memref<1x80xi32, #tpu.memory_space<vmem>> -> memref<80xi32, #tpu.memory_space<vmem>>
      %dma_start3A_395 = arith.constant 0 : i32
      %dma_start3A_396 = arith.constant 0 : i32
      %dma_start3A_397 = tpu.memref_slice %arg12[%dma_start3A_395, %dma_start3A_396] : memref<10240x128xf32, #tpu.memory_space<vmem_shared>> -> memref<10240x128xf32, #tpu.memory_space<vmem_shared>>
      %dma_start3A_398 = tpu.memref_slice %arg14[%rem3A_344] : memref<4x!tpu.dma_semaphore, #tpu.memory_space<semaphore_mem>> -> memref<1x!tpu.dma_semaphore, #tpu.memory_space<semaphore_mem>>
      %dma_start3A_399 = tpu.memref_squeeze %dma_start3A_398 : memref<1x!tpu.dma_semaphore, #tpu.memory_space<semaphore_mem>> -> memref<!tpu.dma_semaphore, #tpu.memory_space<semaphore_mem>>
      tpu.enqueue_indirect_dma source(%dma_start3A_391 : memref<80x128xf32, #tpu.memory_space<vmem>>) target(%dma_start3A_397 : memref<10240x128xf32, #tpu.memory_space<vmem_shared>>) offsets(%dma_start3A_394 : memref<80xi32, #tpu.memory_space<vmem>>) semaphore(%dma_start3A_399 : memref<!tpu.dma_semaphore, #tpu.memory_space<semaphore_mem>>) {add = true}
      %scan3A_400 = arith.constant 0 : i32
      scf.yield %scan3A_400 : i32
    }
    %scan3A_226 = arith.constant 125 : i32
    %dma_wait3A_227 = arith.constant 0 : i32
    %dma_wait3A_228 = arith.constant 4 : i32
    %dma_wait3A_229 = arith.constant 0 : i32
    %dma_wait3A_230 = arith.constant 0 : i32
    %dma_wait3A_231 = arith.constant 0 : i32
    %dma_wait3A_232 = tpu.memref_slice %arg11[%dma_wait3A_227, %dma_wait3A_230, %dma_wait3A_231] : memref<4x80x128xf32, #tpu.memory_space<vmem>> -> memref<1x80x128xf32, #tpu.memory_space<vmem>>
    %dma_wait3A_233 = tpu.memref_squeeze %dma_wait3A_232 : memref<1x80x128xf32, #tpu.memory_space<vmem>> -> memref<80x128xf32, #tpu.memory_space<vmem>>
    %dma_wait3A_234 = arith.constant 0 : i32
    %dma_wait3A_235 = tpu.memref_slice %arg10[%dma_wait3A_228, %dma_wait3A_234] : memref<6x80xi32, #tpu.memory_space<vmem>> -> memref<1x80xi32, #tpu.memory_space<vmem>>
    %dma_wait3A_236 = tpu.memref_squeeze %dma_wait3A_235 : memref<1x80xi32, #tpu.memory_space<vmem>> -> memref<80xi32, #tpu.memory_space<vmem>>
    %dma_wait3A_237 = arith.constant 0 : i32
    %dma_wait3A_238 = arith.constant 0 : i32
    %dma_wait3A_239 = tpu.memref_slice %arg12[%dma_wait3A_237, %dma_wait3A_238] : memref<10240x128xf32, #tpu.memory_space<vmem_shared>> -> memref<10240x128xf32, #tpu.memory_space<vmem_shared>>
    %dma_wait3A_240 = tpu.memref_slice %arg14[%dma_wait3A_229] : memref<4x!tpu.dma_semaphore, #tpu.memory_space<semaphore_mem>> -> memref<1x!tpu.dma_semaphore, #tpu.memory_space<semaphore_mem>>
    %dma_wait3A_241 = tpu.memref_squeeze %dma_wait3A_240 : memref<1x!tpu.dma_semaphore, #tpu.memory_space<semaphore_mem>> -> memref<!tpu.dma_semaphore, #tpu.memory_space<semaphore_mem>>
    tpu.wait_indirect_dma semaphore(%dma_wait3A_241 : memref<!tpu.dma_semaphore, #tpu.memory_space<semaphore_mem>>) src(%dma_wait3A_233 : memref<80x128xf32, #tpu.memory_space<vmem>>) dst(%dma_wait3A_239 : memref<10240x128xf32, #tpu.memory_space<vmem_shared>>)
    %barrier3A_242 = arith.constant 0 : index
    tpu.barrier barrier_id(%barrier3A_242)
    "tpu.region"() ({
      %run_scoped3A_342 = tpu.sem_alloc : memref<!tpu.dma_semaphore, #tpu.memory_space<semaphore_mem>>
      %dma_start3A_343 = arith.constant 0 : i32
      %dma_start3A_344 = tpu.memref_slice %arg7[%arg0, %multiple_of3A_10, %dma_start3A_343] : memref<2x10240x128xf32, #tpu.memory_space<hbm>> -> memref<1x640x128xf32, #tpu.memory_space<hbm>>
      %dma_start3A_345 = tpu.memref_squeeze %dma_start3A_344 : memref<1x640x128xf32, #tpu.memory_space<hbm>> -> memref<640x128xf32, #tpu.memory_space<hbm>>
      %dma_start3A_346 = arith.constant 0 : i32
      %dma_start3A_347 = tpu.memref_slice %arg12[%multiple_of3A_10, %dma_start3A_346] : memref<10240x128xf32, #tpu.memory_space<vmem_shared>> -> memref<640x128xf32, #tpu.memory_space<vmem_shared>>
      tpu.enqueue_dma source(%dma_start3A_347 : memref<640x128xf32, #tpu.memory_space<vmem_shared>>) target(%dma_start3A_345 : memref<640x128xf32, #tpu.memory_space<hbm>>) target_semaphore(%run_scoped3A_342 : memref<!tpu.dma_semaphore, #tpu.memory_space<semaphore_mem>>)
      %dma_wait3A_348 = arith.constant 0 : i32
      %dma_wait3A_349 = tpu.memref_slice %arg7[%arg0, %multiple_of3A_10, %dma_wait3A_348] : memref<2x10240x128xf32, #tpu.memory_space<hbm>> -> memref<1x640x128xf32, #tpu.memory_space<hbm>>
      %dma_wait3A_350 = tpu.memref_squeeze %dma_wait3A_349 : memref<1x640x128xf32, #tpu.memory_space<hbm>> -> memref<640x128xf32, #tpu.memory_space<hbm>>
      %dma_wait3A_351 = arith.constant 0 : i32
      %dma_wait3A_352 = tpu.memref_slice %arg12[%multiple_of3A_10, %dma_wait3A_351] : memref<10240x128xf32, #tpu.memory_space<vmem_shared>> -> memref<640x128xf32, #tpu.memory_space<vmem_shared>>
      tpu.wait_dma2 semaphore(%run_scoped3A_342 : memref<!tpu.dma_semaphore, #tpu.memory_space<semaphore_mem>>) src(%dma_wait3A_352 : memref<640x128xf32, #tpu.memory_space<vmem_shared>>) dst(%dma_wait3A_350 : memref<640x128xf32, #tpu.memory_space<hbm>>)
      tpu.yield
    }) : () -> ()
    "tpu.region"() ({
      %run_scoped3A_342 = tpu.sem_alloc : memref<!tpu.dma_semaphore, #tpu.memory_space<semaphore_mem>>
      %dma_start3A_343 = arith.constant 0 : i32
      %dma_start3A_344 = tpu.memref_slice %arg12[%multiple_of3A, %dma_start3A_343] : memref<10240x128xf32, #tpu.memory_space<vmem_shared>> -> memref<640x128xf32, #tpu.memory_space<vmem_shared>>
      tpu.enqueue_dma source(%arg5 : memref<640x128xf32, #tpu.memory_space<hbm>>) target(%dma_start3A_344 : memref<640x128xf32, #tpu.memory_space<vmem_shared>>) target_semaphore(%run_scoped3A_342 : memref<!tpu.dma_semaphore, #tpu.memory_space<semaphore_mem>>)
      %dma_wait3A_345 = arith.constant 0 : i32
      %dma_wait3A_346 = tpu.memref_slice %arg12[%multiple_of3A, %dma_wait3A_345] : memref<10240x128xf32, #tpu.memory_space<vmem_shared>> -> memref<640x128xf32, #tpu.memory_space<vmem_shared>>
      tpu.wait_dma2 semaphore(%run_scoped3A_342 : memref<!tpu.dma_semaphore, #tpu.memory_space<semaphore_mem>>) src(%arg5 : memref<640x128xf32, #tpu.memory_space<hbm>>) dst(%dma_wait3A_346 : memref<640x128xf32, #tpu.memory_space<vmem_shared>>)
      tpu.yield
    }) : () -> ()
    %run_scoped3A = arith.constant 0 : i32
    "tpu.region"() ({
      %run_scoped3A_342 = tpu.sem_alloc : memref<!tpu.dma_semaphore, #tpu.memory_space<semaphore_mem>>
      %dma_start3A_343 = arith.constant 0 : i32
      %dma_start3A_344 = arith.constant 0 : i32
      %dma_start3A_345 = tpu.memref_slice %arg11[%run_scoped3A, %dma_start3A_343, %dma_start3A_344] : memref<4x80x128xf32, #tpu.memory_space<vmem>> -> memref<1x80x128xf32, #tpu.memory_space<vmem>>
      %dma_start3A_346 = tpu.memref_squeeze %dma_start3A_345 : memref<1x80x128xf32, #tpu.memory_space<vmem>> -> memref<80x128xf32, #tpu.memory_space<vmem>>
      %dma_start3A_347 = arith.constant 0 : i32
      %dma_start3A_348 = arith.constant 0 : i32
      %dma_start3A_349 = tpu.memref_slice %arg11[%run_scoped3A, %dma_start3A_347, %dma_start3A_348] : memref<4x80x128xf32, #tpu.memory_space<vmem>> -> memref<1x80x128xf32, #tpu.memory_space<vmem>>
      %dma_start3A_350 = tpu.memref_squeeze %dma_start3A_349 : memref<1x80x128xf32, #tpu.memory_space<vmem>> -> memref<80x128xf32, #tpu.memory_space<vmem>>
      tpu.enqueue_dma source(%arg6 : memref<80x128xf32, #tpu.memory_space<hbm>>) target(%dma_start3A_350 : memref<80x128xf32, #tpu.memory_space<vmem>>) target_semaphore(%run_scoped3A_342 : memref<!tpu.dma_semaphore, #tpu.memory_space<semaphore_mem>>)
      %dma_wait3A_351 = arith.constant 0 : i32
      %dma_wait3A_352 = arith.constant 0 : i32
      %dma_wait3A_353 = tpu.memref_slice %arg11[%run_scoped3A, %dma_wait3A_351, %dma_wait3A_352] : memref<4x80x128xf32, #tpu.memory_space<vmem>> -> memref<1x80x128xf32, #tpu.memory_space<vmem>>
      %dma_wait3A_354 = tpu.memref_squeeze %dma_wait3A_353 : memref<1x80x128xf32, #tpu.memory_space<vmem>> -> memref<80x128xf32, #tpu.memory_space<vmem>>
      %dma_wait3A_355 = arith.constant 0 : i32
      %dma_wait3A_356 = arith.constant 0 : i32
      %dma_wait3A_357 = tpu.memref_slice %arg11[%run_scoped3A, %dma_wait3A_355, %dma_wait3A_356] : memref<4x80x128xf32, #tpu.memory_space<vmem>> -> memref<1x80x128xf32, #tpu.memory_space<vmem>>
      %dma_wait3A_358 = tpu.memref_squeeze %dma_wait3A_357 : memref<1x80x128xf32, #tpu.memory_space<vmem>> -> memref<80x128xf32, #tpu.memory_space<vmem>>
      tpu.wait_dma2 semaphore(%run_scoped3A_342 : memref<!tpu.dma_semaphore, #tpu.memory_space<semaphore_mem>>) src(%arg6 : memref<80x128xf32, #tpu.memory_space<hbm>>) dst(%dma_wait3A_358 : memref<80x128xf32, #tpu.memory_space<vmem>>)
      tpu.yield
    }) : () -> ()
    %add3A_243 = arith.constant 0 : i32
    %add3A_244 = arith.addi %mul3A_2, %add3A_243 : i32
    %multiple_of3A_245 = tpu.assume_multiple %add3A_244, 8 : i32
    %dma_start3A_246 = arith.constant 0 : i32
    %dma_start3A_247 = arith.constant 0 : i32
    %dma_start3A_248 = arith.constant 0 : i32
    %dma_start3A_249 = tpu.memref_slice %arg10[%dma_start3A_246, %dma_start3A_248] : memref<6x80xi32, #tpu.memory_space<vmem>> -> memref<1x80xi32, #tpu.memory_space<vmem>>
    %dma_start3A_250 = tpu.memref_squeeze %dma_start3A_249 : memref<1x80xi32, #tpu.memory_space<vmem>> -> memref<80xi32, #tpu.memory_space<vmem>>
    %dma_start3A_251 = tpu.memref_slice %arg4[%multiple_of3A_245] : memref<320000xi32, #tpu.memory_space<hbm>> -> memref<80xi32, #tpu.memory_space<hbm>>
    %dma_start3A_252 = tpu.memref_slice %arg16[%dma_start3A_247] : memref<6x!tpu.dma_semaphore, #tpu.memory_space<semaphore_mem>> -> memref<1x!tpu.dma_semaphore, #tpu.memory_space<semaphore_mem>>
    %dma_start3A_253 = tpu.memref_squeeze %dma_start3A_252 : memref<1x!tpu.dma_semaphore, #tpu.memory_space<semaphore_mem>> -> memref<!tpu.dma_semaphore, #tpu.memory_space<semaphore_mem>>
    %dma_start3A_254 = arith.constant 0 : i32
    %dma_start3A_255 = tpu.memref_slice %arg10[%dma_start3A_246, %dma_start3A_254] : memref<6x80xi32, #tpu.memory_space<vmem>> -> memref<1x80xi32, #tpu.memory_space<vmem>>
    %dma_start3A_256 = tpu.memref_squeeze %dma_start3A_255 : memref<1x80xi32, #tpu.memory_space<vmem>> -> memref<80xi32, #tpu.memory_space<vmem>>
    %dma_start3A_257 = tpu.memref_slice %arg4[%multiple_of3A_245] : memref<320000xi32, #tpu.memory_space<hbm>> -> memref<80xi32, #tpu.memory_space<hbm>>
    tpu.enqueue_dma source(%dma_start3A_257 : memref<80xi32, #tpu.memory_space<hbm>>) target(%dma_start3A_256 : memref<80xi32, #tpu.memory_space<vmem>>) target_semaphore(%dma_start3A_253 : memref<!tpu.dma_semaphore, #tpu.memory_space<semaphore_mem>>)
    %add3A_258 = arith.constant 80 : i32
    %add3A_259 = arith.addi %mul3A_2, %add3A_258 : i32
    %multiple_of3A_260 = tpu.assume_multiple %add3A_259, 8 : i32
    %dma_start3A_261 = arith.constant 1 : i32
    %dma_start3A_262 = arith.constant 1 : i32
    %dma_start3A_263 = arith.constant 0 : i32
    %dma_start3A_264 = tpu.memref_slice %arg10[%dma_start3A_261, %dma_start3A_263] : memref<6x80xi32, #tpu.memory_space<vmem>> -> memref<1x80xi32, #tpu.memory_space<vmem>>
    %dma_start3A_265 = tpu.memref_squeeze %dma_start3A_264 : memref<1x80xi32, #tpu.memory_space<vmem>> -> memref<80xi32, #tpu.memory_space<vmem>>
    %dma_start3A_266 = tpu.memref_slice %arg4[%multiple_of3A_260] : memref<320000xi32, #tpu.memory_space<hbm>> -> memref<80xi32, #tpu.memory_space<hbm>>
    %dma_start3A_267 = tpu.memref_slice %arg16[%dma_start3A_262] : memref<6x!tpu.dma_semaphore, #tpu.memory_space<semaphore_mem>> -> memref<1x!tpu.dma_semaphore, #tpu.memory_space<semaphore_mem>>
    %dma_start3A_268 = tpu.memref_squeeze %dma_start3A_267 : memref<1x!tpu.dma_semaphore, #tpu.memory_space<semaphore_mem>> -> memref<!tpu.dma_semaphore, #tpu.memory_space<semaphore_mem>>
    %dma_start3A_269 = arith.constant 0 : i32
    %dma_start3A_270 = tpu.memref_slice %arg10[%dma_start3A_261, %dma_start3A_269] : memref<6x80xi32, #tpu.memory_space<vmem>> -> memref<1x80xi32, #tpu.memory_space<vmem>>
    %dma_start3A_271 = tpu.memref_squeeze %dma_start3A_270 : memref<1x80xi32, #tpu.memory_space<vmem>> -> memref<80xi32, #tpu.memory_space<vmem>>
    %dma_start3A_272 = tpu.memref_slice %arg4[%multiple_of3A_260] : memref<320000xi32, #tpu.memory_space<hbm>> -> memref<80xi32, #tpu.memory_space<hbm>>
    tpu.enqueue_dma source(%dma_start3A_272 : memref<80xi32, #tpu.memory_space<hbm>>) target(%dma_start3A_271 : memref<80xi32, #tpu.memory_space<vmem>>) target_semaphore(%dma_start3A_268 : memref<!tpu.dma_semaphore, #tpu.memory_space<semaphore_mem>>)
    %add3A_273 = arith.constant 160 : i32
    %add3A_274 = arith.addi %mul3A_2, %add3A_273 : i32
    %multiple_of3A_275 = tpu.assume_multiple %add3A_274, 8 : i32
    %dma_start3A_276 = arith.constant 2 : i32
    %dma_start3A_277 = arith.constant 2 : i32
    %dma_start3A_278 = arith.constant 0 : i32
    %dma_start3A_279 = tpu.memref_slice %arg10[%dma_start3A_276, %dma_start3A_278] : memref<6x80xi32, #tpu.memory_space<vmem>> -> memref<1x80xi32, #tpu.memory_space<vmem>>
    %dma_start3A_280 = tpu.memref_squeeze %dma_start3A_279 : memref<1x80xi32, #tpu.memory_space<vmem>> -> memref<80xi32, #tpu.memory_space<vmem>>
    %dma_start3A_281 = tpu.memref_slice %arg4[%multiple_of3A_275] : memref<320000xi32, #tpu.memory_space<hbm>> -> memref<80xi32, #tpu.memory_space<hbm>>
    %dma_start3A_282 = tpu.memref_slice %arg16[%dma_start3A_277] : memref<6x!tpu.dma_semaphore, #tpu.memory_space<semaphore_mem>> -> memref<1x!tpu.dma_semaphore, #tpu.memory_space<semaphore_mem>>
    %dma_start3A_283 = tpu.memref_squeeze %dma_start3A_282 : memref<1x!tpu.dma_semaphore, #tpu.memory_space<semaphore_mem>> -> memref<!tpu.dma_semaphore, #tpu.memory_space<semaphore_mem>>
    %dma_start3A_284 = arith.constant 0 : i32
    %dma_start3A_285 = tpu.memref_slice %arg10[%dma_start3A_276, %dma_start3A_284] : memref<6x80xi32, #tpu.memory_space<vmem>> -> memref<1x80xi32, #tpu.memory_space<vmem>>
    %dma_start3A_286 = tpu.memref_squeeze %dma_start3A_285 : memref<1x80xi32, #tpu.memory_space<vmem>> -> memref<80xi32, #tpu.memory_space<vmem>>
    %dma_start3A_287 = tpu.memref_slice %arg4[%multiple_of3A_275] : memref<320000xi32, #tpu.memory_space<hbm>> -> memref<80xi32, #tpu.memory_space<hbm>>
    tpu.enqueue_dma source(%dma_start3A_287 : memref<80xi32, #tpu.memory_space<hbm>>) target(%dma_start3A_286 : memref<80xi32, #tpu.memory_space<vmem>>) target_semaphore(%dma_start3A_283 : memref<!tpu.dma_semaphore, #tpu.memory_space<semaphore_mem>>)
    %barrier3A_288 = arith.constant 0 : index
    tpu.barrier barrier_id(%barrier3A_288)
    %scan3A_289 = arith.constant 0 : i32
    %scan3A_290 = arith.constant 0 : i32
    %scan3A_291 = arith.constant 125 : i32
    %scan3A_292 = arith.addi %scan3A_290, %scan3A_291 : i32
    %scan3A_293 = arith.constant 1 : i32
    %scan3A_294 = scf.for %scan3A_342 = %scan3A_290 to %scan3A_292 step %scan3A_293 iter_args(%scan3A_343 = %scan3A_289) -> (i32)  : i32 {
      %rem3A = arith.constant 6 : i32
      %rem3A_344 = arith.remsi %scan3A_342, %rem3A : i32
      %ge3A = arith.constant 3 : i32
      %ge3A_345 = arith.cmpi sge, %scan3A_342, %ge3A : i32
      %convert_element_type3A = arith.extui %ge3A_345 : i1 to i32
      %cond3A = arith.constant 0 : i32
      %cond3A_346 = arith.cmpi ne, %convert_element_type3A, %cond3A : i32
      scf.if %cond3A_346 {
        %add3A_383 = arith.constant 3 : i32
        %add3A_384 = arith.addi %scan3A_342, %add3A_383 : i32
        %rem3A_385 = arith.constant 6 : i32
        %rem3A_386 = arith.remsi %add3A_384, %rem3A_385 : i32
        %add3A_387 = arith.constant 1 : i32
        %add3A_388 = arith.addi %scan3A_342, %add3A_387 : i32
        %rem3A_389 = arith.constant 4 : i32
        %rem3A_390 = arith.remsi %add3A_388, %rem3A_389 : i32
        %dma_wait3A_391 = arith.constant 0 : i32
        %dma_wait3A_392 = arith.constant 0 : i32
        %dma_wait3A_393 = arith.constant 0 : i32
        %dma_wait3A_394 = tpu.memref_slice %arg11[%dma_wait3A_391, %dma_wait3A_392, %dma_wait3A_393] : memref<4x80x128xf32, #tpu.memory_space<vmem>> -> memref<1x80x128xf32, #tpu.memory_space<vmem>>
        %dma_wait3A_395 = tpu.memref_squeeze %dma_wait3A_394 : memref<1x80x128xf32, #tpu.memory_space<vmem>> -> memref<80x128xf32, #tpu.memory_space<vmem>>
        %dma_wait3A_396 = arith.constant 0 : i32
        %dma_wait3A_397 = tpu.memref_slice %arg10[%rem3A_386, %dma_wait3A_396] : memref<6x80xi32, #tpu.memory_space<vmem>> -> memref<1x80xi32, #tpu.memory_space<vmem>>
        %dma_wait3A_398 = tpu.memref_squeeze %dma_wait3A_397 : memref<1x80xi32, #tpu.memory_space<vmem>> -> memref<80xi32, #tpu.memory_space<vmem>>
        %dma_wait3A_399 = arith.constant 0 : i32
        %dma_wait3A_400 = arith.constant 0 : i32
        %dma_wait3A_401 = tpu.memref_slice %arg12[%dma_wait3A_399, %dma_wait3A_400] : memref<10240x128xf32, #tpu.memory_space<vmem_shared>> -> memref<10240x128xf32, #tpu.memory_space<vmem_shared>>
        %dma_wait3A_402 = tpu.memref_slice %arg14[%rem3A_390] : memref<4x!tpu.dma_semaphore, #tpu.memory_space<semaphore_mem>> -> memref<1x!tpu.dma_semaphore, #tpu.memory_space<semaphore_mem>>
        %dma_wait3A_403 = tpu.memref_squeeze %dma_wait3A_402 : memref<1x!tpu.dma_semaphore, #tpu.memory_space<semaphore_mem>> -> memref<!tpu.dma_semaphore, #tpu.memory_space<semaphore_mem>>
        tpu.wait_indirect_dma semaphore(%dma_wait3A_403 : memref<!tpu.dma_semaphore, #tpu.memory_space<semaphore_mem>>) src(%dma_wait3A_395 : memref<80x128xf32, #tpu.memory_space<vmem>>) dst(%dma_wait3A_401 : memref<10240x128xf32, #tpu.memory_space<vmem_shared>>)
      } else {
      }
      %add3A_347 = arith.constant 3 : i32
      %add3A_348 = arith.addi %scan3A_342, %add3A_347 : i32
      %lt3A = arith.constant 125 : i32
      %lt3A_349 = arith.cmpi slt, %add3A_348, %lt3A : i32
      %convert_element_type3A_350 = arith.extui %lt3A_349 : i1 to i32
      %cond3A_351 = arith.constant 0 : i32
      %cond3A_352 = arith.cmpi ne, %convert_element_type3A_350, %cond3A_351 : i32
      scf.if %cond3A_352 {
        %add3A_383 = arith.constant 3 : i32
        %add3A_384 = arith.addi %scan3A_342, %add3A_383 : i32
        %mul3A_385 = arith.constant 80 : i32
        %mul3A_386 = arith.muli %add3A_384, %mul3A_385 : i32
        %add3A_387 = arith.addi %mul3A_2, %mul3A_386 : i32
        %multiple_of3A_388 = tpu.assume_multiple %add3A_387, 8 : i32
        %add3A_389 = arith.constant 3 : i32
        %add3A_390 = arith.addi %scan3A_342, %add3A_389 : i32
        %rem3A_391 = arith.constant 6 : i32
        %rem3A_392 = arith.remsi %add3A_390, %rem3A_391 : i32
        %add3A_393 = arith.constant 3 : i32
        %add3A_394 = arith.addi %scan3A_342, %add3A_393 : i32
        %rem3A_395 = arith.constant 6 : i32
        %rem3A_396 = arith.remsi %add3A_394, %rem3A_395 : i32
        %dma_start3A_397 = arith.constant 0 : i32
        %dma_start3A_398 = tpu.memref_slice %arg10[%rem3A_392, %dma_start3A_397] : memref<6x80xi32, #tpu.memory_space<vmem>> -> memref<1x80xi32, #tpu.memory_space<vmem>>
        %dma_start3A_399 = tpu.memref_squeeze %dma_start3A_398 : memref<1x80xi32, #tpu.memory_space<vmem>> -> memref<80xi32, #tpu.memory_space<vmem>>
        %dma_start3A_400 = tpu.memref_slice %arg4[%multiple_of3A_388] : memref<320000xi32, #tpu.memory_space<hbm>> -> memref<80xi32, #tpu.memory_space<hbm>>
        %dma_start3A_401 = tpu.memref_slice %arg16[%rem3A_396] : memref<6x!tpu.dma_semaphore, #tpu.memory_space<semaphore_mem>> -> memref<1x!tpu.dma_semaphore, #tpu.memory_space<semaphore_mem>>
        %dma_start3A_402 = tpu.memref_squeeze %dma_start3A_401 : memref<1x!tpu.dma_semaphore, #tpu.memory_space<semaphore_mem>> -> memref<!tpu.dma_semaphore, #tpu.memory_space<semaphore_mem>>
        %dma_start3A_403 = arith.constant 0 : i32
        %dma_start3A_404 = tpu.memref_slice %arg10[%rem3A_392, %dma_start3A_403] : memref<6x80xi32, #tpu.memory_space<vmem>> -> memref<1x80xi32, #tpu.memory_space<vmem>>
        %dma_start3A_405 = tpu.memref_squeeze %dma_start3A_404 : memref<1x80xi32, #tpu.memory_space<vmem>> -> memref<80xi32, #tpu.memory_space<vmem>>
        %dma_start3A_406 = tpu.memref_slice %arg4[%multiple_of3A_388] : memref<320000xi32, #tpu.memory_space<hbm>> -> memref<80xi32, #tpu.memory_space<hbm>>
        tpu.enqueue_dma source(%dma_start3A_406 : memref<80xi32, #tpu.memory_space<hbm>>) target(%dma_start3A_405 : memref<80xi32, #tpu.memory_space<vmem>>) target_semaphore(%dma_start3A_402 : memref<!tpu.dma_semaphore, #tpu.memory_space<semaphore_mem>>)
      } else {
      }
      %mul3A_353 = arith.constant 80 : i32
      %mul3A_354 = arith.muli %scan3A_342, %mul3A_353 : i32
      %add3A_355 = arith.addi %mul3A_2, %mul3A_354 : i32
      %multiple_of3A_356 = tpu.assume_multiple %add3A_355, 8 : i32
      %dma_wait3A_357 = arith.constant 0 : i32
      %dma_wait3A_358 = tpu.memref_slice %arg10[%rem3A_344, %dma_wait3A_357] : memref<6x80xi32, #tpu.memory_space<vmem>> -> memref<1x80xi32, #tpu.memory_space<vmem>>
      %dma_wait3A_359 = tpu.memref_squeeze %dma_wait3A_358 : memref<1x80xi32, #tpu.memory_space<vmem>> -> memref<80xi32, #tpu.memory_space<vmem>>
      %dma_wait3A_360 = tpu.memref_slice %arg4[%multiple_of3A_356] : memref<320000xi32, #tpu.memory_space<hbm>> -> memref<80xi32, #tpu.memory_space<hbm>>
      %dma_wait3A_361 = tpu.memref_slice %arg16[%rem3A_344] : memref<6x!tpu.dma_semaphore, #tpu.memory_space<semaphore_mem>> -> memref<1x!tpu.dma_semaphore, #tpu.memory_space<semaphore_mem>>
      %dma_wait3A_362 = tpu.memref_squeeze %dma_wait3A_361 : memref<1x!tpu.dma_semaphore, #tpu.memory_space<semaphore_mem>> -> memref<!tpu.dma_semaphore, #tpu.memory_space<semaphore_mem>>
      %dma_wait3A_363 = arith.constant 0 : i32
      %dma_wait3A_364 = tpu.memref_slice %arg10[%rem3A_344, %dma_wait3A_363] : memref<6x80xi32, #tpu.memory_space<vmem>> -> memref<1x80xi32, #tpu.memory_space<vmem>>
      %dma_wait3A_365 = tpu.memref_squeeze %dma_wait3A_364 : memref<1x80xi32, #tpu.memory_space<vmem>> -> memref<80xi32, #tpu.memory_space<vmem>>
      %dma_wait3A_366 = tpu.memref_slice %arg4[%multiple_of3A_356] : memref<320000xi32, #tpu.memory_space<hbm>> -> memref<80xi32, #tpu.memory_space<hbm>>
      tpu.wait_dma2 semaphore(%dma_wait3A_362 : memref<!tpu.dma_semaphore, #tpu.memory_space<semaphore_mem>>) src(%dma_wait3A_366 : memref<80xi32, #tpu.memory_space<hbm>>) dst(%dma_wait3A_365 : memref<80xi32, #tpu.memory_space<vmem>>)
      %rem3A_367 = arith.constant 4 : i32
      %rem3A_368 = arith.remsi %scan3A_342, %rem3A_367 : i32
      %dma_start3A_369 = arith.constant 0 : i32
      %dma_start3A_370 = arith.constant 0 : i32
      %dma_start3A_371 = arith.constant 0 : i32
      %dma_start3A_372 = tpu.memref_slice %arg11[%dma_start3A_369, %dma_start3A_370, %dma_start3A_371] : memref<4x80x128xf32, #tpu.memory_space<vmem>> -> memref<1x80x128xf32, #tpu.memory_space<vmem>>
      %dma_start3A_373 = tpu.memref_squeeze %dma_start3A_372 : memref<1x80x128xf32, #tpu.memory_space<vmem>> -> memref<80x128xf32, #tpu.memory_space<vmem>>
      %dma_start3A_374 = arith.constant 0 : i32
      %dma_start3A_375 = tpu.memref_slice %arg10[%rem3A_344, %dma_start3A_374] : memref<6x80xi32, #tpu.memory_space<vmem>> -> memref<1x80xi32, #tpu.memory_space<vmem>>
      %dma_start3A_376 = tpu.memref_squeeze %dma_start3A_375 : memref<1x80xi32, #tpu.memory_space<vmem>> -> memref<80xi32, #tpu.memory_space<vmem>>
      %dma_start3A_377 = arith.constant 0 : i32
      %dma_start3A_378 = arith.constant 0 : i32
      %dma_start3A_379 = tpu.memref_slice %arg12[%dma_start3A_377, %dma_start3A_378] : memref<10240x128xf32, #tpu.memory_space<vmem_shared>> -> memref<10240x128xf32, #tpu.memory_space<vmem_shared>>
      %dma_start3A_380 = tpu.memref_slice %arg14[%rem3A_368] : memref<4x!tpu.dma_semaphore, #tpu.memory_space<semaphore_mem>> -> memref<1x!tpu.dma_semaphore, #tpu.memory_space<semaphore_mem>>
      %dma_start3A_381 = tpu.memref_squeeze %dma_start3A_380 : memref<1x!tpu.dma_semaphore, #tpu.memory_space<semaphore_mem>> -> memref<!tpu.dma_semaphore, #tpu.memory_space<semaphore_mem>>
      tpu.enqueue_indirect_dma source(%dma_start3A_373 : memref<80x128xf32, #tpu.memory_space<vmem>>) target(%dma_start3A_379 : memref<10240x128xf32, #tpu.memory_space<vmem_shared>>) offsets(%dma_start3A_376 : memref<80xi32, #tpu.memory_space<vmem>>) semaphore(%dma_start3A_381 : memref<!tpu.dma_semaphore, #tpu.memory_space<semaphore_mem>>) {add = true}
      %scan3A_382 = arith.constant 0 : i32
      scf.yield %scan3A_382 : i32
    }
    %scan3A_295 = arith.constant 125 : i32
    %dma_wait3A_296 = arith.constant 0 : i32
    %dma_wait3A_297 = arith.constant 2 : i32
    %dma_wait3A_298 = arith.constant 2 : i32
    %dma_wait3A_299 = arith.constant 0 : i32
    %dma_wait3A_300 = arith.constant 0 : i32
    %dma_wait3A_301 = tpu.memref_slice %arg11[%dma_wait3A_296, %dma_wait3A_299, %dma_wait3A_300] : memref<4x80x128xf32, #tpu.memory_space<vmem>> -> memref<1x80x128xf32, #tpu.memory_space<vmem>>
    %dma_wait3A_302 = tpu.memref_squeeze %dma_wait3A_301 : memref<1x80x128xf32, #tpu.memory_space<vmem>> -> memref<80x128xf32, #tpu.memory_space<vmem>>
    %dma_wait3A_303 = arith.constant 0 : i32
    %dma_wait3A_304 = tpu.memref_slice %arg10[%dma_wait3A_297, %dma_wait3A_303] : memref<6x80xi32, #tpu.memory_space<vmem>> -> memref<1x80xi32, #tpu.memory_space<vmem>>
    %dma_wait3A_305 = tpu.memref_squeeze %dma_wait3A_304 : memref<1x80xi32, #tpu.memory_space<vmem>> -> memref<80xi32, #tpu.memory_space<vmem>>
    %dma_wait3A_306 = arith.constant 0 : i32
    %dma_wait3A_307 = arith.constant 0 : i32
    %dma_wait3A_308 = tpu.memref_slice %arg12[%dma_wait3A_306, %dma_wait3A_307] : memref<10240x128xf32, #tpu.memory_space<vmem_shared>> -> memref<10240x128xf32, #tpu.memory_space<vmem_shared>>
    %dma_wait3A_309 = tpu.memref_slice %arg14[%dma_wait3A_298] : memref<4x!tpu.dma_semaphore, #tpu.memory_space<semaphore_mem>> -> memref<1x!tpu.dma_semaphore, #tpu.memory_space<semaphore_mem>>
    %dma_wait3A_310 = tpu.memref_squeeze %dma_wait3A_309 : memref<1x!tpu.dma_semaphore, #tpu.memory_space<semaphore_mem>> -> memref<!tpu.dma_semaphore, #tpu.memory_space<semaphore_mem>>
    tpu.wait_indirect_dma semaphore(%dma_wait3A_310 : memref<!tpu.dma_semaphore, #tpu.memory_space<semaphore_mem>>) src(%dma_wait3A_302 : memref<80x128xf32, #tpu.memory_space<vmem>>) dst(%dma_wait3A_308 : memref<10240x128xf32, #tpu.memory_space<vmem_shared>>)
    %dma_wait3A_311 = arith.constant 0 : i32
    %dma_wait3A_312 = arith.constant 3 : i32
    %dma_wait3A_313 = arith.constant 3 : i32
    %dma_wait3A_314 = arith.constant 0 : i32
    %dma_wait3A_315 = arith.constant 0 : i32
    %dma_wait3A_316 = tpu.memref_slice %arg11[%dma_wait3A_311, %dma_wait3A_314, %dma_wait3A_315] : memref<4x80x128xf32, #tpu.memory_space<vmem>> -> memref<1x80x128xf32, #tpu.memory_space<vmem>>
    %dma_wait3A_317 = tpu.memref_squeeze %dma_wait3A_316 : memref<1x80x128xf32, #tpu.memory_space<vmem>> -> memref<80x128xf32, #tpu.memory_space<vmem>>
    %dma_wait3A_318 = arith.constant 0 : i32
    %dma_wait3A_319 = tpu.memref_slice %arg10[%dma_wait3A_312, %dma_wait3A_318] : memref<6x80xi32, #tpu.memory_space<vmem>> -> memref<1x80xi32, #tpu.memory_space<vmem>>
    %dma_wait3A_320 = tpu.memref_squeeze %dma_wait3A_319 : memref<1x80xi32, #tpu.memory_space<vmem>> -> memref<80xi32, #tpu.memory_space<vmem>>
    %dma_wait3A_321 = arith.constant 0 : i32
    %dma_wait3A_322 = arith.constant 0 : i32
    %dma_wait3A_323 = tpu.memref_slice %arg12[%dma_wait3A_321, %dma_wait3A_322] : memref<10240x128xf32, #tpu.memory_space<vmem_shared>> -> memref<10240x128xf32, #tpu.memory_space<vmem_shared>>
    %dma_wait3A_324 = tpu.memref_slice %arg14[%dma_wait3A_313] : memref<4x!tpu.dma_semaphore, #tpu.memory_space<semaphore_mem>> -> memref<1x!tpu.dma_semaphore, #tpu.memory_space<semaphore_mem>>
    %dma_wait3A_325 = tpu.memref_squeeze %dma_wait3A_324 : memref<1x!tpu.dma_semaphore, #tpu.memory_space<semaphore_mem>> -> memref<!tpu.dma_semaphore, #tpu.memory_space<semaphore_mem>>
    tpu.wait_indirect_dma semaphore(%dma_wait3A_325 : memref<!tpu.dma_semaphore, #tpu.memory_space<semaphore_mem>>) src(%dma_wait3A_317 : memref<80x128xf32, #tpu.memory_space<vmem>>) dst(%dma_wait3A_323 : memref<10240x128xf32, #tpu.memory_space<vmem_shared>>)
    %dma_wait3A_326 = arith.constant 0 : i32
    %dma_wait3A_327 = arith.constant 4 : i32
    %dma_wait3A_328 = arith.constant 0 : i32
    %dma_wait3A_329 = arith.constant 0 : i32
    %dma_wait3A_330 = arith.constant 0 : i32
    %dma_wait3A_331 = tpu.memref_slice %arg11[%dma_wait3A_326, %dma_wait3A_329, %dma_wait3A_330] : memref<4x80x128xf32, #tpu.memory_space<vmem>> -> memref<1x80x128xf32, #tpu.memory_space<vmem>>
    %dma_wait3A_332 = tpu.memref_squeeze %dma_wait3A_331 : memref<1x80x128xf32, #tpu.memory_space<vmem>> -> memref<80x128xf32, #tpu.memory_space<vmem>>
    %dma_wait3A_333 = arith.constant 0 : i32
    %dma_wait3A_334 = tpu.memref_slice %arg10[%dma_wait3A_327, %dma_wait3A_333] : memref<6x80xi32, #tpu.memory_space<vmem>> -> memref<1x80xi32, #tpu.memory_space<vmem>>
    %dma_wait3A_335 = tpu.memref_squeeze %dma_wait3A_334 : memref<1x80xi32, #tpu.memory_space<vmem>> -> memref<80xi32, #tpu.memory_space<vmem>>
    %dma_wait3A_336 = arith.constant 0 : i32
    %dma_wait3A_337 = arith.constant 0 : i32
    %dma_wait3A_338 = tpu.memref_slice %arg12[%dma_wait3A_336, %dma_wait3A_337] : memref<10240x128xf32, #tpu.memory_space<vmem_shared>> -> memref<10240x128xf32, #tpu.memory_space<vmem_shared>>
    %dma_wait3A_339 = tpu.memref_slice %arg14[%dma_wait3A_328] : memref<4x!tpu.dma_semaphore, #tpu.memory_space<semaphore_mem>> -> memref<1x!tpu.dma_semaphore, #tpu.memory_space<semaphore_mem>>
    %dma_wait3A_340 = tpu.memref_squeeze %dma_wait3A_339 : memref<1x!tpu.dma_semaphore, #tpu.memory_space<semaphore_mem>> -> memref<!tpu.dma_semaphore, #tpu.memory_space<semaphore_mem>>
    tpu.wait_indirect_dma semaphore(%dma_wait3A_340 : memref<!tpu.dma_semaphore, #tpu.memory_space<semaphore_mem>>) src(%dma_wait3A_332 : memref<80x128xf32, #tpu.memory_space<vmem>>) dst(%dma_wait3A_338 : memref<10240x128xf32, #tpu.memory_space<vmem_shared>>)
    %barrier3A_341 = arith.constant 0 : index
    tpu.barrier barrier_id(%barrier3A_341)
    "tpu.region"() ({
      %run_scoped3A_342 = tpu.sem_alloc : memref<!tpu.dma_semaphore, #tpu.memory_space<semaphore_mem>>
      %dma_start3A_343 = arith.constant 0 : i32
      %dma_start3A_344 = tpu.memref_slice %arg8[%arg0, %multiple_of3A, %dma_start3A_343] : memref<2x10240x128xf32, #tpu.memory_space<hbm>> -> memref<1x640x128xf32, #tpu.memory_space<hbm>>
      %dma_start3A_345 = tpu.memref_squeeze %dma_start3A_344 : memref<1x640x128xf32, #tpu.memory_space<hbm>> -> memref<640x128xf32, #tpu.memory_space<hbm>>
      %dma_start3A_346 = arith.constant 0 : i32
      %dma_start3A_347 = tpu.memref_slice %arg12[%multiple_of3A, %dma_start3A_346] : memref<10240x128xf32, #tpu.memory_space<vmem_shared>> -> memref<640x128xf32, #tpu.memory_space<vmem_shared>>
      tpu.enqueue_dma source(%dma_start3A_347 : memref<640x128xf32, #tpu.memory_space<vmem_shared>>) target(%dma_start3A_345 : memref<640x128xf32, #tpu.memory_space<hbm>>) target_semaphore(%run_scoped3A_342 : memref<!tpu.dma_semaphore, #tpu.memory_space<semaphore_mem>>)
      %dma_wait3A_348 = arith.constant 0 : i32
      %dma_wait3A_349 = tpu.memref_slice %arg8[%arg0, %multiple_of3A, %dma_wait3A_348] : memref<2x10240x128xf32, #tpu.memory_space<hbm>> -> memref<1x640x128xf32, #tpu.memory_space<hbm>>
      %dma_wait3A_350 = tpu.memref_squeeze %dma_wait3A_349 : memref<1x640x128xf32, #tpu.memory_space<hbm>> -> memref<640x128xf32, #tpu.memory_space<hbm>>
      %dma_wait3A_351 = arith.constant 0 : i32
      %dma_wait3A_352 = tpu.memref_slice %arg12[%multiple_of3A, %dma_wait3A_351] : memref<10240x128xf32, #tpu.memory_space<vmem_shared>> -> memref<640x128xf32, #tpu.memory_space<vmem_shared>>
      tpu.wait_dma2 semaphore(%run_scoped3A_342 : memref<!tpu.dma_semaphore, #tpu.memory_space<semaphore_mem>>) src(%dma_wait3A_352 : memref<640x128xf32, #tpu.memory_space<vmem_shared>>) dst(%dma_wait3A_350 : memref<640x128xf32, #tpu.memory_space<hbm>>)
      tpu.yield
    }) : () -> ()
    return
  }
}

module attributes {stable_mosaic.version = 14 : i64} {
  func.func @_prep_body(%arg0: memref<10000x128xf32, #tpu.memory_space<vmem>>, %arg1: memref<10000x128xf32, #tpu.memory_space<vmem>>) attributes {dimension_semantics = [], scalar_prefetch = 0 : i64, scratch_operands = 0 : i64, tpu.core_type = #tpu.core_type<tc>} {
    %get3A = arith.constant 0 : index
    %get3A_0 = arith.constant 0 : index
    %get3A_1 = vector.load %arg0[%get3A, %get3A_0] : memref<10000x128xf32, #tpu.memory_space<vmem>>, vector<10000x128xf32>
    %add3A = arith.constant 1.000000e+00 : f32
    %add3A_2 = vector.broadcast %add3A : f32 to vector<10000x128xf32>
    %add3A_3 = arith.addf %get3A_1, %add3A_2 : vector<10000x128xf32>
    %log3A = math.log %add3A_3 : vector<10000x128xf32>
    %swap3A = arith.constant 0 : index
    %swap3A_4 = arith.constant 0 : index
    %swap3A_5 = vector.load %arg1[%swap3A, %swap3A_4] : memref<10000x128xf32, #tpu.memory_space<vmem>>, vector<10000x128xf32>
    tpu.vector_store %arg1[%swap3A, %swap3A_4], %log3A {strides = array<i32>} : memref<10000x128xf32, #tpu.memory_space<vmem>>, vector<10000x128xf32>,
    return
  }
}

module attributes {stable_mosaic.version = 14 : i64} {
  func.func @_layer0_body(%arg0: memref<10000x128xf32, #tpu.memory_space<vmem>>, %arg1: memref<2x10240x128xf32, #tpu.memory_space<vmem>>, %arg2: memref<2x10240x128xf32, #tpu.memory_space<vmem>>, %arg3: memref<128x128xf32, #tpu.memory_space<vmem>>, %arg4: memref<128x128xf32, #tpu.memory_space<vmem>>, %arg5: memref<128xf32, #tpu.memory_space<vmem>>, %arg6: memref<10000x128xf32, #tpu.memory_space<vmem>>, %arg7: memref<10000x1xf32, #tpu.memory_space<vmem>>) attributes {dimension_semantics = [], scalar_prefetch = 0 : i64, scratch_operands = 0 : i64, tpu.core_type = #tpu.core_type<tc>} {
    %get3A = arith.constant 0 : index
    %get3A_0 = arith.constant 0 : index
    %get3A_1 = arith.constant 0 : index
    %get3A_2 = vector.load %arg2[%get3A, %get3A_0, %get3A_1] : memref<2x10240x128xf32, #tpu.memory_space<vmem>>, vector<1x10000x1xf32>
    %get3A_3 = vector.shape_cast %get3A_2 : vector<1x10000x1xf32> to vector<10000x1xf32>
    %get3A_4 = arith.constant 1 : index
    %get3A_5 = arith.constant 0 : index
    %get3A_6 = arith.constant 0 : index
    %get3A_7 = vector.load %arg2[%get3A_4, %get3A_5, %get3A_6] : memref<2x10240x128xf32, #tpu.memory_space<vmem>>, vector<1x10000x1xf32>
    %get3A_8 = vector.shape_cast %get3A_7 : vector<1x10000x1xf32> to vector<10000x1xf32>
    %add3A = arith.addf %get3A_3, %get3A_8 : vector<10000x1xf32>
    %max3A = arith.constant 1.000000e+00 : f32
    %max3A_9 = vector.broadcast %max3A : f32 to vector<10000x1xf32>
    %max3A_10 = arith.maximumf %add3A, %max3A_9 : vector<10000x1xf32>
    %div3A = arith.constant 1.000000e+00 : f32
    %div3A_11 = vector.broadcast %div3A : f32 to vector<10000x1xf32>
    %div3A_12 = arith.divf %div3A_11, %max3A_10 : vector<10000x1xf32>
    %swap3A = arith.constant 0 : index
    %swap3A_13 = arith.constant 0 : index
    %swap3A_14 = vector.load %arg7[%swap3A, %swap3A_13] : memref<10000x1xf32, #tpu.memory_space<vmem>>, vector<10000x1xf32>
    tpu.vector_store %arg7[%swap3A, %swap3A_13], %div3A_12 {strides = array<i32>} : memref<10000x1xf32, #tpu.memory_space<vmem>>, vector<10000x1xf32>,
    %get3A_15 = arith.constant 0 : index
    %get3A_16 = arith.constant 0 : index
    %get3A_17 = arith.constant 0 : index
    %get3A_18 = vector.load %arg1[%get3A_15, %get3A_16, %get3A_17] : memref<2x10240x128xf32, #tpu.memory_space<vmem>>, vector<1x10000x128xf32>
    %get3A_19 = vector.shape_cast %get3A_18 : vector<1x10000x128xf32> to vector<10000x128xf32>
    %get3A_20 = arith.constant 1 : index
    %get3A_21 = arith.constant 0 : index
    %get3A_22 = arith.constant 0 : index
    %get3A_23 = vector.load %arg1[%get3A_20, %get3A_21, %get3A_22] : memref<2x10240x128xf32, #tpu.memory_space<vmem>>, vector<1x10000x128xf32>
    %get3A_24 = vector.shape_cast %get3A_23 : vector<1x10000x128xf32> to vector<10000x128xf32>
    %add3A_25 = arith.addf %get3A_19, %get3A_24 : vector<10000x128xf32>
    %mul3A = vector.broadcast %div3A_12 : vector<10000x1xf32> to vector<10000x128xf32>
    %mul3A_26 = arith.mulf %add3A_25, %mul3A : vector<10000x128xf32>
    %get3A_27 = arith.constant 0 : index
    %get3A_28 = arith.constant 0 : index
    %get3A_29 = vector.load %arg0[%get3A_27, %get3A_28] : memref<10000x128xf32, #tpu.memory_space<vmem>>, vector<10000x128xf32>
    %get3A_30 = arith.constant 0 : index
    %get3A_31 = arith.constant 0 : index
    %get3A_32 = vector.load %arg3[%get3A_30, %get3A_31] : memref<128x128xf32, #tpu.memory_space<vmem>>, vector<128x128xf32>
    %dot_general3A = arith.constant dense<0.000000e+00> : vector<10000x128xf32>
    %dot_general3A_33 = tpu.matmul %get3A_29, %get3A_32, %dot_general3A {dimension_numbers = #tpu.dot_dimension_numbers<[1], [0], [0], [1], [0, 0, 1, 1], [], []>, transpose_lhs_hint = false} : vector<10000x128xf32>, vector<128x128xf32>, vector<10000x128xf32> -> vector<10000x128xf32>
    %get3A_34 = arith.constant 0 : index
    %get3A_35 = arith.constant 0 : index
    %get3A_36 = vector.load %arg4[%get3A_34, %get3A_35] : memref<128x128xf32, #tpu.memory_space<vmem>>, vector<128x128xf32>
    %dot_general3A_37 = arith.constant dense<0.000000e+00> : vector<10000x128xf32>
    %dot_general3A_38 = tpu.matmul %mul3A_26, %get3A_36, %dot_general3A_37 {dimension_numbers = #tpu.dot_dimension_numbers<[1], [0], [0], [1], [0, 0, 1, 1], [], []>, transpose_lhs_hint = false} : vector<10000x128xf32>, vector<128x128xf32>, vector<10000x128xf32> -> vector<10000x128xf32>
    %add3A_39 = arith.addf %dot_general3A_33, %dot_general3A_38 : vector<10000x128xf32>
    %get3A_40 = arith.constant 0 : index
    %get3A_41 = vector.load %arg5[%get3A_40] : memref<128xf32, #tpu.memory_space<vmem>>, vector<128xf32>
    %broadcast_in_dim3A = vector.shape_cast %get3A_41 : vector<128xf32> to vector<1x128xf32>
    %add3A_42 = vector.broadcast %broadcast_in_dim3A : vector<1x128xf32> to vector<10000x128xf32>
    %add3A_43 = arith.addf %add3A_39, %add3A_42 : vector<10000x128xf32>
    %max3A_44 = arith.constant 0.000000e+00 : f32
    %max3A_45 = vector.broadcast %max3A_44 : f32 to vector<10000x128xf32>
    %max3A_46 = arith.maximumf %add3A_43, %max3A_45 : vector<10000x128xf32>
    %mul3A_47 = arith.mulf %max3A_46, %max3A_46 : vector<10000x128xf32>
    %reduce_sum3A = arith.constant dense<0.000000e+00> : vector<10000xf32>
    %reduce_sum3A_48 = vector.multi_reduction <add>, %mul3A_47, %reduce_sum3A [1] : vector<10000x128xf32> to vector<10000xf32>
    %broadcast_in_dim3A_49 = vector.shape_cast %reduce_sum3A_48 : vector<10000xf32> to vector<10000x1xf32>
    %sqrt3A = math.sqrt %broadcast_in_dim3A_49 : vector<10000x1xf32>
    %max3A_50 = arith.constant 9.99999996E-13 : f32
    %max3A_51 = vector.broadcast %max3A_50 : f32 to vector<10000x1xf32>
    %max3A_52 = arith.maximumf %sqrt3A, %max3A_51 : vector<10000x1xf32>
    %div3A_53 = vector.broadcast %max3A_52 : vector<10000x1xf32> to vector<10000x128xf32>
    %div3A_54 = arith.divf %max3A_46, %div3A_53 : vector<10000x128xf32>
    %swap3A_55 = arith.constant 0 : index
    %swap3A_56 = arith.constant 0 : index
    %swap3A_57 = vector.load %arg6[%swap3A_55, %swap3A_56] : memref<10000x128xf32, #tpu.memory_space<vmem>>, vector<10000x128xf32>
    tpu.vector_store %arg6[%swap3A_55, %swap3A_56], %div3A_54 {strides = array<i32>} : memref<10000x128xf32, #tpu.memory_space<vmem>>, vector<10000x128xf32>,
    return
  }
}

module attributes {stable_mosaic.version = 14 : i64} {
  func.func @_final_body(%arg0: memref<10000x128xf32, #tpu.memory_space<vmem>>, %arg1: memref<2x10240x128xf32, #tpu.memory_space<vmem>>, %arg2: memref<10000x1xf32, #tpu.memory_space<vmem>>, %arg3: memref<128x128xf32, #tpu.memory_space<vmem>>, %arg4: memref<128x128xf32, #tpu.memory_space<vmem>>, %arg5: memref<128xf32, #tpu.memory_space<vmem>>, %arg6: memref<128x128xf32, #tpu.memory_space<vmem>>, %arg7: memref<128xf32, #tpu.memory_space<vmem>>, %arg8: memref<128xf32, #tpu.memory_space<vmem>>, %arg9: memref<128xf32, #tpu.memory_space<vmem>>, %arg10: memref<128x128xf32, #tpu.memory_space<vmem>>, %arg11: memref<128xf32, #tpu.memory_space<vmem>>, %arg12: memref<128x128xf32, #tpu.memory_space<vmem>>, %arg13: memref<128xf32, #tpu.memory_space<vmem>>, %arg14: memref<10000x128xf32, #tpu.memory_space<vmem>>, %arg15: memref<10000x128xf32, #tpu.memory_space<vmem>>) attributes {dimension_semantics = [], scalar_prefetch = 0 : i64, scratch_operands = 0 : i64, tpu.core_type = #tpu.core_type<tc>} {
    %get3A = arith.constant 0 : index
    %get3A_0 = arith.constant 0 : index
    %get3A_1 = arith.constant 0 : index
    %get3A_2 = vector.load %arg1[%get3A, %get3A_0, %get3A_1] : memref<2x10240x128xf32, #tpu.memory_space<vmem>>, vector<1x10000x128xf32>
    %get3A_3 = vector.shape_cast %get3A_2 : vector<1x10000x128xf32> to vector<10000x128xf32>
    %get3A_4 = arith.constant 1 : index
    %get3A_5 = arith.constant 0 : index
    %get3A_6 = arith.constant 0 : index
    %get3A_7 = vector.load %arg1[%get3A_4, %get3A_5, %get3A_6] : memref<2x10240x128xf32, #tpu.memory_space<vmem>>, vector<1x10000x128xf32>
    %get3A_8 = vector.shape_cast %get3A_7 : vector<1x10000x128xf32> to vector<10000x128xf32>
    %add3A = arith.addf %get3A_3, %get3A_8 : vector<10000x128xf32>
    %get3A_9 = arith.constant 0 : index
    %get3A_10 = arith.constant 0 : index
    %get3A_11 = vector.load %arg2[%get3A_9, %get3A_10] : memref<10000x1xf32, #tpu.memory_space<vmem>>, vector<10000x1xf32>
    %mul3A = vector.broadcast %get3A_11 : vector<10000x1xf32> to vector<10000x128xf32>
    %mul3A_12 = arith.mulf %add3A, %mul3A : vector<10000x128xf32>
    %get3A_13 = arith.constant 0 : index
    %get3A_14 = arith.constant 0 : index
    %get3A_15 = vector.load %arg0[%get3A_13, %get3A_14] : memref<10000x128xf32, #tpu.memory_space<vmem>>, vector<10000x128xf32>
    %get3A_16 = arith.constant 0 : index
    %get3A_17 = arith.constant 0 : index
    %get3A_18 = vector.load %arg3[%get3A_16, %get3A_17] : memref<128x128xf32, #tpu.memory_space<vmem>>, vector<128x128xf32>
    %dot_general3A = arith.constant dense<0.000000e+00> : vector<10000x128xf32>
    %dot_general3A_19 = tpu.matmul %get3A_15, %get3A_18, %dot_general3A {dimension_numbers = #tpu.dot_dimension_numbers<[1], [0], [0], [1], [0, 0, 1, 1], [], []>, transpose_lhs_hint = false} : vector<10000x128xf32>, vector<128x128xf32>, vector<10000x128xf32> -> vector<10000x128xf32>
    %get3A_20 = arith.constant 0 : index
    %get3A_21 = arith.constant 0 : index
    %get3A_22 = vector.load %arg4[%get3A_20, %get3A_21] : memref<128x128xf32, #tpu.memory_space<vmem>>, vector<128x128xf32>
    %dot_general3A_23 = arith.constant dense<0.000000e+00> : vector<10000x128xf32>
    %dot_general3A_24 = tpu.matmul %mul3A_12, %get3A_22, %dot_general3A_23 {dimension_numbers = #tpu.dot_dimension_numbers<[1], [0], [0], [1], [0, 0, 1, 1], [], []>, transpose_lhs_hint = false} : vector<10000x128xf32>, vector<128x128xf32>, vector<10000x128xf32> -> vector<10000x128xf32>
    %add3A_25 = arith.addf %dot_general3A_19, %dot_general3A_24 : vector<10000x128xf32>
    %get3A_26 = arith.constant 0 : index
    %get3A_27 = vector.load %arg5[%get3A_26] : memref<128xf32, #tpu.memory_space<vmem>>, vector<128xf32>
    %broadcast_in_dim3A = vector.shape_cast %get3A_27 : vector<128xf32> to vector<1x128xf32>
    %add3A_28 = vector.broadcast %broadcast_in_dim3A : vector<1x128xf32> to vector<10000x128xf32>
    %add3A_29 = arith.addf %add3A_25, %add3A_28 : vector<10000x128xf32>
    %get3A_30 = arith.constant 0 : index
    %get3A_31 = arith.constant 0 : index
    %get3A_32 = vector.load %arg6[%get3A_30, %get3A_31] : memref<128x128xf32, #tpu.memory_space<vmem>>, vector<128x128xf32>
    %dot_general3A_33 = arith.constant dense<0.000000e+00> : vector<10000x128xf32>
    %dot_general3A_34 = tpu.matmul %add3A_29, %get3A_32, %dot_general3A_33 {dimension_numbers = #tpu.dot_dimension_numbers<[1], [0], [0], [1], [0, 0, 1, 1], [], []>, transpose_lhs_hint = false} : vector<10000x128xf32>, vector<128x128xf32>, vector<10000x128xf32> -> vector<10000x128xf32>
    %get3A_35 = arith.constant 0 : index
    %get3A_36 = vector.load %arg7[%get3A_35] : memref<128xf32, #tpu.memory_space<vmem>>, vector<128xf32>
    %broadcast_in_dim3A_37 = vector.shape_cast %get3A_36 : vector<128xf32> to vector<1x128xf32>
    %add3A_38 = vector.broadcast %broadcast_in_dim3A_37 : vector<1x128xf32> to vector<10000x128xf32>
    %add3A_39 = arith.addf %dot_general3A_34, %add3A_38 : vector<10000x128xf32>
    %reduce_sum3A = arith.constant dense<0.000000e+00> : vector<128xf32>
    %reduce_sum3A_40 = vector.multi_reduction <add>, %add3A_39, %reduce_sum3A [0] : vector<10000x128xf32> to vector<128xf32>
    %broadcast_in_dim3A_41 = vector.shape_cast %reduce_sum3A_40 : vector<128xf32> to vector<1x128xf32>
    %div3A = arith.constant 1.000000e+04 : f32
    %div3A_42 = vector.broadcast %div3A : f32 to vector<1x128xf32>
    %div3A_43 = arith.divf %broadcast_in_dim3A_41, %div3A_42 : vector<1x128xf32>
    %sub3A = vector.broadcast %div3A_43 : vector<1x128xf32> to vector<10000x128xf32>
    %sub3A_44 = arith.subf %add3A_39, %sub3A : vector<10000x128xf32>
    %integer_pow3A = arith.mulf %sub3A_44, %sub3A_44 : vector<10000x128xf32>
    %reduce_sum3A_45 = arith.constant dense<0.000000e+00> : vector<128xf32>
    %reduce_sum3A_46 = vector.multi_reduction <add>, %integer_pow3A, %reduce_sum3A_45 [0] : vector<10000x128xf32> to vector<128xf32>
    %broadcast_in_dim3A_47 = vector.shape_cast %reduce_sum3A_46 : vector<128xf32> to vector<1x128xf32>
    %div3A_48 = arith.constant 1.000000e+04 : f32
    %div3A_49 = vector.broadcast %div3A_48 : f32 to vector<1x128xf32>
    %div3A_50 = arith.divf %broadcast_in_dim3A_47, %div3A_49 : vector<1x128xf32>
    %sub3A_51 = vector.broadcast %div3A_43 : vector<1x128xf32> to vector<10000x128xf32>
    %sub3A_52 = arith.subf %add3A_39, %sub3A_51 : vector<10000x128xf32>
    %add3A_53 = arith.constant 9.99999974E-6 : f32
    %add3A_54 = vector.broadcast %add3A_53 : f32 to vector<1x128xf32>
    %add3A_55 = arith.addf %div3A_50, %add3A_54 : vector<1x128xf32>
    %rsqrt3A = math.rsqrt %add3A_55 : vector<1x128xf32>
    %mul3A_56 = vector.broadcast %rsqrt3A : vector<1x128xf32> to vector<10000x128xf32>
    %mul3A_57 = arith.mulf %sub3A_52, %mul3A_56 : vector<10000x128xf32>
    %get3A_58 = arith.constant 0 : index
    %get3A_59 = vector.load %arg8[%get3A_58] : memref<128xf32, #tpu.memory_space<vmem>>, vector<128xf32>
    %broadcast_in_dim3A_60 = vector.shape_cast %get3A_59 : vector<128xf32> to vector<1x128xf32>
    %mul3A_61 = vector.broadcast %broadcast_in_dim3A_60 : vector<1x128xf32> to vector<10000x128xf32>
    %mul3A_62 = arith.mulf %mul3A_57, %mul3A_61 : vector<10000x128xf32>
    %get3A_63 = arith.constant 0 : index
    %get3A_64 = vector.load %arg9[%get3A_63] : memref<128xf32, #tpu.memory_space<vmem>>, vector<128xf32>
    %broadcast_in_dim3A_65 = vector.shape_cast %get3A_64 : vector<128xf32> to vector<1x128xf32>
    %add3A_66 = vector.broadcast %broadcast_in_dim3A_65 : vector<1x128xf32> to vector<10000x128xf32>
    %add3A_67 = arith.addf %mul3A_62, %add3A_66 : vector<10000x128xf32>
    %max3A = arith.constant 0.000000e+00 : f32
    %max3A_68 = vector.broadcast %max3A : f32 to vector<10000x128xf32>
    %max3A_69 = arith.maximumf %add3A_67, %max3A_68 : vector<10000x128xf32>
    %neg3A = arith.constant 0.000000e+00 : f32
    %neg3A_70 = vector.broadcast %neg3A : f32 to vector<10000x128xf32>
    %neg3A_71 = arith.subf %neg3A_70, %max3A_69 : vector<10000x128xf32>
    %exp3A = math.exp %neg3A_71 : vector<10000x128xf32>
    %add3A_72 = arith.constant 1.000000e+00 : f32
    %add3A_73 = vector.broadcast %add3A_72 : f32 to vector<10000x128xf32>
    %add3A_74 = arith.addf %add3A_73, %exp3A : vector<10000x128xf32>
    %log3A = math.log %add3A_74 : vector<10000x128xf32>
    %add3A_75 = arith.addf %log3A, %max3A_69 : vector<10000x128xf32>
    %get3A_76 = arith.constant 0 : index
    %get3A_77 = arith.constant 0 : index
    %get3A_78 = vector.load %arg10[%get3A_76, %get3A_77] : memref<128x128xf32, #tpu.memory_space<vmem>>, vector<128x128xf32>
    %dot_general3A_79 = arith.constant dense<0.000000e+00> : vector<10000x128xf32>
    %dot_general3A_80 = tpu.matmul %add3A_75, %get3A_78, %dot_general3A_79 {dimension_numbers = #tpu.dot_dimension_numbers<[1], [0], [0], [1], [0, 0, 1, 1], [], []>, transpose_lhs_hint = false} : vector<10000x128xf32>, vector<128x128xf32>, vector<10000x128xf32> -> vector<10000x128xf32>
    %get3A_81 = arith.constant 0 : index
    %get3A_82 = vector.load %arg11[%get3A_81] : memref<128xf32, #tpu.memory_space<vmem>>, vector<128xf32>
    %broadcast_in_dim3A_83 = vector.shape_cast %get3A_82 : vector<128xf32> to vector<1x128xf32>
    %add3A_84 = vector.broadcast %broadcast_in_dim3A_83 : vector<1x128xf32> to vector<10000x128xf32>
    %add3A_85 = arith.addf %dot_general3A_80, %add3A_84 : vector<10000x128xf32>
    %swap3A = arith.constant 0 : index
    %swap3A_86 = arith.constant 0 : index
    %swap3A_87 = vector.load %arg14[%swap3A, %swap3A_86] : memref<10000x128xf32, #tpu.memory_space<vmem>>, vector<10000x128xf32>
    tpu.vector_store %arg14[%swap3A, %swap3A_86], %add3A_85 {strides = array<i32>} : memref<10000x128xf32, #tpu.memory_space<vmem>>, vector<10000x128xf32>,
    %get3A_88 = arith.constant 0 : index
    %get3A_89 = arith.constant 0 : index
    %get3A_90 = vector.load %arg12[%get3A_88, %get3A_89] : memref<128x128xf32, #tpu.memory_space<vmem>>, vector<128x128xf32>
    %dot_general3A_91 = arith.constant dense<0.000000e+00> : vector<10000x128xf32>
    %dot_general3A_92 = tpu.matmul %add3A_75, %get3A_90, %dot_general3A_91 {dimension_numbers = #tpu.dot_dimension_numbers<[1], [0], [0], [1], [0, 0, 1, 1], [], []>, transpose_lhs_hint = false} : vector<10000x128xf32>, vector<128x128xf32>, vector<10000x128xf32> -> vector<10000x128xf32>
    %get3A_93 = arith.constant 0 : index
    %get3A_94 = vector.load %arg13[%get3A_93] : memref<128xf32, #tpu.memory_space<vmem>>, vector<128xf32>
    %broadcast_in_dim3A_95 = vector.shape_cast %get3A_94 : vector<128xf32> to vector<1x128xf32>
    %add3A_96 = vector.broadcast %broadcast_in_dim3A_95 : vector<1x128xf32> to vector<10000x128xf32>
    %add3A_97 = arith.addf %dot_general3A_92, %add3A_96 : vector<10000x128xf32>
    %exp3A_98 = math.exp %add3A_97 : vector<10000x128xf32>
    %swap3A_99 = arith.constant 0 : index
    %swap3A_100 = arith.constant 0 : index
    %swap3A_101 = vector.load %arg15[%swap3A_99, %swap3A_100] : memref<10000x128xf32, #tpu.memory_space<vmem>>, vector<10000x128xf32>
    tpu.vector_store %arg15[%swap3A_99, %swap3A_100], %exp3A_98 {strides = array<i32>} : memref<10000x128xf32, #tpu.memory_space<vmem>>, vector<10000x128xf32>,
    return
  }
}

</mosaic_0001>

<sc_bundles>
// kernel: kernel.10.cloned.1.call-start
scs
__scs_entry_jumppad:
0x0: {  	(pc) =	sbr.rel $0x88, $3  }
0x1: {  	(tag) =	ssettag $0x0;
	lr =	simm.s32 $0x1  }
0x2: {  	[smem:$0x3F91] =	sst lr;
	_ =	strace $0xD0000000  }
0x3: {  	_ = 	snop  }
0x4: {  	_ = 	snop  }
0x5: {  	_ = 	snop  }
0x6: {  	_ = 	snop  }
0x7: {  	_ = 	snop  }
__scs_overlays_trampoline_lowered:
0x8: {  	[smem:$0x3FA0] =	sst s0  }
0x9: {  	[smem:$0x3FA1] =	sst s1  }
0xa: {  	[smem:$0x3FA2] =	sst s2  }
0xb: {  	[smem:$0x3FA3] =	sst s3  }
0xc: {  	[smem:$0x3FA4] =	sst s4  }
0xd: {  	[smem:$0x3FA5] =	sst s5  }
0xe: {  	[smem:$0x3FA6] =	sst s6  }
0xf: {  	[smem:$0x3FA7] =	sst s7  }
0x10: {  	[smem:$0x3FA8] =	sst s8  }
0x11: {  	[smem:$0x3FA9] =	sst s9;
	s0 =	simm.s32 @!p0 $0x0  }
0x12: {  	s1 =	sld [smem:$0x3F8F];
	s0 =	simm.s32 @p0 $0x1  }
0x13: {  	[smem:$0x3FAA] =	sst s0;
	s0 =	simm.s32 @!p1 $0x0  }
0x14: {  	s2 =	sld [smem:$0x3F8E];
	s0 =	simm.s32 @p1 $0x1  }
0x15: {  	[smem:$0x3FAB] =	sst s0;
	s0 =	simm.s32 @!p2 $0x0  }
0x16: {  	s3 =	sld [smem:$0x3FDB];
	s0 =	simm.s32 @p2 $0x1  }
0x17: {  	s4 =	simm.s32 $0x1BF5;
	[smem:$0x3FAD] =	sst s0  }
0x18: {  	s0 =	sld [smem:$0x3F90];
	_ =	swait.ge [sflag:s4], $0x0  }
0x19: {  	s7 =	sld [smem:$0x3F91]  }
0x1a: {  	s8 =	sadd.s32 $0xFFFFE003, lr  }
0x1b: {  	s9 =	sadd.s32 $0xFFFFFEF7, lr;
	s5 =	simm.s32 $0xFFFFFFFF;
	p2 =	slt.u32 s8, $0xFFFFF086  }
0x1c: {  	p1 =	slt.u32 s9, $0xF7A;
	s5 =	simm.s32 @!p2 $0x0  }
0x1d: {  	s5 =	simm.s32 @p1 $0x1;
	p0 =	seq.s32 s7, s2  }
0x1e: {  	s7 =	smul.u32 @!p0 $0xF7A, s2;
	p2 =	seq.s32 @!p0 s5, $0x0  }
0x1f: {  	s9 =	smul.u32 $0xF7A, s1;
	s8 =	simm.s32 @!p0 $0x1BF5;
	p2 =	por !p2, p0  }
0x20: {  	[sflag:s8] =	ssyncset.s32 @!p0 $0xFFFFF086;
	s6 =	sadd.s32 @!p0 s3, s7;
	s7 =	simm.s32 @!p0 $0x108  }
0x21: {  	s3 =	sadd.s32 s3, s9;
	s6 =	sadd.s32 @!p0 $0x88, s6;
	s7 =	simm.s32 @p2 $0x1082  }
0x22: {  	[simem:s7], [sflag:s8] =	dma.local @!p0 [hbm:s6], $0xF7A  }
0x23: {  	s9 =	sor.u32 $0xD0000000, s2;
	s6 =	simm.s32 $0x108;
	_ =	swait.ge @!p0 [sflag:s8], $0x0  }
0x24: {  	s3 =	sadd.s32 $0x88, s3;
	s6 =	simm.s32 @!p1 $0x1082;
	[sflag:s4] =	ssyncset.s32 $0xFFFFF086  }
0x25: {  	[simem:s6], [sflag:s4] =	dma.local [hbm:s3], $0xF7A  }
0x26: {  	[smem:$0x3F91] =	sst s1;
	(tag) =	ssettag s2;
	_ =	strace s9  }
0x27: {  	s1 =	sld [smem:$0x3FA1]  }
0x28: {  	s2 =	sld [smem:$0x3FA2]  }
0x29: {  	s4 =	sld [smem:$0x3FA4]  }
0x2a: {  	p0 =	seq.s32 s5, $0x0;
	s5 =	sld [smem:$0x3FA5]  }
0x2b: {  	s6 =	sld [smem:$0x3FA6]  }
0x2c: {  	s7 =	sld [smem:$0x3FA7]  }
0x2d: {  	s3 =	simm.s32 $0x108;
	s8 =	sld [smem:$0x3FA8]  }
0x2e: {  	s3 =	simm.s32 @!p0 $0x1082;
	s9 =	sld [smem:$0x3FA9]  }
0x2f: {  	lr =	sadd.s32 s0, s3;
	s0 =	sld [smem:$0x3FA0]  }
0x30: {  	s3 =	sld [smem:$0x3FA3]  }
0x31: {  	[smem:$0x3FAC] =	sst s10  }
0x32: {  	s10 =	sld [smem:$0x3FAA];
	_ =	sdelay $0x3  }
0x33: {  	p0 =	seq.s32 s10, $0x1;
	s10 =	sld [smem:$0x3FAC];
	_ =	sdelay $0x3  }
0x34: {  	[smem:$0x3FAC] =	sst s10  }
0x35: {  	s10 =	sld [smem:$0x3FAB];
	_ =	sdelay $0x3  }
0x36: {  	p1 =	seq.s32 s10, $0x1;
	s10 =	sld [smem:$0x3FAC];
	_ =	sdelay $0x3  }
0x37: {  	[smem:$0x3FAC] =	sst s10  }
0x38: {  	s10 =	sld [smem:$0x3FAD]  }
0x39: {  	_ = 	snop;
	(pc) =	sbr.ind lr, $3  }
0x3a: {  	_ = 	snop  }
0x3b: {  	_ = 	snop  }
0x3c: {  	p2 =	seq.s32 s10, $0x1;
	s10 =	sld [smem:$0x3FAC]  }
0x3d: {  	_ =	shalt  }
0x3e: {  	_ =	shalt  }
0x3f: {  	_ =	shalt  }
0x40: {  	_ =	shalt  }
0x41: {  	_ =	shalt  }
0x42: {  	_ =	shalt  }
0x43: {  	_ =	shalt  }
0x44: {  	_ =	shalt  }
0x45: {  	_ =	shalt  }
0x46: {  	_ =	shalt  }
0x47: {  	_ =	shalt  }
0x48: {  	_ =	shalt  }
0x49: {  	_ =	shalt  }
0x4a: {  	_ =	shalt  }
0x4b: {  	_ =	shalt  }
0x4c: {  	_ =	shalt  }
0x4d: {  	_ =	shalt  }
0x4e: {  	_ =	shalt  }
0x4f: {  	_ =	shalt  }
0x50: {  	_ =	shalt  }
0x51: {  	_ =	shalt  }
0x52: {  	_ =	shalt  }
0x53: {  	_ =	shalt  }
0x54: {  	_ =	shalt  }
0x55: {  	_ =	shalt  }
0x56: {  	_ =	shalt  }
0x57: {  	_ =	shalt  }
0x58: {  	_ =	shalt  }
0x59: {  	_ =	shalt  }
0x5a: {  	_ =	shalt  }
0x5b: {  	_ =	shalt  }
0x5c: {  	_ =	shalt  }
0x5d: {  	_ =	shalt  }
0x5e: {  	_ =	shalt  }
0x5f: {  	_ =	shalt  }
0x60: {  	_ =	shalt  }
0x61: {  	_ =	shalt  }
0x62: {  	_ =	shalt  }
0x63: {  	_ =	shalt  }
0x64: {  	_ =	shalt  }
0x65: {  	_ =	shalt  }
0x66: {  	_ =	shalt  }
0x67: {  	_ =	shalt  }
0x68: {  	_ =	shalt  }
0x69: {  	_ =	shalt  }
0x6a: {  	_ =	shalt  }
0x6b: {  	_ =	shalt  }
0x6c: {  	_ =	shalt  }
0x6d: {  	_ =	shalt  }
0x6e: {  	_ =	shalt  }
0x6f: {  	_ =	shalt  }
0x70: {  	_ =	shalt  }
0x71: {  	_ =	shalt  }
0x72: {  	_ =	shalt  }
0x73: {  	_ =	shalt  }
0x74: {  	_ =	shalt  }
0x75: {  	_ =	shalt  }
0x76: {  	_ =	shalt  }
0x77: {  	_ =	shalt  }
0x78: {  	_ =	shalt  }
0x79: {  	_ =	shalt  }
0x7a: {  	_ =	shalt  }
0x7b: {  	_ =	shalt  }
0x7c: {  	_ =	shalt  }
0x7d: {  	_ =	shalt  }
0x7e: {  	_ =	shalt  }
0x7f: {  	_ =	shalt  }
0x80: {  	_ =	shalt  }
0x81: {  	_ =	shalt  }
0x82: {  	_ =	shalt  }
0x83: {  	_ =	shalt  }
0x84: {  	_ =	shalt  }
0x85: {  	_ =	shalt  }
0x86: {  	_ =	shalt  }
0x87: {  	_ =	shalt  }
.Lfunc_end0:
.L_simem_size_0:
called_computation.1_lowered:
.L_overlay_start_0:
0x88: {  	s2 =	sld [smem:$0x3FD9]  }
0x89: {  	s3 =	sld [smem:$0x3FFE];
	_ =	sdelay $0x1  }
0x8a: {  	s1 =	srdreg.scid  }
0x8b: {  	s0 =	sand.u32 $0x1, s1  }
0x8c: {  	s14 =	sshll.u32 s0, $0xA;
	s2 =	sadd.s32 s3, s2  }
0x8d: {  	s2 =	sadd.s32 s2, s14  }
0x8e: {  	[smem:$0x3FB8] =	sst s2  }
0x8f: {  	_ = 	snop  }
0x90: {  	s2 =	sld [smem:$0x3FD0];
	_ =	sdelay $0x2  }
0x91: {  	s15 =	simm.s32 $0xA;
	s4 =	simm.s32 $0x10  }
0x92: {  	[smem:s4], [sflag:s15] =	dma.local [hbm:s2], $0x1  }
0x93: {  	_ =	swait.eq [sflag:s15], $0x1  }
0x94: {  	[sflag:s15] =	ssyncset.done $0x0  }
0x95: {  	s16 =	sld [smem:$0x10];
	[sflag:s15] =	ssyncadd.s32 $0xFFFFFFFF  }
0x96: {  	s17 =	sld [smem:$0x11];
	(tm) =	ssettm $0x1  }
0x97: {  	s18 =	sld [smem:$0x3FFB];
	_ =	sdelay $0x3  }
0x98: {  	_ =	strace s18  }
0x99: {  	s4 =	sld [smem:$0x3FFC];
	_ =	sdelay $0x3  }
0x9a: {  	_ =	strace s4  }
0x9b: {  	s4 =	sld [smem:$0x3FFD];
	_ =	sdelay $0x3  }
0x9c: {  	_ =	strace s4  }
0x9d: {  	_ =	strace $0x8FFFFFFF  }
0x9e: {  	s19 =	sld [smem:$0x3FDB];
	_ =	sdelay $0x1  }
0x9f: {  	s5 =	simm.s32 $_scs_section_size  }
0xa0: {  	s6 =	simm.s32 $_size__tile_overlayer_lowered;
	s7 =	simm.s32 $_tile_overlayer_lowered  }
0xa1: {  	s22 =	simm.s32 $0x1BFF;
	s21 =	sshll.u32 s7, $0x1;
	s4 =	sadd.s32 s5, s19  }
0xa2: {  	s8 =	simm.s32 $0x0;
	s20 =	sshll.u32 s6, $0x1;
	s6 =	sadd.s32 s21, s4  }
0xa3: {  	[timem:s8], [sflag:s22] =	dma.local [hbm:s6], s20  }
0xa4: {  	_ =	swait.ge [sflag:s22], s20  }
0xa5: {  	s5 =	ssub.s32 $0x0, s20;
	[sflag:s22] =	ssyncset.done $0x0  }
0xa6: {  	[sflag:s22] =	ssyncadd.s32 s5;
	_ =	sdelay $0x1  }
0xa7: {  	s23 =	simm.s32 $0x1B8B  }
0xa8: {  	_ =	swait.ge [sflag:s23], $0x1  }
0xa9: {  	[sflag:s23] =	ssyncset.done $0x0  }
0xaa: {  	s25 =	simm.s32 $0x1B8E;
	s24 =	sld [smem:$0x3FFE];
	[sflag:s23] =	ssyncadd.s32 $0xFFFFFFFF  }
0xab: {  	s26 =	simm.s32 $execute0_lowered;
	[smem:$0x3FD2] =	sst s25  }
0xac: {  	s6 =	sshll.u32 s26, $0x1;
	_ =	strace $0x80000049;
	[dreg:$0x1] =	wrdreg $0xFFFFFFFF  }
0xad: {  	s28 =	simm.s32 $_size_execute0_lowered;
	s4 =	sadd.s32 s4, s6;
	[dreg:$0x0] =	wrdreg $0x0  }
0xae: {  	s6 =	sshll.u32 s28, $0x1;
	[dreg:$0x2] =	wrdreg s4  }
0xaf: {  	[dreg:$0x3] =	wrdreg s6  }
0xb0: {  	[dreg:$0x4] =	wrdreg $0xC0  }
0xb1: {  	_ =	task [dreg:s8], $0x5FFFF  }
0xb2: {  	[dreg:$0x1] =	wrdreg $0xFFFFFFFF  }
0xb3: {  	[dreg:$0x0] =	wrdreg $0x60  }
0xb4: {  	[dreg:$0x2] =	wrdreg s17  }
0xb5: {  	[dreg:$0x3] =	wrdreg s24  }
0xb6: {  	[dreg:$0x4] =	wrdreg s16  }
0xb7: {  	[dreg:$0x5] =	wrdreg $0xA8000  }
0xb8: {  	[dreg:$0x6] =	wrdreg $0x9  }
0xb9: {  	_ =	task.clear_ibuf [dreg:s8], $0x7FFFF;
	_ =	strace $0x90000049  }
0xba: {  	s29 =	simm.s32 $0x9;
	_ =	strace $0x8000004B  }
0xbb: {  	_ =	swait.ge [sflag:s29], $0x1  }
0xbc: {  	[sflag:s29] =	ssyncadd.s32 $0xFFFFFFFF  }
0xbd: {  	_ =	strace $0x9000004B  }
0xbe: {  	_ =	sfence  }
0xbf: {  	s30 =	sld [smem:$0x0];
	_ =	sdelay $0x2  }
0xc0: {  	s31 =	sshll.u32 s1, $0xD;
	s1 =	sshrl.u32 s1, $0x2  }
0xc1: {  	s3 =	sand.u32 $0x4000, s31;
	s1 =	sadd.s32 s1, s30  }
0xc2: {  	s0 =	sor.u32 s3, s0;
	s1 =	sshll.u32 s1, $0x11  }
0xc3: {  	s0 =	sor.u32 s1, s0  }
0xc4: {  	s0 =	sadd.s32 $0x8F2B, s0  }
0xc5: {  	[sflag:s0] =	ssyncadd.remote.s32 $0x1  }
0xc6: {  	_ =	sfence.sel $0xFFFF  }
0xc7: {  	[dreg:$0x0] =	wrdreg $0xFFFFFFFF;
	(pc) =	sbr.abs _section_cstart, $3  }
0xc8: {  	[dreg:$0x1] =	wrdreg $0xFFFFFFFF  }
0xc9: {  	_ =	task.clear_ibuf [dreg:s8], $0x2FFFF;
	_ =	strace $0x9FFFFFFF  }
0xca: {  	(tm) =	ssettm $0x7FFFFFFF  }
0xcb: {  	_ =	shalt  }
tec
execute0_lowered:
.L_overlay_start_1:
0x0: {  	(tag) =	ssettag $0x1  }
0x1: {  	s1 =	rddreg [dreg:$0x0]  }
0x2: {  	s0 =	rddreg [dreg:$0x1]  }
0x3: {  	s3 =	rddreg [dreg:$0x2]  }
0x4: {  	s2 =	rddreg [dreg:$0x3];
	s4 =	srdreg.scid  }
0x5: {  	s10 =	stileid.u32;
	s28 =	simm.s32 $0x15;
	s29 =	simm.s32 $0x9  }
0x6: {  	s30 =	simm.s32 $0x50;
	s5 =	sand.u32 $0x1, s4;
	s7 =	smul.u32 $0x14000, s10  }
0x7: {  	s4 =	simm.s32 $0x0;
	s18 =	sadd.s32 $0x3400, s0;
	s24 =	smul.u32 $0x2710, s10  }
0x8: {  	s9 =	sadd.s32 $0xD800, s0;
	s14 =	smul.u32 $0x50000, s10;
	s26 =	sshll.u32 s10, $0x6  }
0x9: {  	s6 =	smul.u32 $0x140000, s5;
	[smem:$0x7FF] =	sst s4;
	s8 =	sshll.u32 s5, $0x4  }
0xa: {  	s15 =	ssub.s32 $0x2, s5;
	s5 =	smul.u32 $0x27100, s5;
	_ =	strace $0x8000004A  }
0xb: {  	s8 =	sor.u32 s10, s8;
	[dreg:$0x5] =	wrdreg s9;
	s16 =	sshrl.u32 s15, $0x1  }
0xc: {  	s25 =	sshrl.u32 s14, $0x2;
	s6 =	sadd.s32 s7, s6;
	s8 =	smul.u32 $0x2710, s8  }
0xd: {  	s17 =	ssub.s32 s15, s16;
	s5 =	sadd.s32 s24, s5;
	s14 =	sadd.s32 s25, s2  }
0xe: {  	s15 =	sor.u32 $0x1C15, s26;
	s24 =	simm.s32 $0x5;
	s25 =	simm.s32 $0x0  }
0xf: {  	s6 =	sshrl.u32 s6, $0x3;
	s5 =	sadd.s32 $0x140, s5;
	s17 =	smax.u32 s17, $0x1  }
0x10: {  	s0 =	sadd.s32 s6, s0;
	s19 =	sshrl.u32 s8, $0x3;
	s5 =	sshrl.u32 s5, $0x3  }
0x11: {  	s8 =	sadd.s32 s18, s19;
	s20 =	sadd.s32 s3, s19;
	s21 =	sadd.s32 $0xA, s19  }
0x12: {  	s11 =	sadd.s32 $0x14, s19;
	s7 =	sadd.s32 $0x1E, s19;
	s16 =	sadd.s32 $0x10000, s0  }
0x13: {  	s31 =	sadd.s32 s5, s18;
	s0 =	simm.s32 $0xA;
	[dreg:$0x6] =	wrdreg s8  }
.Ltmp0:
0x14: {  	[dreg:$0x7] =	wrdreg s20;
	s22 =	sadd.s32 s18, s21;
	(pc) =	sbr.rel .LBB2_1-.Ltmp0, $4  }
0x15: {  	s8 =	sadd.s32 s3, s21;
	s23 =	sadd.s32 s18, s11;
	s11 =	sadd.s32 s3, s11  }
0x16: {  	s12 =	sadd.s32 s18, s7;
	s13 =	sadd.s32 s3, s7;
	[dreg:$0x8] =	wrdreg s22  }
0x17: {  	s3 =	sadd.s32 s5, s3;
	s21 =	simm.s32 $0x80;
	[dreg:$0x9] =	wrdreg s8  }
0x18: {  	s20 =	simm.s32 $0xB;
	[dreg:$0xa] =	wrdreg s23;
	s23 =	simm.s32 $0x100  }
.LBB2_8:
0x19: {  	_ =	swait.ge [sflag:s24], $0x2800  }
0x1a: {  	s25 =	sadd.s32 $0x1, s25;
	[sflag:s24] =	ssyncset.done $0x0  }
0x1b: {  	p0 =	sne.s32 s25, s17;
	[sflag:s24] =	ssyncadd.s32 $0xFFFFD800  }
.Ltmp1:
0x1c: {  	[bflag:$0x0] =	sbarrier.arrive $0xFFFF;
	(pc) =	sbr.rel @!p0 .LBB2_9-.Ltmp1, $4  }
0x1d: {  	[hbm:s16], [sflag:s15] =	dma.local [spmem:s26], $0x2800  }
0x1e: {  	_ =	swait.ge [sflag:s28], $0x2800  }
0x1f: {  	[sflag:s28] =	ssyncset.done $0x0  }
0x20: {  	[sflag:s28] =	ssyncadd.s32 $0xFFFFD800  }
.LBB2_1:
0x21: {  	s5 =	rddreg [dreg:$0x6]  }
0x22: {  	[tilespmem:s4], [sflag:$0x9] =	stream.linear.gather [hbm4b:s5+s4], $0x50, $0x38;
	[tilespmem:$0x1E800] =	vst v63  }
0x23: {  	s18 =	rddreg [dreg:$0x7];
	s6 =	simm.s32 $0x400  }
0x24: {  	[tilespmem:s6], [sflag:$0xF] =	stream.linear.gather [hbm4b:s18+s4], $0x50, $0x38;
	[tilespmem:$0x1E800] =	vst v63  }
0x25: {  	s19 =	rddreg [dreg:$0x8]  }
0x26: {  	[tilespmem:s21], [sflag:$0xA] =	stream.linear.gather [hbm4b:s19+s4], $0x50, $0x38;
	[tilespmem:$0x1E800] =	vst v63  }
0x27: {  	s22 =	rddreg [dreg:$0x9];
	s26 =	simm.s32 $0x480  }
0x28: {  	[tilespmem:s26], [sflag:$0x10] =	stream.linear.gather [hbm4b:s22+s4], $0x50, $0x38;
	[tilespmem:$0x1E800] =	vst v63  }
0x29: {  	s6 =	rddreg [dreg:$0xa]  }
0x2a: {  	[tilespmem:s23], [sflag:$0xB] =	stream.linear.gather [hbm4b:s6+s4], $0x50, $0x38;
	[tilespmem:$0x1E800] =	vst v63  }
0x2b: {  	s7 =	simm.s32 $0x500  }
0x2c: {  	[tilespmem:s7], [sflag:$0x11] =	stream.linear.gather [hbm4b:s11+s4], $0x50, $0x38;
	[tilespmem:$0x1E800] =	vst v63  }
0x2d: {  	s8 =	simm.s32 $0x180  }
0x2e: {  	[tilespmem:s8], [sflag:$0xC] =	stream.linear.gather [hbm4b:s12+s4], $0x50, $0x38;
	[tilespmem:$0x1E800] =	vst v63  }
0x2f: {  	s9 =	simm.s32 $0x580;
	s10 =	rddreg [dreg:$0x5];
	s26 =	sshrl.u32 s14, $0x3  }
0x30: {  	[tilespmem:s9], [sflag:$0x12] =	stream.linear.gather [hbm4b:s13+s4], $0x50, $0x38;
	[tilespmem:$0x1E800] =	vst v63  }
0x31: {  	[spmem:s26], [sflag:s15] =	dma.local [hbm:s10], $0x2800  }
0x32: {  	_ =	swait.ge [sflag:s28], $0x2800  }
0x33: {  	[sflag:s28] =	ssyncset.done $0x0  }
0x34: {  	[sflag:s28] =	ssyncadd.s32 $0xFFFFD800  }
0x35: {  	_ =	swait.ge [sflag:s29], $0x50  }
0x36: {  	[sflag:s29] =	ssyncset.done $0x0  }
0x37: {  	s18 =	simm.s32 $0x800;
	[sflag:s29] =	ssyncadd.s32 $0xFFFFFFB0  }
0x38: {  	[tilespmem:s18], [sflag:$0x1] =	stream.indirect.gather [hbm4b:s1+s30], $0x80, s4, s30, $0xb8;
	[tilespmem:$0x1E800] =	vst v63  }
0x39: {  	_ =	swait.ge [sflag:s0], $0x50  }
0x3a: {  	[sflag:s0] =	ssyncset.done $0x0  }
0x3b: {  	s19 =	simm.s32 $0x3000;
	[sflag:s0] =	ssyncadd.s32 $0xFFFFFFB0  }
0x3c: {  	[tilespmem:s19], [sflag:$0x2] =	stream.indirect.gather [hbm4b:s1+s30], $0x80, s21, s30, $0xb8;
	[tilespmem:$0x1E800] =	vst v63  }
0x3d: {  	_ =	swait.ge [sflag:s20], $0x50  }
.Ltmp2:
0x3e: {  	[sflag:s20] =	ssyncset.done $0x0;
	(pc) =	sbr.rel .LBB2_2-.Ltmp2, $4  }
0x3f: {  	s22 =	simm.s32 $0x5800;
	[sflag:s20] =	ssyncadd.s32 $0xFFFFFFB0  }
0x40: {  	[tilespmem:s22], [sflag:$0x3] =	stream.indirect.gather [hbm4b:s1+s30], $0x80, s23, s30, $0xb8;
	[tilespmem:$0x1E800] =	vst v63  }
0x41: {  	[bflag:$0x0] =	sbarrier.arrive $0xFFFF  }
0x42: {  	s18 =	smov.u32 s3;
	s19 =	smov.u32 s31;
	s22 =	simm.s32 $0x0  }
.LBB2_3:
0x43: {  	s8 =	sadd.s32 $0x2AC, s6  }
0x44: {  	s8 =	sshrl.u32 s8, $0xA  }
0x45: {  	s8 =	sand.u32 $0x3F, s8  }
0x46: {  	s8 =	smul.u32 $0x6, s8;
	_ =	sdelay $0x1  }
0x47: {  	s8 =	ssub.s32 s22, s8  }
0x48: {  	s8 =	sadd.s32 $0x4, s8  }
0x49: {  	s8 =	sand.u32 $0xFF, s8  }
0x4a: {  	s9 =	sshll.u32 s8, $0x7;
	s10 =	sadd.s32 $0x9, s8  }
0x4b: {  	[tilespmem:s9], [sflag:s10] =	stream.linear.gather [hbm4b:s19+s4], $0x50, $0x38;
	[tilespmem:$0x1E800] =	vst v63  }
0x4c: {  	s10 =	sadd.s32 $0x201, s6  }
0x4d: {  	s10 =	sshrl.u32 s10, $0xA  }
0x4e: {  	s10 =	sand.u32 $0x3F, s10  }
0x4f: {  	s8 =	sadd.s32 $0xF, s8;
	s9 =	sor.u32 $0x400, s9;
	s10 =	smul.u32 $0x6, s10  }
0x50: {  	[tilespmem:s9], [sflag:s8] =	stream.linear.gather [hbm4b:s18+s4], $0x50, $0x38;
	[tilespmem:$0x1E800] =	vst v63  }
0x51: {  	s10 =	ssub.s32 s22, s10  }
0x52: {  	s8 =	sadd.s32 $0x3, s10  }
0x53: {  	s7 =	simm.s32 @p0 $0x3;
	s8 =	sand.u32 $0xFF, s8  }
.LBB2_6:
0x54: {  	s9 =	sadd.s32 $0x9, s8;
	s10 =	smul.u32 $0xA000, s7  }
0x55: {  	_ =	swait.ge [sflag:s9], $0x50  }
0x56: {  	s8 =	sshll.u32 s8, $0x7;
	[sflag:s9] =	ssyncset.done $0x0;
	s10 =	sshrl.u32 s10, $0x2  }
0x57: {  	[sflag:s9] =	ssyncadd.s32 $0xFFFFFFB0;
	s9 =	sadd.s32 $0x800, s10;
	s10 =	sadd.s32 $0x1, s7  }
0x58: {  	[tilespmem:s9], [sflag:s10] =	stream.indirect.gather [hbm4b:s1+s30], $0x80, s8, s30, $0xb8;
	[tilespmem:$0x1E800] =	vst v63  }
.LBB2_7:
0x59: {  	s6 =	sshrl.u32 s6, $0xA  }
0x5a: {  	s6 =	sand.u32 $0x3F, s6  }
0x5b: {  	s6 =	smul.u32 $0x6, s6;
	_ =	sdelay $0x1  }
0x5c: {  	s6 =	ssub.s32 s22, s6;
	s22 =	sadd.s32 $0x1, s22  }
0x5d: {  	s7 =	smul.u32 $0xA000, s5;
	s6 =	sand.u32 $0xFF, s6;
	p0 =	sne.s32 s22, $0x7D  }
.Ltmp3:
0x5e: {  	s10 =	sadd.s32 $0x5, s5;
	s8 =	sadd.s32 $0xF, s6;
	(pc) =	sbr.rel @!p0 .LBB2_8-.Ltmp3, $4  }
0x5f: {  	s18 =	sadd.s32 $0xA, s18;
	s19 =	sadd.s32 $0xA, s19;
	_ =	swait.ge [sflag:s8], $0x50  }
0x60: {  	s7 =	sshrl.u32 s7, $0x2;
	s6 =	sshll.u32 s6, $0x7;
	[sflag:s8] =	ssyncset.done $0x0  }
0x61: {  	s7 =	sadd.s32 $0x800, s7;
	s6 =	sadd.s32 $0x400, s6;
	[sflag:s8] =	ssyncadd.s32 $0xFFFFFFB0  }
0x62: {  	[spmem:s2] =	stream.indirect.scatter.add.f32 [tilespmem:s7], [sflag:s10], $0x80, s6, s30, $0xb8;
	[tilespmem:$0x1E800] =	vst v63  }
.LBB2_2:
0x63: {  	s5 =	sand.u32 $0x3, s22;
	p0 =	seq.s32 s22, $0x0  }
0x64: {  	s6 =	sadd.s32 $0x1, s5;
	p1 =	sgt.u32 @!p0 s22, $0x78  }
0x65: {  	s7 =	sadd.s32 @!p0 $0xFFFFFFFF, s22;
	_ =	swait.ge [sflag:s6], $0x2800;
	p1 =	por p0, !p1  }
.Ltmp4:
0x66: {  	s7 =	sand.u32 @!p0 $0x3, s7;
	[sflag:s6] =	ssyncset.done $0x0;
	(pc) =	sbr.rel @p1 .LBB2_3-.Ltmp4, $4  }
0x67: {  	s8 =	sadd.s32 @!p0 $0x5, s7;
	[sflag:s6] =	ssyncadd.s32 $0xFFFFD800  }
0x68: {  	_ =	swait.ge @!p0 [sflag:s8], $0x2800  }
0x69: {  	s6 =	smul.u32 $0xAB, s22;
	[sflag:s8] =	ssyncset.done @!p0 $0x0  }
0x6a: {  	[sflag:s8] =	ssyncadd.s32 @!p0 $0xFFFFD800  }
0x6b: {  	p0 =	sne.s32 s22, $0x79  }
.Ltmp5:
0x6c: {  	_ = 	snop;
	(pc) =	sbr.rel @p0 .LBB2_7-.Ltmp5, $1  }
0x6d: {  	_ =	sdelay $0x3  }
.Ltmp6:
0x6e: {  	(pc) =	sbr.rel .LBB2_6-.Ltmp6, $2  }
0x6f: {  	_ =	sdelay $0x2  }
0x70: {  	s8 =	simm.s32 $0x4;
	s7 =	simm.s32 $0x0  }
.LBB2_9:
0x71: {  	_ =	sfence.sel $0x180000  }
0x72: {  	[bflag:$0x0] =	sbarrier.arrive $0xFFFF  }
0x73: {  	_ =	strace $0x9000004A  }
0x74: {  	s0 =	stileid.u32;
	[bflag:$0x2] =	sbarrier.arrive $0xFFFF  }
0x75: {  	p0 =	sne.s32 s0, $0x0;
	s0 =	rddreg [dreg:$0x4]  }
0x76: {  	s0 =	sadd.s32 @!p0 $0x100000, s0  }
0x77: {  	[sflag:s0] =	ssyncadd.tile.s32 @!p0 $0x1;
	_ =	shalt  }
.Lfunc_end2:
_tile_overlayer_lowered:
.L_overlay_start_2:
0x78: {  	(tag) =	ssettag $0x2  }
0x79: {  	s0 =	rddreg [dreg:$0x0];
	s2 =	stileid.u32  }
0x7a: {  	s1 =	rddreg [dreg:$0x1];
	p0 =	sne.s32 s2, $0x0  }
0x7b: {  	s3 =	rddreg [dreg:$0x2];
	[bflag:$0x3] =	sbarrier.arrive $0xFFFF;
	s2 =	simm.s32 @!p0 $0x1C15  }
0x7c: {  	[timem:s3], [sflag:s2] =	dma.local @!p0 [hbm:s0], s1  }
0x7d: {  	s0 =	simm.s32 @!p0 $0x15  }
0x7e: {  	_ =	swait.ge @!p0 [sflag:s0], s1  }
0x7f: {  	s1 =	ssub.s32 @!p0 $0x0, s1;
	[sflag:s0] =	ssyncset.done @!p0 $0x0  }
0x80: {  	[sflag:s0] =	ssyncadd.s32 @!p0 s1  }
0x81: {  	[bflag:$0x3] =	sbarrier.arrive $0xFFFF  }
0x82: {  	_ =	shalt  }

// kernel: kernel.7.cloned.1.call-start
scs
__scs_entry_jumppad:
0x0: {  	(pc) =	sbr.rel $0x88, $3  }
0x1: {  	(tag) =	ssettag $0x0;
	lr =	simm.s32 $0x1  }
0x2: {  	[smem:$0x3F91] =	sst lr;
	_ =	strace $0xD0000000  }
0x3: {  	_ = 	snop  }
0x4: {  	_ = 	snop  }
0x5: {  	_ = 	snop  }
0x6: {  	_ = 	snop  }
0x7: {  	_ = 	snop  }
__scs_overlays_trampoline_lowered:
0x8: {  	[smem:$0x3FA0] =	sst s0  }
0x9: {  	[smem:$0x3FA1] =	sst s1  }
0xa: {  	[smem:$0x3FA2] =	sst s2  }
0xb: {  	[smem:$0x3FA3] =	sst s3  }
0xc: {  	[smem:$0x3FA4] =	sst s4  }
0xd: {  	[smem:$0x3FA5] =	sst s5  }
0xe: {  	[smem:$0x3FA6] =	sst s6  }
0xf: {  	[smem:$0x3FA7] =	sst s7  }
0x10: {  	[smem:$0x3FA8] =	sst s8  }
0x11: {  	[smem:$0x3FA9] =	sst s9;
	s0 =	simm.s32 @!p0 $0x0  }
0x12: {  	s1 =	sld [smem:$0x3F8F];
	s0 =	simm.s32 @p0 $0x1  }
0x13: {  	[smem:$0x3FAA] =	sst s0;
	s0 =	simm.s32 @!p1 $0x0  }
0x14: {  	s2 =	sld [smem:$0x3F8E];
	s0 =	simm.s32 @p1 $0x1  }
0x15: {  	[smem:$0x3FAB] =	sst s0;
	s0 =	simm.s32 @!p2 $0x0  }
0x16: {  	s3 =	sld [smem:$0x3FDB];
	s0 =	simm.s32 @p2 $0x1  }
0x17: {  	s4 =	simm.s32 $0x1BF5;
	[smem:$0x3FAD] =	sst s0  }
0x18: {  	s0 =	sld [smem:$0x3F90];
	_ =	swait.ge [sflag:s4], $0x0  }
0x19: {  	s7 =	sld [smem:$0x3F91]  }
0x1a: {  	s8 =	sadd.s32 $0xFFFFE003, lr  }
0x1b: {  	s9 =	sadd.s32 $0xFFFFFEF7, lr;
	s5 =	simm.s32 $0xFFFFFFFF;
	p2 =	slt.u32 s8, $0xFFFFF086  }
0x1c: {  	p1 =	slt.u32 s9, $0xF7A;
	s5 =	simm.s32 @!p2 $0x0  }
0x1d: {  	s5 =	simm.s32 @p1 $0x1;
	p0 =	seq.s32 s7, s2  }
0x1e: {  	s7 =	smul.u32 @!p0 $0xF7A, s2;
	p2 =	seq.s32 @!p0 s5, $0x0  }
0x1f: {  	s9 =	smul.u32 $0xF7A, s1;
	s8 =	simm.s32 @!p0 $0x1BF5;
	p2 =	por !p2, p0  }
0x20: {  	[sflag:s8] =	ssyncset.s32 @!p0 $0xFFFFF086;
	s6 =	sadd.s32 @!p0 s3, s7;
	s7 =	simm.s32 @!p0 $0x108  }
0x21: {  	s3 =	sadd.s32 s3, s9;
	s6 =	sadd.s32 @!p0 $0x88, s6;
	s7 =	simm.s32 @p2 $0x1082  }
0x22: {  	[simem:s7], [sflag:s8] =	dma.local @!p0 [hbm:s6], $0xF7A  }
0x23: {  	s9 =	sor.u32 $0xD0000000, s2;
	s6 =	simm.s32 $0x108;
	_ =	swait.ge @!p0 [sflag:s8], $0x0  }
0x24: {  	s3 =	sadd.s32 $0x88, s3;
	s6 =	simm.s32 @!p1 $0x1082;
	[sflag:s4] =	ssyncset.s32 $0xFFFFF086  }
0x25: {  	[simem:s6], [sflag:s4] =	dma.local [hbm:s3], $0xF7A  }
0x26: {  	[smem:$0x3F91] =	sst s1;
	(tag) =	ssettag s2;
	_ =	strace s9  }
0x27: {  	s1 =	sld [smem:$0x3FA1]  }
0x28: {  	s2 =	sld [smem:$0x3FA2]  }
0x29: {  	s4 =	sld [smem:$0x3FA4]  }
0x2a: {  	p0 =	seq.s32 s5, $0x0;
	s5 =	sld [smem:$0x3FA5]  }
0x2b: {  	s6 =	sld [smem:$0x3FA6]  }
0x2c: {  	s7 =	sld [smem:$0x3FA7]  }
0x2d: {  	s3 =	simm.s32 $0x108;
	s8 =	sld [smem:$0x3FA8]  }
0x2e: {  	s3 =	simm.s32 @!p0 $0x1082;
	s9 =	sld [smem:$0x3FA9]  }
0x2f: {  	lr =	sadd.s32 s0, s3;
	s0 =	sld [smem:$0x3FA0]  }
0x30: {  	s3 =	sld [smem:$0x3FA3]  }
0x31: {  	[smem:$0x3FAC] =	sst s10  }
0x32: {  	s10 =	sld [smem:$0x3FAA];
	_ =	sdelay $0x3  }
0x33: {  	p0 =	seq.s32 s10, $0x1;
	s10 =	sld [smem:$0x3FAC];
	_ =	sdelay $0x3  }
0x34: {  	[smem:$0x3FAC] =	sst s10  }
0x35: {  	s10 =	sld [smem:$0x3FAB];
	_ =	sdelay $0x3  }
0x36: {  	p1 =	seq.s32 s10, $0x1;
	s10 =	sld [smem:$0x3FAC];
	_ =	sdelay $0x3  }
0x37: {  	[smem:$0x3FAC] =	sst s10  }
0x38: {  	s10 =	sld [smem:$0x3FAD]  }
0x39: {  	_ = 	snop;
	(pc) =	sbr.ind lr, $3  }
0x3a: {  	_ = 	snop  }
0x3b: {  	_ = 	snop  }
0x3c: {  	p2 =	seq.s32 s10, $0x1;
	s10 =	sld [smem:$0x3FAC]  }
0x3d: {  	_ =	shalt  }
0x3e: {  	_ =	shalt  }
0x3f: {  	_ =	shalt  }
0x40: {  	_ =	shalt  }
0x41: {  	_ =	shalt  }
0x42: {  	_ =	shalt  }
0x43: {  	_ =	shalt  }
0x44: {  	_ =	shalt  }
0x45: {  	_ =	shalt  }
0x46: {  	_ =	shalt  }
0x47: {  	_ =	shalt  }
0x48: {  	_ =	shalt  }
0x49: {  	_ =	shalt  }
0x4a: {  	_ =	shalt  }
0x4b: {  	_ =	shalt  }
0x4c: {  	_ =	shalt  }
0x4d: {  	_ =	shalt  }
0x4e: {  	_ =	shalt  }
0x4f: {  	_ =	shalt  }
0x50: {  	_ =	shalt  }
0x51: {  	_ =	shalt  }
0x52: {  	_ =	shalt  }
0x53: {  	_ =	shalt  }
0x54: {  	_ =	shalt  }
0x55: {  	_ =	shalt  }
0x56: {  	_ =	shalt  }
0x57: {  	_ =	shalt  }
0x58: {  	_ =	shalt  }
0x59: {  	_ =	shalt  }
0x5a: {  	_ =	shalt  }
0x5b: {  	_ =	shalt  }
0x5c: {  	_ =	shalt  }
0x5d: {  	_ =	shalt  }
0x5e: {  	_ =	shalt  }
0x5f: {  	_ =	shalt  }
0x60: {  	_ =	shalt  }
0x61: {  	_ =	shalt  }
0x62: {  	_ =	shalt  }
0x63: {  	_ =	shalt  }
0x64: {  	_ =	shalt  }
0x65: {  	_ =	shalt  }
0x66: {  	_ =	shalt  }
0x67: {  	_ =	shalt  }
0x68: {  	_ =	shalt  }
0x69: {  	_ =	shalt  }
0x6a: {  	_ =	shalt  }
0x6b: {  	_ =	shalt  }
0x6c: {  	_ =	shalt  }
0x6d: {  	_ =	shalt  }
0x6e: {  	_ =	shalt  }
0x6f: {  	_ =	shalt  }
0x70: {  	_ =	shalt  }
0x71: {  	_ =	shalt  }
0x72: {  	_ =	shalt  }
0x73: {  	_ =	shalt  }
0x74: {  	_ =	shalt  }
0x75: {  	_ =	shalt  }
0x76: {  	_ =	shalt  }
0x77: {  	_ =	shalt  }
0x78: {  	_ =	shalt  }
0x79: {  	_ =	shalt  }
0x7a: {  	_ =	shalt  }
0x7b: {  	_ =	shalt  }
0x7c: {  	_ =	shalt  }
0x7d: {  	_ =	shalt  }
0x7e: {  	_ =	shalt  }
0x7f: {  	_ =	shalt  }
0x80: {  	_ =	shalt  }
0x81: {  	_ =	shalt  }
0x82: {  	_ =	shalt  }
0x83: {  	_ =	shalt  }
0x84: {  	_ =	shalt  }
0x85: {  	_ =	shalt  }
0x86: {  	_ =	shalt  }
0x87: {  	_ =	shalt  }
.Lfunc_end0:
.L_simem_size_0:
called_computation_lowered:
.L_overlay_start_0:
0x88: {  	s2 =	sld [smem:$0x3FD9]  }
0x89: {  	s3 =	sld [smem:$0x3FFE];
	_ =	sdelay $0x1  }
0x8a: {  	s1 =	srdreg.scid  }
0x8b: {  	s0 =	sand.u32 $0x1, s1  }
0x8c: {  	s14 =	sshll.u32 s0, $0xA;
	s2 =	sadd.s32 s3, s2  }
0x8d: {  	s2 =	sadd.s32 s2, s14  }
0x8e: {  	[smem:$0x3FB8] =	sst s2  }
0x8f: {  	_ = 	snop  }
0x90: {  	s2 =	sld [smem:$0x3FD0];
	_ =	sdelay $0x2  }
0x91: {  	s15 =	simm.s32 $0xA;
	s4 =	simm.s32 $0x10  }
0x92: {  	[smem:s4], [sflag:s15] =	dma.local [hbm:s2], $0x1  }
0x93: {  	_ =	swait.eq [sflag:s15], $0x1  }
0x94: {  	[sflag:s15] =	ssyncset.done $0x0  }
0x95: {  	s16 =	sld [smem:$0x10];
	[sflag:s15] =	ssyncadd.s32 $0xFFFFFFFF  }
0x96: {  	s17 =	sld [smem:$0x11];
	(tm) =	ssettm $0x1  }
0x97: {  	s18 =	sld [smem:$0x3FFB];
	_ =	sdelay $0x3  }
0x98: {  	_ =	strace s18  }
0x99: {  	s4 =	sld [smem:$0x3FFC];
	_ =	sdelay $0x3  }
0x9a: {  	_ =	strace s4  }
0x9b: {  	s4 =	sld [smem:$0x3FFD];
	_ =	sdelay $0x3  }
0x9c: {  	_ =	strace s4  }
0x9d: {  	_ =	strace $0x8FFFFFFF  }
0x9e: {  	s19 =	sld [smem:$0x3FDB];
	_ =	sdelay $0x1  }
0x9f: {  	s5 =	simm.s32 $_scs_section_size  }
0xa0: {  	s6 =	simm.s32 $_size__tile_overlayer_lowered;
	s7 =	simm.s32 $_tile_overlayer_lowered  }
0xa1: {  	s22 =	simm.s32 $0x1BFF;
	s21 =	sshll.u32 s7, $0x1;
	s4 =	sadd.s32 s5, s19  }
0xa2: {  	s8 =	simm.s32 $0x0;
	s20 =	sshll.u32 s6, $0x1;
	s6 =	sadd.s32 s21, s4  }
0xa3: {  	[timem:s8], [sflag:s22] =	dma.local [hbm:s6], s20  }
0xa4: {  	_ =	swait.ge [sflag:s22], s20  }
0xa5: {  	s5 =	ssub.s32 $0x0, s20;
	[sflag:s22] =	ssyncset.done $0x0  }
0xa6: {  	[sflag:s22] =	ssyncadd.s32 s5;
	_ =	sdelay $0x1  }
0xa7: {  	s23 =	simm.s32 $0x1B8B  }
0xa8: {  	_ =	swait.ge [sflag:s23], $0x1  }
0xa9: {  	[sflag:s23] =	ssyncset.done $0x0  }
0xaa: {  	s25 =	simm.s32 $0x1B8E;
	s24 =	sld [smem:$0x3FFE];
	[sflag:s23] =	ssyncadd.s32 $0xFFFFFFFF  }
0xab: {  	s26 =	simm.s32 $execute0_lowered;
	[smem:$0x3FD2] =	sst s25  }
0xac: {  	s6 =	sshll.u32 s26, $0x1;
	_ =	strace $0x80000046;
	[dreg:$0x1] =	wrdreg $0xFFFFFFFF  }
0xad: {  	s28 =	simm.s32 $_size_execute0_lowered;
	s4 =	sadd.s32 s4, s6;
	[dreg:$0x0] =	wrdreg $0x0  }
0xae: {  	s6 =	sshll.u32 s28, $0x1;
	[dreg:$0x2] =	wrdreg s4  }
0xaf: {  	[dreg:$0x3] =	wrdreg s6  }
0xb0: {  	[dreg:$0x4] =	wrdreg $0xC0  }
0xb1: {  	_ =	task [dreg:s8], $0x5FFFF  }
0xb2: {  	[dreg:$0x1] =	wrdreg $0xFFFFFFFF  }
0xb3: {  	[dreg:$0x0] =	wrdreg $0x60  }
0xb4: {  	[dreg:$0x2] =	wrdreg s17  }
0xb5: {  	[dreg:$0x3] =	wrdreg s24  }
0xb6: {  	[dreg:$0x4] =	wrdreg s16  }
0xb7: {  	[dreg:$0x5] =	wrdreg $0xA8000  }
0xb8: {  	[dreg:$0x6] =	wrdreg $0x9  }
0xb9: {  	_ =	task.clear_ibuf [dreg:s8], $0x7FFFF;
	_ =	strace $0x90000046  }
0xba: {  	s29 =	simm.s32 $0x9;
	_ =	strace $0x80000048  }
0xbb: {  	_ =	swait.ge [sflag:s29], $0x1  }
0xbc: {  	[sflag:s29] =	ssyncadd.s32 $0xFFFFFFFF  }
0xbd: {  	_ =	strace $0x90000048  }
0xbe: {  	_ =	sfence  }
0xbf: {  	s30 =	sld [smem:$0x0];
	_ =	sdelay $0x2  }
0xc0: {  	s31 =	sshll.u32 s1, $0xD;
	s1 =	sshrl.u32 s1, $0x2  }
0xc1: {  	s3 =	sand.u32 $0x4000, s31;
	s1 =	sadd.s32 s1, s30  }
0xc2: {  	s0 =	sor.u32 s3, s0;
	s1 =	sshll.u32 s1, $0x11  }
0xc3: {  	s0 =	sor.u32 s1, s0  }
0xc4: {  	s0 =	sadd.s32 $0x8F2B, s0  }
0xc5: {  	[sflag:s0] =	ssyncadd.remote.s32 $0x1  }
0xc6: {  	_ =	sfence.sel $0xFFFF  }
0xc7: {  	[dreg:$0x0] =	wrdreg $0xFFFFFFFF;
	(pc) =	sbr.abs _section_cstart, $3  }
0xc8: {  	[dreg:$0x1] =	wrdreg $0xFFFFFFFF  }
0xc9: {  	_ =	task.clear_ibuf [dreg:s8], $0x2FFFF;
	_ =	strace $0x9FFFFFFF  }
0xca: {  	(tm) =	ssettm $0x7FFFFFFF  }
0xcb: {  	_ =	shalt  }
tec
execute0_lowered:
.L_overlay_start_1:
0x0: {  	(tag) =	ssettag $0x1  }
0x1: {  	s1 =	rddreg [dreg:$0x0]  }
0x2: {  	s0 =	rddreg [dreg:$0x1]  }
0x3: {  	s3 =	rddreg [dreg:$0x2]  }
0x4: {  	s2 =	rddreg [dreg:$0x3];
	s4 =	simm.s32 $0x0;
	s5 =	srdreg.scid  }
0x5: {  	s15 =	stileid.u32;
	s28 =	simm.s32 $0x500;
	s31 =	simm.s32 $0x15  }
0x6: {  	s29 =	simm.s32 $0x800;
	s30 =	simm.s32 $0xA;
	s8 =	smul.u32 $0x14000, s15  }
0x7: {  	[smem:$0x7FF] =	sst s4;
	s6 =	sand.u32 $0x1, s5;
	s13 =	smul.u32 $0x50000, s15  }
0x8: {  	s11 =	sadd.s32 $0x3400, s0;
	s5 =	sadd.s32 $0xD800, s0;
	s20 =	smul.u32 $0x2710, s15  }
0x9: {  	s10 =	sadd.s32 $0xD200, s0;
	s22 =	sshll.u32 s15, $0x6;
	s7 =	smul.u32 $0x140000, s6  }
0xa: {  	_ =	strace $0x80000047;
	s9 =	sshll.u32 s6, $0x4;
	s24 =	ssub.s32 $0x2, s6  }
0xb: {  	[dreg:$0x5] =	wrdreg s10;
	s6 =	smul.u32 $0x27100, s6;
	s9 =	sor.u32 s15, s9  }
0xc: {  	s25 =	sshrl.u32 s24, $0x1;
	s21 =	sshrl.u32 s13, $0x2;
	s13 =	simm.s32 $0x0  }
0xd: {  	s7 =	sadd.s32 s8, s7;
	s9 =	smul.u32 $0x2710, s9;
	s6 =	sadd.s32 s20, s6  }
0xe: {  	s26 =	ssub.s32 s24, s25;
	s7 =	sshrl.u32 s7, $0x3;
	s24 =	sadd.s32 $0x140, s6  }
0xf: {  	s6 =	sadd.s32 $0xF0, s6;
	s0 =	sadd.s32 s7, s0;
	s9 =	sshrl.u32 s9, $0x3  }
0x10: {  	s25 =	sshrl.u32 s24, $0x3;
	s7 =	smax.u32 s26, $0x1;
	s6 =	sshrl.u32 s6, $0x3  }
0x11: {  	s24 =	simm.s32 $0x480;
	s17 =	sadd.s32 s11, s9;
	s8 =	sadd.s32 s3, s9  }
0x12: {  	s18 =	sadd.s32 $0xA, s9;
	s19 =	sadd.s32 $0x14, s9;
	[dreg:$0xe] =	wrdreg s7  }
0x13: {  	s9 =	sadd.s32 $0x1E, s9;
	s23 =	sadd.s32 $0x10000, s0;
	[dreg:$0x6] =	wrdreg s17  }
0x14: {  	s0 =	sadd.s32 $0x60000, s0;
	s26 =	sadd.s32 s25, s3;
	[dreg:$0xc] =	wrdreg s23  }
0x15: {  	s15 =	sadd.s32 s25, s11;
	s7 =	simm.s32 $0x5;
	[dreg:$0xd] =	wrdreg s0  }
0x16: {  	s12 =	sadd.s32 s11, s18;
	s10 =	sadd.s32 s3, s18;
	[dreg:$0xf] =	wrdreg s26  }
0x17: {  	s14 =	sadd.s32 s11, s19;
	s16 =	sadd.s32 s11, s9;
	[dreg:$0x7] =	wrdreg s12  }
0x18: {  	s9 =	sadd.s32 s3, s9;
	s23 =	simm.s32 $0x400;
	[dreg:$0x8] =	wrdreg s14  }
0x19: {  	s0 =	simm.s32 $0x9;
	s11 =	simm.s32 $0x8;
	[dreg:$0x9] =	wrdreg s16  }
0x1a: {  	s12 =	sadd.s32 s3, s19;
	[dreg:$0xa] =	wrdreg s9;
	s9 =	sadd.s32 s21, s2  }
0x1b: {  	s16 =	sor.u32 $0x1C15, s22;
	s22 =	sadd.s32 s6, s3;
	s3 =	simm.s32 $0x50  }
0x1c: {  	s6 =	simm.s32 $0xB;
	[dreg:$0xb] =	wrdreg s9;
	s9 =	simm.s32 $0x7  }
.LBB2_1:
0x1d: {  	s14 =	rddreg [dreg:$0x6]  }
0x1e: {  	[tilespmem:s4], [sflag:$0x9] =	stream.linear.gather [hbm4b:s14+s4], $0x50, $0x38;
	[tilespmem:$0x1E800] =	vst v63  }
0x1f: {  	_ = 	snop  }
0x20: {  	[tilespmem:s23], [sflag:$0xF] =	stream.linear.gather [hbm4b:s8+s4], $0x50, $0x38;
	[tilespmem:$0x1E800] =	vst v63  }
0x21: {  	s18 =	rddreg [dreg:$0x7];
	s17 =	simm.s32 $0x80  }
0x22: {  	[tilespmem:s17], [sflag:$0xA] =	stream.linear.gather [hbm4b:s18+s4], $0x50, $0x38;
	[tilespmem:$0x1E800] =	vst v63  }
0x23: {  	_ = 	snop  }
0x24: {  	[tilespmem:s24], [sflag:$0x10] =	stream.linear.gather [hbm4b:s10+s4], $0x50, $0x38;
	[tilespmem:$0x1E800] =	vst v63  }
0x25: {  	s19 =	rddreg [dreg:$0x8];
	s18 =	simm.s32 $0x100  }
0x26: {  	[tilespmem:s18], [sflag:$0xB] =	stream.linear.gather [hbm4b:s19+s4], $0x50, $0x38;
	[tilespmem:$0x1E800] =	vst v63  }
0x27: {  	s20 =	rddreg [dreg:$0x9]  }
0x28: {  	[tilespmem:s28], [sflag:$0x11] =	stream.linear.gather [hbm4b:s12+s4], $0x50, $0x38;
	[tilespmem:$0x1E800] =	vst v63  }
0x29: {  	s24 =	rddreg [dreg:$0xb];
	s19 =	simm.s32 $0x180  }
0x2a: {  	[tilespmem:s19], [sflag:$0xC] =	stream.linear.gather [hbm4b:s20+s4], $0x50, $0x38;
	[tilespmem:$0x1E800] =	vst v63  }
0x2b: {  	s21 =	rddreg [dreg:$0xa];
	s23 =	simm.s32 $0x580;
	s14 =	sshrl.u32 s24, $0x3  }
0x2c: {  	[tilespmem:s23], [sflag:$0x12] =	stream.linear.gather [hbm4b:s21+s4], $0x50, $0x38;
	[tilespmem:$0x1E800] =	vst v63  }
0x2d: {  	[spmem:s14], [sflag:s16] =	dma.local [hbm:s5], $0x2800  }
0x2e: {  	_ =	swait.ge [sflag:s31], $0x2800  }
0x2f: {  	[sflag:s31] =	ssyncset.done $0x0  }
0x30: {  	[sflag:s31] =	ssyncadd.s32 $0xFFFFD800  }
0x31: {  	_ =	swait.ge [sflag:s0], $0x50  }
0x32: {  	[sflag:s0] =	ssyncset.done $0x0  }
0x33: {  	[sflag:s0] =	ssyncadd.s32 $0xFFFFFFB0  }
0x34: {  	[tilespmem:s29], [sflag:$0x1] =	stream.indirect.gather [hbm4b:s1+s3], $0x80, s4, s3, $0xb8;
	[tilespmem:$0x1E800] =	vst v63  }
0x35: {  	_ =	swait.ge [sflag:s30], $0x50  }
0x36: {  	[sflag:s30] =	ssyncset.done $0x0  }
0x37: {  	s25 =	simm.s32 $0x3000;
	[sflag:s30] =	ssyncadd.s32 $0xFFFFFFB0  }
0x38: {  	[tilespmem:s25], [sflag:$0x2] =	stream.indirect.gather [hbm4b:s1+s3], $0x80, s17, s3, $0xb8;
	[tilespmem:$0x1E800] =	vst v63  }
0x39: {  	_ =	swait.ge [sflag:s6], $0x50  }
.Ltmp0:
0x3a: {  	[sflag:s6] =	ssyncset.done $0x0;
	(pc) =	sbr.rel .LBB2_2-.Ltmp0, $4  }
0x3b: {  	s26 =	simm.s32 $0x5800;
	[sflag:s6] =	ssyncadd.s32 $0xFFFFFFB0  }
0x3c: {  	[tilespmem:s26], [sflag:$0x3] =	stream.indirect.gather [hbm4b:s1+s3], $0x80, s18, s3, $0xb8;
	[tilespmem:$0x1E800] =	vst v63  }
0x3d: {  	[bflag:$0x0] =	sbarrier.arrive $0xFFFF  }
0x3e: {  	s21 =	smov.u32 s15;
	s18 =	simm.s32 $0x0;
	s20 =	rddreg [dreg:$0xf]  }
.LBB2_3:
0x3f: {  	s25 =	sadd.s32 $0x2AC, s23  }
0x40: {  	s25 =	sshrl.u32 s25, $0xA  }
0x41: {  	s25 =	sand.u32 $0x3F, s25  }
0x42: {  	s25 =	smul.u32 $0x6, s25;
	_ =	sdelay $0x1  }
0x43: {  	s25 =	ssub.s32 s18, s25  }
0x44: {  	s25 =	sadd.s32 $0x4, s25  }
0x45: {  	s25 =	sand.u32 $0xFF, s25  }
0x46: {  	s17 =	sshll.u32 s25, $0x7;
	s26 =	sadd.s32 $0x9, s25  }
0x47: {  	[tilespmem:s17], [sflag:s26] =	stream.linear.gather [hbm4b:s21+s4], $0x50, $0x38;
	[tilespmem:$0x1E800] =	vst v63  }
0x48: {  	s26 =	sadd.s32 $0x201, s23  }
0x49: {  	s26 =	sshrl.u32 s26, $0xA  }
0x4a: {  	s26 =	sand.u32 $0x3F, s26  }
0x4b: {  	s25 =	sadd.s32 $0xF, s25;
	s17 =	sor.u32 $0x400, s17;
	s26 =	smul.u32 $0x6, s26  }
0x4c: {  	[tilespmem:s17], [sflag:s25] =	stream.linear.gather [hbm4b:s20+s4], $0x50, $0x38;
	[tilespmem:$0x1E800] =	vst v63  }
0x4d: {  	s26 =	ssub.s32 s18, s26  }
0x4e: {  	s17 =	sadd.s32 $0x3, s26  }
0x4f: {  	s24 =	simm.s32 @p0 $0x3;
	s25 =	sand.u32 $0xFF, s17  }
.LBB2_6:
0x50: {  	s17 =	sadd.s32 $0x9, s25;
	s26 =	smul.u32 $0xA000, s24  }
0x51: {  	_ =	swait.ge [sflag:s17], $0x50  }
0x52: {  	s25 =	sshll.u32 s25, $0x7;
	[sflag:s17] =	ssyncset.done $0x0;
	s26 =	sshrl.u32 s26, $0x2  }
0x53: {  	[sflag:s17] =	ssyncadd.s32 $0xFFFFFFB0;
	s17 =	sadd.s32 $0x800, s26;
	s26 =	sadd.s32 $0x1, s24  }
0x54: {  	[tilespmem:s17], [sflag:s26] =	stream.indirect.gather [hbm4b:s1+s3], $0x80, s25, s3, $0xb8;
	[tilespmem:$0x1E800] =	vst v63  }
.LBB2_7:
0x55: {  	s17 =	sshrl.u32 s23, $0xA  }
0x56: {  	s17 =	sand.u32 $0x3F, s17  }
0x57: {  	s17 =	smul.u32 $0x6, s17;
	_ =	sdelay $0x1  }
0x58: {  	s17 =	ssub.s32 s18, s17;
	s18 =	sadd.s32 $0x1, s18  }
0x59: {  	s25 =	smul.u32 $0xA000, s19;
	s17 =	sand.u32 $0xFF, s17;
	p0 =	sne.s32 s18, $0x7D  }
.Ltmp1:
0x5a: {  	s26 =	sadd.s32 $0x5, s19;
	s24 =	sadd.s32 $0xF, s17;
	(pc) =	sbr.rel @!p0 .LBB2_8-.Ltmp1, $4  }
0x5b: {  	s20 =	sadd.s32 $0xA, s20;
	s21 =	sadd.s32 $0xA, s21;
	_ =	swait.ge [sflag:s24], $0x50  }
0x5c: {  	s23 =	sshrl.u32 s25, $0x2;
	s17 =	sshll.u32 s17, $0x7;
	[sflag:s24] =	ssyncset.done $0x0  }
0x5d: {  	s23 =	sadd.s32 $0x800, s23;
	s17 =	sadd.s32 $0x400, s17;
	[sflag:s24] =	ssyncadd.s32 $0xFFFFFFB0  }
0x5e: {  	[spmem:s2] =	stream.indirect.scatter.add.f32 [tilespmem:s23], [sflag:s26], $0x80, s17, s3, $0xb8;
	[tilespmem:$0x1E800] =	vst v63  }
.LBB2_2:
0x5f: {  	s19 =	sand.u32 $0x3, s18;
	p0 =	seq.s32 s18, $0x0  }
0x60: {  	s23 =	sadd.s32 $0x1, s19;
	p1 =	sgt.u32 @!p0 s18, $0x78  }
0x61: {  	s24 =	sadd.s32 @!p0 $0xFFFFFFFF, s18;
	_ =	swait.ge [sflag:s23], $0x2800;
	p1 =	por p0, !p1  }
.Ltmp2:
0x62: {  	s24 =	sand.u32 @!p0 $0x3, s24;
	[sflag:s23] =	ssyncset.done $0x0;
	(pc) =	sbr.rel @p1 .LBB2_3-.Ltmp2, $4  }
0x63: {  	s25 =	sadd.s32 @!p0 $0x5, s24;
	[sflag:s23] =	ssyncadd.s32 $0xFFFFD800  }
0x64: {  	_ =	swait.ge @!p0 [sflag:s25], $0x2800  }
0x65: {  	s23 =	smul.u32 $0xAB, s18;
	[sflag:s25] =	ssyncset.done @!p0 $0x0  }
0x66: {  	[sflag:s25] =	ssyncadd.s32 @!p0 $0xFFFFD800  }
0x67: {  	p0 =	sne.s32 s18, $0x79  }
.Ltmp3:
0x68: {  	_ = 	snop;
	(pc) =	sbr.rel @p0 .LBB2_7-.Ltmp3, $1  }
0x69: {  	_ =	sdelay $0x3  }
.Ltmp4:
0x6a: {  	(pc) =	sbr.rel .LBB2_6-.Ltmp4, $2  }
0x6b: {  	_ =	sdelay $0x2  }
0x6c: {  	s25 =	simm.s32 $0x4;
	s24 =	simm.s32 $0x0  }
.LBB2_8:
0x6d: {  	_ =	swait.ge [sflag:s7], $0x2800  }
0x6e: {  	[sflag:s7] =	ssyncset.done $0x0  }
0x6f: {  	[sflag:s7] =	ssyncadd.s32 $0xFFFFD800  }
0x70: {  	[bflag:$0x0] =	sbarrier.arrive $0xFFFF  }
0x71: {  	s17 =	rddreg [dreg:$0xc]  }
0x72: {  	[hbm:s17], [sflag:s16] =	dma.local [spmem:s14], $0x2800  }
0x73: {  	_ =	swait.ge [sflag:s31], $0x2800  }
0x74: {  	[sflag:s31] =	ssyncset.done $0x0  }
0x75: {  	[sflag:s31] =	ssyncadd.s32 $0xFFFFD800  }
0x76: {  	[spmem:s14], [sflag:s16] =	dma.local [hbm:s5], $0x2800  }
0x77: {  	_ =	swait.ge [sflag:s31], $0x2800  }
0x78: {  	[sflag:s31] =	ssyncset.done $0x0  }
0x79: {  	s26 =	rddreg [dreg:$0x5];
	[sflag:s31] =	ssyncadd.s32 $0xFFFFD800  }
0x7a: {  	[tilespmem:s29], [sflag:$0x15] =	stream.linear.gather [hbm4b:s26+s4], $0x2800, $0x38;
	[tilespmem:$0x1E800] =	vst v63  }
0x7b: {  	_ =	swait.ge [sflag:s31], $0x2800  }
0x7c: {  	[sflag:s31] =	ssyncset.done $0x0  }
0x7d: {  	s23 =	simm.s32 $0x400;
	[sflag:s31] =	ssyncadd.s32 $0xFFFFD800  }
0x7e: {  	[tilespmem:s23], [sflag:$0xF] =	stream.linear.gather [hbm4b:s8+s4], $0x50, $0x38;
	[tilespmem:$0x1E800] =	vst v63  }
0x7f: {  	s24 =	simm.s32 $0x480  }
0x80: {  	[tilespmem:s24], [sflag:$0x10] =	stream.linear.gather [hbm4b:s10+s4], $0x50, $0x38;
	[tilespmem:$0x1E800] =	vst v63  }
0x81: {  	_ = 	snop  }
0x82: {  	[tilespmem:s28], [sflag:$0x11] =	stream.linear.gather [hbm4b:s12+s4], $0x50, $0x38;
	[tilespmem:$0x1E800] =	vst v63  }
0x83: {  	s18 =	simm.s32 $0x3;
	s19 =	smov.u32 s22;
	[bflag:$0x0] =	sbarrier.arrive $0xFFFF  }
.LBB2_9:
0x84: {  	s20 =	sadd.s32 $0xFFFFFFFD, s18  }
0x85: {  	s17 =	sadd.s32 $0xFFFFFFFE, s18;
	p0 =	slt.u32 s20, $0x3  }
0x86: {  	s17 =	sand.u32 @!p0 $0x3, s17  }
0x87: {  	s17 =	sadd.s32 @!p0 $0x5, s17  }
0x88: {  	p1 =	sgt.u32 @!p0 s20, $0x79;
	_ =	swait.ge @!p0 [sflag:s17], $0x2800  }
0x89: {  	p1 =	por p0, !p1;
	[sflag:s17] =	ssyncset.done @!p0 $0x0  }
0x8a: {  	[sflag:s17] =	ssyncadd.s32 @!p0 $0xFFFFD800;
	s17 =	smul.u32 @p1 $0xAB, s18;
	_ =	sdelay $0x1  }
0x8b: {  	s17 =	sshrl.u32 @p1 s17, $0xA  }
0x8c: {  	s17 =	sand.u32 @p1 $0x3F, s17  }
0x8d: {  	s17 =	smul.u32 @p1 $0x6, s17;
	_ =	sdelay $0x1  }
0x8e: {  	s17 =	ssub.s32 @p1 s18, s17  }
0x8f: {  	s17 =	sand.u32 @p1 $0xFF, s17  }
0x90: {  	s21 =	sshll.u32 @p1 s17, $0x7  }
0x91: {  	s25 =	smul.u32 $0xAB, s20;
	s17 =	sadd.s32 @p1 $0xF, s17;
	s21 =	sor.u32 @p1 $0x400, s21  }
0x92: {  	[tilespmem:s21], [sflag:s17] =	stream.linear.gather @p1 [hbm4b:s19+s4], $0x50, $0x38;
	[tilespmem:$0x1E800] =	vst v63  }
0x93: {  	s17 =	sshrl.u32 s25, $0xA  }
0x94: {  	s17 =	sand.u32 $0x3F, s17  }
0x95: {  	s17 =	smul.u32 $0x6, s17;
	_ =	sdelay $0x1  }
0x96: {  	s18 =	sadd.s32 $0x1, s18;
	s17 =	ssub.s32 s20, s17  }
0x97: {  	p0 =	sne.s32 s18, $0x80;
	s17 =	sand.u32 $0xFF, s17  }
.Ltmp5:
0x98: {  	s26 =	sadd.s32 $0xF, s17;
	(pc) =	sbr.rel @p0 .LBB2_9-.Ltmp5, $4  }
0x99: {  	s19 =	sadd.s32 $0xA, s19;
	_ =	swait.ge [sflag:s26], $0x50  }
0x9a: {  	s20 =	sand.u32 $0x3, s20;
	s17 =	sshll.u32 s17, $0x7;
	[sflag:s26] =	ssyncset.done $0x0  }
0x9b: {  	s20 =	sadd.s32 $0x5, s20;
	s17 =	sadd.s32 $0x400, s17;
	[sflag:s26] =	ssyncadd.s32 $0xFFFFFFB0  }
0x9c: {  	[spmem:s2] =	stream.indirect.scatter.add.f32 [tilespmem:s29], [sflag:s20], $0x80, s17, s3, $0xb8;
	[tilespmem:$0x1E800] =	vst v63  }
0x9d: {  	_ =	swait.ge [sflag:s9], $0x2800  }
0x9e: {  	[sflag:s9] =	ssyncset.done $0x0  }
0x9f: {  	[sflag:s9] =	ssyncadd.s32 $0xFFFFD800  }
0xa0: {  	_ =	swait.ge [sflag:s11], $0x2800  }
0xa1: {  	[sflag:s11] =	ssyncset.done $0x0  }
0xa2: {  	[sflag:s11] =	ssyncadd.s32 $0xFFFFD800  }
0xa3: {  	_ =	swait.ge [sflag:s7], $0x2800  }
0xa4: {  	[sflag:s7] =	ssyncset.done $0x0  }
0xa5: {  	[sflag:s7] =	ssyncadd.s32 $0xFFFFD800  }
0xa6: {  	[bflag:$0x0] =	sbarrier.arrive $0xFFFF  }
0xa7: {  	s17 =	rddreg [dreg:$0xd]  }
0xa8: {  	[hbm:s17], [sflag:s16] =	dma.local [spmem:s14], $0x2800  }
0xa9: {  	_ =	swait.ge [sflag:s31], $0x2800  }
0xaa: {  	s13 =	sadd.s32 $0x1, s13;
	s26 =	rddreg [dreg:$0xe]  }
0xab: {  	p0 =	sne.s32 s13, s26  }
.Ltmp6:
0xac: {  	_ = 	snop;
	(pc) =	sbr.rel @p0 .LBB2_1-.Ltmp6, $3  }
0xad: {  	_ =	sdelay $0x1  }
0xae: {  	[sflag:s31] =	ssyncset.done $0x0  }
0xaf: {  	[sflag:s31] =	ssyncadd.s32 $0xFFFFD800  }
0xb0: {  	_ =	sfence.sel $0x180000  }
0xb1: {  	[bflag:$0x0] =	sbarrier.arrive $0xFFFF  }
0xb2: {  	_ =	strace $0x90000047  }
0xb3: {  	s0 =	stileid.u32;
	[bflag:$0x2] =	sbarrier.arrive $0xFFFF  }
0xb4: {  	p0 =	sne.s32 s0, $0x0;
	s0 =	rddreg [dreg:$0x4]  }
0xb5: {  	s0 =	sadd.s32 @!p0 $0x100000, s0  }
0xb6: {  	[sflag:s0] =	ssyncadd.tile.s32 @!p0 $0x1;
	_ =	shalt  }
.Lfunc_end2:
_tile_overlayer_lowered:
.L_overlay_start_2:
0xb7: {  	(tag) =	ssettag $0x2  }
0xb8: {  	s0 =	rddreg [dreg:$0x0];
	s2 =	stileid.u32  }
0xb9: {  	s1 =	rddreg [dreg:$0x1];
	p0 =	sne.s32 s2, $0x0  }
0xba: {  	s3 =	rddreg [dreg:$0x2];
	[bflag:$0x3] =	sbarrier.arrive $0xFFFF;
	s2 =	simm.s32 @!p0 $0x1C15  }
0xbb: {  	[timem:s3], [sflag:s2] =	dma.local @!p0 [hbm:s0], s1  }
0xbc: {  	s0 =	simm.s32 @!p0 $0x15  }
0xbd: {  	_ =	swait.ge @!p0 [sflag:s0], s1  }
0xbe: {  	s1 =	ssub.s32 @!p0 $0x0, s1;
	[sflag:s0] =	ssyncset.done @!p0 $0x0  }
0xbf: {  	[sflag:s0] =	ssyncadd.s32 @!p0 s1  }
0xc0: {  	[bflag:$0x3] =	sbarrier.arrive $0xFFFF  }
0xc1: {  	_ =	shalt  }

</sc_bundles>
